<compile_context>
chip_gen: v7x
topology: tpu7x:2x2x1
jax: 0.10.2.dev20260603
libtpu: 0.0.44.dev20260713+nightly
codegen_flags: <defaults>
</compile_context>

<pallas_src>
import functools

import jax
import jax.numpy as jnp
from jax import lax
from jax.experimental import pallas as pl
from jax.experimental.pallas import tpu as pltpu
from jax.experimental.pallas import tpu_sc as plsc

N = 50000
NPAD = 51200
E = 1600000
IN_DIM = 128
HID_DIM = 256
OUT_DIM = 47
PAD_DIM = 64
HALF = 32
K = 10

BN = 1000
BC = 800
EB = 400
NT = 16
NC = 2
NCHUNK = NPAD // NT
SUB = 128
NSUB = NCHUNK // SUB
ET = E // NT
NB = ET // EB
L = 16



def _mlp_body(x_ref, w1_ref, b1_ref, w2_ref, b2_ref, w3_ref, b3_ref, o_ref):
    x = x_ref[...]
    h = jnp.maximum(jnp.dot(x, w1_ref[...], preferred_element_type=jnp.float32)
                    + b1_ref[...][None, :], 0.0)
    h = jnp.maximum(jnp.dot(h, w2_ref[...], preferred_element_type=jnp.float32)
                    + b2_ref[...][None, :], 0.0)
    o_ref[...] = (jnp.dot(h, w3_ref[...], preferred_element_type=jnp.float32)
                  + b3_ref[...][None, :])


def _mlp(feats, W1, b1, W2, b2, W3p, b3p):
    return pl.pallas_call(
        _mlp_body,
        grid=(N // BN,),
        in_specs=[
            pl.BlockSpec((BN, IN_DIM), lambda i: (i, 0)),
            pl.BlockSpec((IN_DIM, HID_DIM), lambda i: (0, 0)),
            pl.BlockSpec((HID_DIM,), lambda i: (0,)),
            pl.BlockSpec((HID_DIM, HID_DIM), lambda i: (0, 0)),
            pl.BlockSpec((HID_DIM,), lambda i: (0,)),
            pl.BlockSpec((HID_DIM, PAD_DIM), lambda i: (0, 0)),
            pl.BlockSpec((PAD_DIM,), lambda i: (0,)),
        ],
        out_specs=pl.BlockSpec((BN, PAD_DIM), lambda i: (i, 0)),
        out_shape=jax.ShapeDtypeStruct((N, PAD_DIM), jnp.float32),
        compiler_params=pltpu.CompilerParams(
            dimension_semantics=("parallel",)),
    )(feats, W1, b1, W2, b2, W3p, b3p)



def _zero16(ref, base):
    ref[pl.ds(base, L)] = jnp.zeros((L,), jnp.float32)


def _splat(ref, idx):
    return plsc.load_gather(ref, [jnp.full((L,), idx, jnp.int32)])


def _sc_body(src_hbm, dst_hbm, h_hbm,
             s_out, deg_out, pA, pB,
             agg, degS,
             sbuf, sbuf1, dbuf, dbuf1, rbuf, abuf, ivd, dch, ones,
             sem, sem_s0, sem_s1, sem_d0, sem_d1):
    cid = lax.axis_index("c")
    sid = lax.axis_index("s")
    nbase = sid * NCHUNK
    ebase = sid * ET
    coff = cid * NPAD
    sbufs = (sbuf, sbuf1)
    dbufs = (dbuf, dbuf1)
    sem_s = (sem_s0, sem_s1)
    sem_d = (sem_d0, sem_d1)

    def zero_rbuf():
        @pl.loop(0, EB * 2, unroll=4)
        def _(i):
            rbuf[i // 2, pl.ds((i % 2) * L, L)] = jnp.zeros((L,), jnp.float32)

    @pl.loop(0, NCHUNK // L, unroll=4)
    def _(i):
        _zero16(ivd, i * L)

    @pl.loop(0, EB // L, unroll=4)
    def _(i):
        ones[pl.ds(i * L, L)] = jnp.ones((L,), jnp.float32)

    pltpu.sync_copy(ivd, degS.at[pl.ds(nbase, NCHUNK)])
    plsc.subcore_barrier()

    @pl.loop(0, NB)
    def _(i):
        pltpu.sync_copy(dst_hbm.at[pl.ds(ebase + i * EB, EB)], dbuf)
        pltpu.sync_copy(ones, degS.at[dbuf], add=True)

    plsc.subcore_barrier()

    pltpu.sync_copy(degS.at[pl.ds(nbase, NCHUNK)], dch)

    @pl.when(cid == 0)
    def _():
        pltpu.sync_copy(dch, deg_out.at[pl.ds(nbase, NCHUNK)])

    @pl.loop(0, NCHUNK // L, unroll=2)
    def _(i):
        v = dch[pl.ds(i * L, L)]
        bits = plsc.bitcast(v, jnp.int32)
        y = plsc.bitcast(0x5F3759DF - (bits >> 1), jnp.float32)
        y = y * (1.5 - 0.5 * v * y * y)
        y = y * (1.5 - 0.5 * v * y * y)
        y = y * (1.5 - 0.5 * v * y * y)
        ivd[pl.ds(i * L, L)] = 1.0 / v
        dch[pl.ds(i * L, L)] = y

    zero_rbuf()

    @pl.loop(0, NSUB)
    def _(j):
        rb = nbase + j * SUB
        pltpu.sync_copy(h_hbm.at[pl.ds(coff + rb, SUB)], abuf)

        @pl.loop(0, SUB, unroll=2)
        def _(r):
            sc = _splat(dch, j * SUB + r)
            abuf[r, pl.ds(0, L)] = abuf[r, pl.ds(0, L)] * sc
            abuf[r, pl.ds(L, L)] = abuf[r, pl.ds(L, L)] * sc

        pltpu.sync_copy(abuf, pA.at[pl.ds(coff + rb, SUB)])
        pltpu.sync_copy(rbuf.at[pl.ds(0, SUB), :], agg.at[pl.ds(rb, SUB)])

    plsc.subcore_barrier()

    def i_start(i, b):
        e0 = ebase + i * EB
        pltpu.async_copy(src_hbm.at[pl.ds(e0, EB)], sbufs[b], sem_s[b])
        pltpu.async_copy(dst_hbm.at[pl.ds(e0, EB)], dbufs[b], sem_d[b])

    def i_wait(b):
        pltpu.make_async_copy(src_hbm.at[pl.ds(ebase, EB)], sbufs[b],
                              sem_s[b]).wait()
        pltpu.make_async_copy(dst_hbm.at[pl.ds(ebase, EB)], dbufs[b],
                              sem_d[b]).wait()

    def addcoff(b):
        @pl.loop(0, EB // L, unroll=4)
        def _(q):
            sbufs[b][pl.ds(q * L, L)] = sbufs[b][pl.ds(q * L, L)] + coff

    def do_batch(b, tab):
        addcoff(b)
        g = pltpu.async_copy(tab.at[sbufs[b]], rbuf, sem)
        g.wait()
        pltpu.sync_copy(rbuf, agg.at[dbufs[b]], add=True)

    def scatter_pass(tab):
        i_start(0, 0)

        @pl.loop(0, NB // 2)
        def _(kk):
            i0 = 2 * kk
            i_wait(0)
            i_start(i0 + 1, 1)
            do_batch(0, tab)
            i_wait(1)
            i_start(i0 + 2, 0)
            do_batch(1, tab)

        i_wait(0)
        plsc.subcore_barrier()

    def rescale_pass(k, tab_w):
        zero_rbuf()

        @pl.loop(0, NSUB)
        def _(j):
            rb = nbase + j * SUB

            @pl.when(j > 0)
            def _():
                pltpu.make_async_copy(
                    abuf, s_out.at[k].at[pl.ds(coff + nbase, SUB)],
                    sem_s0).wait()

            pltpu.sync_copy(agg.at[pl.ds(rb, SUB)], abuf)
            pltpu.sync_copy(rbuf.at[pl.ds(0, SUB), :], agg.at[pl.ds(rb, SUB)])
            pltpu.async_copy(abuf, s_out.at[k].at[pl.ds(coff + rb, SUB)],
                             sem_s0)

            @pl.when(j > 0)
            def _():
                pltpu.make_async_copy(
                    rbuf.at[pl.ds(2 * SUB, SUB), :],
                    tab_w.at[pl.ds(coff + nbase, SUB)], sem_s1).wait()

            @pl.loop(0, SUB, unroll=2)
            def _(r):
                sc = _splat(ivd, j * SUB + r)
                rbuf[2 * SUB + r, pl.ds(0, L)] = abuf[r, pl.ds(0, L)] * sc
                rbuf[2 * SUB + r, pl.ds(L, L)] = abuf[r, pl.ds(L, L)] * sc

            pltpu.async_copy(rbuf.at[pl.ds(2 * SUB, SUB), :],
                             tab_w.at[pl.ds(coff + rb, SUB)], sem_s1)

        pltpu.make_async_copy(abuf, s_out.at[k].at[pl.ds(coff + nbase, SUB)],
                              sem_s0).wait()
        pltpu.make_async_copy(rbuf.at[pl.ds(2 * SUB, SUB), :],
                              tab_w.at[pl.ds(coff + nbase, SUB)],
                              sem_s1).wait()
        plsc.subcore_barrier()

    @pl.loop(0, K // 2)
    def _(kk):
        scatter_pass(pA)
        rescale_pass(2 * kk, pB)
        scatter_pass(pB)
        rescale_pass(2 * kk + 1, pA)


def _sc_hops(src, dst, h2):
    mesh = plsc.VectorSubcoreMesh(core_axis_name="c", subcore_axis_name="s",
                                  num_cores=NC, num_subcores=NT)
    f = functools.partial(
        pl.kernel,
        out_type=[
            jax.ShapeDtypeStruct((K, NC * NPAD, HALF), jnp.float32),
            jax.ShapeDtypeStruct((NPAD,), jnp.float32),
            jax.ShapeDtypeStruct((NC * NPAD, HALF), jnp.float32),
            jax.ShapeDtypeStruct((NC * NPAD, HALF), jnp.float32),
        ],
        mesh=mesh,
        scratch_types=[
            pltpu.MemorySpace.VMEM_SHARED((NPAD, HALF), jnp.float32),
            pltpu.MemorySpace.VMEM_SHARED((NPAD,), jnp.float32),
            pltpu.VMEM((EB,), jnp.int32),
            pltpu.VMEM((EB,), jnp.int32),
            pltpu.VMEM((EB,), jnp.int32),
            pltpu.VMEM((EB,), jnp.int32),
            pltpu.VMEM((EB, HALF), jnp.float32),
            pltpu.VMEM((SUB, HALF), jnp.float32),
            pltpu.VMEM((NCHUNK,), jnp.float32),
            pltpu.VMEM((NCHUNK,), jnp.float32),
            pltpu.VMEM((EB,), jnp.float32),
            pltpu.SemaphoreType.DMA,
            pltpu.SemaphoreType.DMA,
            pltpu.SemaphoreType.DMA,
            pltpu.SemaphoreType.DMA,
            pltpu.SemaphoreType.DMA,
        ],
        compiler_params=pltpu.CompilerParams(needs_layout_passes=False,
                                             use_tc_tiling_on_sc=False),
    )(_sc_body)
    return f(src, dst, h2)



def _combine_body(deg_ref, h_ref, s_ref, sv_ref, o_ref):
    norm = lax.rsqrt(deg_ref[...])
    sv = sv_ref[...]
    f0 = h_ref[...]
    w0 = jax.nn.sigmoid(jnp.sum(f0 * sv, axis=1, keepdims=True))
    acc = w0 * f0
    for k in range(K):
        fk = jnp.concatenate([s_ref[k, 0], s_ref[k, 1]], axis=1) * norm
        wk = jax.nn.sigmoid(jnp.sum(fk * sv, axis=1, keepdims=True))
        acc = acc + wk * fk
    o_ref[...] = acc


def _combine(deg, h, s_all, svp):
    return pl.pallas_call(
        _combine_body,
        grid=(NPAD // BC,),
        in_specs=[
            pl.BlockSpec((BC, 1), lambda i: (i, 0)),
            pl.BlockSpec((BC, PAD_DIM), lambda i: (i, 0)),
            pl.BlockSpec((K, 2, BC, HALF), lambda i: (0, 0, i, 0)),
            pl.BlockSpec((1, PAD_DIM), lambda i: (0, 0)),
        ],
        out_specs=pl.BlockSpec((BC, PAD_DIM), lambda i: (i, 0)),
        out_shape=jax.ShapeDtypeStruct((NPAD, PAD_DIM), jnp.float32),
        compiler_params=pltpu.CompilerParams(
            dimension_semantics=("parallel",)),
    )(deg, h, s_all, svp)


def kernel(feats, edge_index, W1, b1, W2, b2, W3, b3, s):
    src = jnp.pad(edge_index[0], (0, 2 * EB))
    dst = jnp.pad(edge_index[1], (0, 2 * EB))
    W3p = jnp.pad(W3, ((0, 0), (0, PAD_DIM - OUT_DIM)))
    b3p = jnp.pad(b3, (0, PAD_DIM - OUT_DIM))
    svp = jnp.pad(s[:, 0], (0, PAD_DIM - OUT_DIM))[None, :]

    h = _mlp(feats, W1, b1, W2, b2, W3p, b3p)
    hp = jnp.pad(h, ((0, NPAD - N), (0, 0)))
    h2 = jnp.concatenate([hp[:, :HALF], hp[:, HALF:]], axis=0)

    s_out, deg, _pa, _pb = _sc_hops(src, dst, h2)
    s_all = s_out.reshape(K, 2, NPAD, HALF)

    out = _combine(deg[:, None], hp, s_all, svp)
    return out[:N, :OUT_DIM]

# --- scband reference (transcript-rebuilt; emitter-appended) ---
"""Pipeline reference for scband-dagnn-1846835938002 (READ-ONLY COPY).

The authoritative reference and input builder live on the scoring server;
editing this copy changes nothing except your own understanding.
"""

import jax, jax.numpy as jnp
import numpy as np

N = 50000
E = 1600000
IN_DIM = 128
HID_DIM = 256
OUT_DIM = 47
K = 10


def _xavier(key, shape, gain=1.0):
    fan_in, fan_out = shape[0], shape[1]
    a = gain * np.sqrt(6.0 / (fan_in + fan_out))
    return jax.random.uniform(key, shape, dtype=jnp.float32, minval=-a, maxval=a)


def setup_inputs(seed: int = 0) -> dict:
    key = jax.random.key(seed)
    ks = jax.random.split(key, 8)
    feats = jax.random.normal(ks[0], (N, IN_DIM), dtype=jnp.float32)
    edge_index = jax.random.randint(ks[1], (2, E), 0, N, dtype=jnp.int32)
    relu_gain = float(np.sqrt(2.0))
    W1 = _xavier(ks[2], (IN_DIM, HID_DIM), gain=relu_gain)
    b1 = jnp.zeros((HID_DIM,), dtype=jnp.float32)
    W2 = _xavier(ks[3], (HID_DIM, HID_DIM), gain=relu_gain)
    b2 = jnp.zeros((HID_DIM,), dtype=jnp.float32)
    W3 = _xavier(ks[4], (HID_DIM, OUT_DIM), gain=1.0)
    b3 = jnp.zeros((OUT_DIM,), dtype=jnp.float32)
    s = _xavier(ks[5], (OUT_DIM, 1), gain=1.0)  # sigmoid gain = 1.0
    return {"feats": feats, "edge_index": edge_index, "W1": W1, "b1": b1,
            "W2": W2, "b2": b2, "W3": W3, "b3": b3, "s": s}


def reference(feats, edge_index, W1, b1, W2, b2, W3, b3, s):
    # MLP (dropout disabled in eval/reference mode)
    h = jax.nn.relu(feats @ W1 + b1)
    h = jax.nn.relu(h @ W2 + b2)
    h = h @ W3 + b3
    src = edge_index[0]
    dst = edge_index[1]
    # in-degrees of dst nodes (DGL copy_u/sum semantics: dst aggregates src feats)
    degs = jnp.bincount(dst, length=N).astype(jnp.float32)
    norm = jnp.power(degs, -0.5)[:, None]
    results = [h]
    f = h
    for _ in range(K):
        f = f * norm
        agg = jnp.zeros_like(f).at[dst].add(f[src])  # scatter-add message passing
        f = agg * norm
        results.append(f)
    H = jnp.stack(results, axis=1)               # [N, K+1, OUT_DIM]
    S = jax.nn.sigmoid(jnp.matmul(H, s))          # [N, K+1, 1]
    S = jnp.transpose(S, (0, 2, 1))               # [N, 1, K+1]
    out = jnp.matmul(S, H).squeeze()              # [N, OUT_DIM]
    return out

if __name__ == "__main__":
    import jax
    _d = setup_inputs()
    print(jax.jit(kernel)(*tuple(_d.values())))

</pallas_src>

<mosaic_0001>
#map = affine_map<(d0, d1) -> (0)>
#map1 = affine_map<(d0, d1) -> (0, 0)>
#map2 = affine_map<(d0, d1) -> (0, 0, 0)>
module attributes {stable_mosaic.version = 14 : i64} {
  func.func @_sc_body(%arg0: i32, %arg1: i32, %arg2: memref<1600800xi32, #tpu.memory_space<hbm>>, %arg3: memref<1600800xi32, #tpu.memory_space<hbm>>, %arg4: memref<102400x32xf32, #tpu.memory_space<hbm>>, %arg5: memref<10x102400x32xf32, #tpu.memory_space<hbm>>, %arg6: memref<51200xf32, #tpu.memory_space<hbm>>, %arg7: memref<102400x32xf32, #tpu.memory_space<hbm>>, %arg8: memref<102400x32xf32, #tpu.memory_space<hbm>>, %arg9: memref<51200x32xf32, #tpu.memory_space<vmem_shared>>, %arg10: memref<51200xf32, #tpu.memory_space<vmem_shared>>, %arg11: memref<400xi32, #tpu.memory_space<vmem>>, %arg12: memref<400xi32, #tpu.memory_space<vmem>>, %arg13: memref<400xi32, #tpu.memory_space<vmem>>, %arg14: memref<400xi32, #tpu.memory_space<vmem>>, %arg15: memref<400x32xf32, #tpu.memory_space<vmem>>, %arg16: memref<128x32xf32, #tpu.memory_space<vmem>>, %arg17: memref<3200xf32, #tpu.memory_space<vmem>>, %arg18: memref<3200xf32, #tpu.memory_space<vmem>>, %arg19: memref<400xf32, #tpu.memory_space<vmem>>, %arg20: memref<!tpu.dma_semaphore, #tpu.memory_space<semaphore_mem>>, %arg21: memref<!tpu.dma_semaphore, #tpu.memory_space<semaphore_mem>>, %arg22: memref<!tpu.dma_semaphore, #tpu.memory_space<semaphore_mem>>, %arg23: memref<!tpu.dma_semaphore, #tpu.memory_space<semaphore_mem>>, %arg24: memref<!tpu.dma_semaphore, #tpu.memory_space<semaphore_mem>>) attributes {dimension_semantics = [#tpu.dimension_semantics<core_parallel>, #tpu.dimension_semantics<subcore_parallel>], iteration_bounds = array<i64: 2, 16>, scalar_prefetch = 0 : i64, scratch_operands = 16 : i64, tpu.core_type = #tpu.core_type<sc_vector_subcore>, window_params = [{transform_indices = #map}, {transform_indices = #map}, {transform_indices = #map1}, {transform_indices = #map2}, {transform_indices = #map}, {transform_indices = #map1}, {transform_indices = #map1}]} {
    %mul3A = arith.constant 3200 : i32
    %mul3A_0 = arith.muli %arg1, %mul3A : i32
    %mul3A_1 = arith.constant 100000 : i32
    %mul3A_2 = arith.muli %arg1, %mul3A_1 : i32
    %mul3A_3 = arith.constant 51200 : i32
    %mul3A_4 = arith.muli %arg0, %mul3A_3 : i32
    %scan3A = arith.constant 0 : i32
    %scan3A_5 = arith.constant 200 : i32
    %scan3A_6 = arith.addi %scan3A, %scan3A_5 : i32
    %scan3A_7 = arith.constant 4 : i32
    scf.for %scan3A_52 = %scan3A to %scan3A_6 step %scan3A_7  : i32 {
      %mul3A_53 = arith.constant 1 : i32
      %mul3A_54 = arith.muli %scan3A_52, %mul3A_53 : i32
      %add3A_55 = arith.constant 0 : i32
      %add3A_56 = arith.addi %add3A_55, %mul3A_54 : i32
      %mul3A_57 = arith.constant 16 : i32
      %mul3A_58 = arith.muli %add3A_56, %mul3A_57 : i32
      %broadcast_in_dim3A_59 = arith.constant 0.000000e+00 : f32
      %broadcast_in_dim3A_60 = vector.broadcast %broadcast_in_dim3A_59 : f32 to vector<16xf32>
      %swap3A_61 = arith.index_cast %mul3A_58 : i32 to index
      %swap3A_62 = tpu.vector_load %arg17[%swap3A_61] {strides = array<i32>} : memref<3200xf32, #tpu.memory_space<vmem>>, vector<16xf32>,
      tpu.vector_store %arg17[%swap3A_61], %broadcast_in_dim3A_60 {strides = array<i32>} : memref<3200xf32, #tpu.memory_space<vmem>>, vector<16xf32>,
      %scan3A_63 = arith.constant 1 : i32
      %scan3A_64 = arith.addi %scan3A_52, %scan3A_63 : i32
      %mul3A_65 = arith.constant 1 : i32
      %mul3A_66 = arith.muli %scan3A_64, %mul3A_65 : i32
      %add3A_67 = arith.constant 0 : i32
      %add3A_68 = arith.addi %add3A_67, %mul3A_66 : i32
      %mul3A_69 = arith.constant 16 : i32
      %mul3A_70 = arith.muli %add3A_68, %mul3A_69 : i32
      %broadcast_in_dim3A_71 = arith.constant 0.000000e+00 : f32
      %broadcast_in_dim3A_72 = vector.broadcast %broadcast_in_dim3A_71 : f32 to vector<16xf32>
      %swap3A_73 = arith.index_cast %mul3A_70 : i32 to index
      %swap3A_74 = tpu.vector_load %arg17[%swap3A_73] {strides = array<i32>} : memref<3200xf32, #tpu.memory_space<vmem>>, vector<16xf32>,
      tpu.vector_store %arg17[%swap3A_73], %broadcast_in_dim3A_72 {strides = array<i32>} : memref<3200xf32, #tpu.memory_space<vmem>>, vector<16xf32>,
      %scan3A_75 = arith.constant 2 : i32
      %scan3A_76 = arith.addi %scan3A_52, %scan3A_75 : i32
      %mul3A_77 = arith.constant 1 : i32
      %mul3A_78 = arith.muli %scan3A_76, %mul3A_77 : i32
      %add3A_79 = arith.constant 0 : i32
      %add3A_80 = arith.addi %add3A_79, %mul3A_78 : i32
      %mul3A_81 = arith.constant 16 : i32
      %mul3A_82 = arith.muli %add3A_80, %mul3A_81 : i32
      %broadcast_in_dim3A_83 = arith.constant 0.000000e+00 : f32
      %broadcast_in_dim3A_84 = vector.broadcast %broadcast_in_dim3A_83 : f32 to vector<16xf32>
      %swap3A_85 = arith.index_cast %mul3A_82 : i32 to index
      %swap3A_86 = tpu.vector_load %arg17[%swap3A_85] {strides = array<i32>} : memref<3200xf32, #tpu.memory_space<vmem>>, vector<16xf32>,
      tpu.vector_store %arg17[%swap3A_85], %broadcast_in_dim3A_84 {strides = array<i32>} : memref<3200xf32, #tpu.memory_space<vmem>>, vector<16xf32>,
      %scan3A_87 = arith.constant 3 : i32
      %scan3A_88 = arith.addi %scan3A_52, %scan3A_87 : i32
      %mul3A_89 = arith.constant 1 : i32
      %mul3A_90 = arith.muli %scan3A_88, %mul3A_89 : i32
      %add3A_91 = arith.constant 0 : i32
      %add3A_92 = arith.addi %add3A_91, %mul3A_90 : i32
      %mul3A_93 = arith.constant 16 : i32
      %mul3A_94 = arith.muli %add3A_92, %mul3A_93 : i32
      %broadcast_in_dim3A_95 = arith.constant 0.000000e+00 : f32
      %broadcast_in_dim3A_96 = vector.broadcast %broadcast_in_dim3A_95 : f32 to vector<16xf32>
      %swap3A_97 = arith.index_cast %mul3A_94 : i32 to index
      %swap3A_98 = tpu.vector_load %arg17[%swap3A_97] {strides = array<i32>} : memref<3200xf32, #tpu.memory_space<vmem>>, vector<16xf32>,
      tpu.vector_store %arg17[%swap3A_97], %broadcast_in_dim3A_96 {strides = array<i32>} : memref<3200xf32, #tpu.memory_space<vmem>>, vector<16xf32>,
    }
    %scan3A_8 = arith.constant 200 : i32
    %scan3A_9 = arith.constant 0 : i32
    %scan3A_10 = arith.constant 24 : i32
    %scan3A_11 = arith.addi %scan3A_9, %scan3A_10 : i32
    %scan3A_12 = arith.constant 4 : i32
    scf.for %scan3A_52 = %scan3A_9 to %scan3A_11 step %scan3A_12  : i32 {
      %mul3A_53 = arith.constant 1 : i32
      %mul3A_54 = arith.muli %scan3A_52, %mul3A_53 : i32
      %add3A_55 = arith.constant 0 : i32
      %add3A_56 = arith.addi %add3A_55, %mul3A_54 : i32
      %broadcast_in_dim3A_57 = arith.constant 1.000000e+00 : f32
      %broadcast_in_dim3A_58 = vector.broadcast %broadcast_in_dim3A_57 : f32 to vector<16xf32>
      %mul3A_59 = arith.constant 16 : i32
      %mul3A_60 = arith.muli %add3A_56, %mul3A_59 : i32
      %swap3A_61 = arith.index_cast %mul3A_60 : i32 to index
      %swap3A_62 = tpu.vector_load %arg19[%swap3A_61] {strides = array<i32>} : memref<400xf32, #tpu.memory_space<vmem>>, vector<16xf32>,
      tpu.vector_store %arg19[%swap3A_61], %broadcast_in_dim3A_58 {strides = array<i32>} : memref<400xf32, #tpu.memory_space<vmem>>, vector<16xf32>,
      %scan3A_63 = arith.constant 1 : i32
      %scan3A_64 = arith.addi %scan3A_52, %scan3A_63 : i32
      %mul3A_65 = arith.constant 1 : i32
      %mul3A_66 = arith.muli %scan3A_64, %mul3A_65 : i32
      %add3A_67 = arith.constant 0 : i32
      %add3A_68 = arith.addi %add3A_67, %mul3A_66 : i32
      %broadcast_in_dim3A_69 = arith.constant 1.000000e+00 : f32
      %broadcast_in_dim3A_70 = vector.broadcast %broadcast_in_dim3A_69 : f32 to vector<16xf32>
      %mul3A_71 = arith.constant 16 : i32
      %mul3A_72 = arith.muli %add3A_68, %mul3A_71 : i32
      %swap3A_73 = arith.index_cast %mul3A_72 : i32 to index
      %swap3A_74 = tpu.vector_load %arg19[%swap3A_73] {strides = array<i32>} : memref<400xf32, #tpu.memory_space<vmem>>, vector<16xf32>,
      tpu.vector_store %arg19[%swap3A_73], %broadcast_in_dim3A_70 {strides = array<i32>} : memref<400xf32, #tpu.memory_space<vmem>>, vector<16xf32>,
      %scan3A_75 = arith.constant 2 : i32
      %scan3A_76 = arith.addi %scan3A_52, %scan3A_75 : i32
      %mul3A_77 = arith.constant 1 : i32
      %mul3A_78 = arith.muli %scan3A_76, %mul3A_77 : i32
      %add3A_79 = arith.constant 0 : i32
      %add3A_80 = arith.addi %add3A_79, %mul3A_78 : i32
      %broadcast_in_dim3A_81 = arith.constant 1.000000e+00 : f32
      %broadcast_in_dim3A_82 = vector.broadcast %broadcast_in_dim3A_81 : f32 to vector<16xf32>
      %mul3A_83 = arith.constant 16 : i32
      %mul3A_84 = arith.muli %add3A_80, %mul3A_83 : i32
      %swap3A_85 = arith.index_cast %mul3A_84 : i32 to index
      %swap3A_86 = tpu.vector_load %arg19[%swap3A_85] {strides = array<i32>} : memref<400xf32, #tpu.memory_space<vmem>>, vector<16xf32>,
      tpu.vector_store %arg19[%swap3A_85], %broadcast_in_dim3A_82 {strides = array<i32>} : memref<400xf32, #tpu.memory_space<vmem>>, vector<16xf32>,
      %scan3A_87 = arith.constant 3 : i32
      %scan3A_88 = arith.addi %scan3A_52, %scan3A_87 : i32
      %mul3A_89 = arith.constant 1 : i32
      %mul3A_90 = arith.muli %scan3A_88, %mul3A_89 : i32
      %add3A_91 = arith.constant 0 : i32
      %add3A_92 = arith.addi %add3A_91, %mul3A_90 : i32
      %broadcast_in_dim3A_93 = arith.constant 1.000000e+00 : f32
      %broadcast_in_dim3A_94 = vector.broadcast %broadcast_in_dim3A_93 : f32 to vector<16xf32>
      %mul3A_95 = arith.constant 16 : i32
      %mul3A_96 = arith.muli %add3A_92, %mul3A_95 : i32
      %swap3A_97 = arith.index_cast %mul3A_96 : i32 to index
      %swap3A_98 = tpu.vector_load %arg19[%swap3A_97] {strides = array<i32>} : memref<400xf32, #tpu.memory_space<vmem>>, vector<16xf32>,
      tpu.vector_store %arg19[%swap3A_97], %broadcast_in_dim3A_94 {strides = array<i32>} : memref<400xf32, #tpu.memory_space<vmem>>, vector<16xf32>,
    }
    %scan3A_13 = arith.constant 24 : i32
    %scan3A_14 = arith.addi %scan3A_9, %scan3A_13 : i32
    %mul3A_15 = arith.constant 1 : i32
    %mul3A_16 = arith.muli %scan3A_14, %mul3A_15 : i32
    %add3A = arith.constant 0 : i32
    %add3A_17 = arith.addi %add3A, %mul3A_16 : i32
    %broadcast_in_dim3A = arith.constant 1.000000e+00 : f32
    %broadcast_in_dim3A_18 = vector.broadcast %broadcast_in_dim3A : f32 to vector<16xf32>
    %mul3A_19 = arith.constant 16 : i32
    %mul3A_20 = arith.muli %add3A_17, %mul3A_19 : i32
    %swap3A = arith.index_cast %mul3A_20 : i32 to index
    %swap3A_21 = tpu.vector_load %arg19[%swap3A] {strides = array<i32>} : memref<400xf32, #tpu.memory_space<vmem>>, vector<16xf32>,
    tpu.vector_store %arg19[%swap3A], %broadcast_in_dim3A_18 {strides = array<i32>} : memref<400xf32, #tpu.memory_space<vmem>>, vector<16xf32>,
    %scan3A_22 = arith.constant 25 : i32
    "tpu.region"() ({
      %run_scoped3A = tpu.sem_alloc : memref<!tpu.dma_semaphore, #tpu.memory_space<semaphore_mem>>
      %dma_start3A = tpu.memref_slice %arg10[%mul3A_0] : memref<51200xf32, #tpu.memory_space<vmem_shared>> -> memref<3200xf32, #tpu.memory_space<vmem_shared>>
      %dma_start3A_52 = tpu.memref_slice %arg10[%mul3A_0] : memref<51200xf32, #tpu.memory_space<vmem_shared>> -> memref<3200xf32, #tpu.memory_space<vmem_shared>>
      tpu.enqueue_dma source(%arg17 : memref<3200xf32, #tpu.memory_space<vmem>>) target(%dma_start3A_52 : memref<3200xf32, #tpu.memory_space<vmem_shared>>) target_semaphore(%run_scoped3A : memref<!tpu.dma_semaphore, #tpu.memory_space<semaphore_mem>>)
      %dma_wait3A = tpu.memref_slice %arg10[%mul3A_0] : memref<51200xf32, #tpu.memory_space<vmem_shared>> -> memref<3200xf32, #tpu.memory_space<vmem_shared>>
      %dma_wait3A_53 = tpu.memref_slice %arg10[%mul3A_0] : memref<51200xf32, #tpu.memory_space<vmem_shared>> -> memref<3200xf32, #tpu.memory_space<vmem_shared>>
      tpu.wait_dma2 semaphore(%run_scoped3A : memref<!tpu.dma_semaphore, #tpu.memory_space<semaphore_mem>>) src(%arg17 : memref<3200xf32, #tpu.memory_space<vmem>>) dst(%dma_wait3A_53 : memref<3200xf32, #tpu.memory_space<vmem_shared>>)
      tpu.yield
    }) : () -> ()
    %barrier3A = arith.constant 0 : index
    tpu.barrier barrier_id(%barrier3A)
    %scan3A_23 = arith.constant 0 : i32
    %scan3A_24 = arith.constant 250 : i32
    %scan3A_25 = arith.addi %scan3A_23, %scan3A_24 : i32
    %scan3A_26 = arith.constant 1 : i32
    scf.for %scan3A_52 = %scan3A_23 to %scan3A_25 step %scan3A_26  : i32 {
      %mul3A_53 = arith.constant 1 : i32
      %mul3A_54 = arith.muli %scan3A_52, %mul3A_53 : i32
      %add3A_55 = arith.constant 0 : i32
      %add3A_56 = arith.addi %add3A_55, %mul3A_54 : i32
      %mul3A_57 = arith.constant 400 : i32
      %mul3A_58 = arith.muli %add3A_56, %mul3A_57 : i32
      %add3A_59 = arith.addi %mul3A_2, %mul3A_58 : i32
      "tpu.region"() ({
        %run_scoped3A = tpu.sem_alloc : memref<!tpu.dma_semaphore, #tpu.memory_space<semaphore_mem>>
        %dma_start3A = tpu.memref_slice %arg3[%add3A_59] : memref<1600800xi32, #tpu.memory_space<hbm>> -> memref<400xi32, #tpu.memory_space<hbm>>
        %dma_start3A_60 = tpu.memref_slice %arg3[%add3A_59] : memref<1600800xi32, #tpu.memory_space<hbm>> -> memref<400xi32, #tpu.memory_space<hbm>>
        tpu.enqueue_dma source(%dma_start3A_60 : memref<400xi32, #tpu.memory_space<hbm>>) target(%arg13 : memref<400xi32, #tpu.memory_space<vmem>>) target_semaphore(%run_scoped3A : memref<!tpu.dma_semaphore, #tpu.memory_space<semaphore_mem>>)
        %dma_wait3A = tpu.memref_slice %arg3[%add3A_59] : memref<1600800xi32, #tpu.memory_space<hbm>> -> memref<400xi32, #tpu.memory_space<hbm>>
        %dma_wait3A_61 = tpu.memref_slice %arg3[%add3A_59] : memref<1600800xi32, #tpu.memory_space<hbm>> -> memref<400xi32, #tpu.memory_space<hbm>>
        tpu.wait_dma2 semaphore(%run_scoped3A : memref<!tpu.dma_semaphore, #tpu.memory_space<semaphore_mem>>) src(%dma_wait3A_61 : memref<400xi32, #tpu.memory_space<hbm>>) dst(%arg13 : memref<400xi32, #tpu.memory_space<vmem>>)
        tpu.yield
      }) : () -> ()
      "tpu.region"() ({
        %run_scoped3A = tpu.sem_alloc : memref<!tpu.dma_semaphore, #tpu.memory_space<semaphore_mem>>
        %dma_start3A = arith.constant 0 : i32
        %dma_start3A_60 = tpu.memref_slice %arg10[%dma_start3A] : memref<51200xf32, #tpu.memory_space<vmem_shared>> -> memref<51200xf32, #tpu.memory_space<vmem_shared>>
        tpu.enqueue_indirect_dma source(%arg19 : memref<400xf32, #tpu.memory_space<vmem>>) target(%dma_start3A_60 : memref<51200xf32, #tpu.memory_space<vmem_shared>>) offsets(%arg13 : memref<400xi32, #tpu.memory_space<vmem>>) semaphore(%run_scoped3A : memref<!tpu.dma_semaphore, #tpu.memory_space<semaphore_mem>>) {add = true}
        %dma_wait3A = arith.constant 0 : i32
        %dma_wait3A_61 = tpu.memref_slice %arg10[%dma_wait3A] : memref<51200xf32, #tpu.memory_space<vmem_shared>> -> memref<51200xf32, #tpu.memory_space<vmem_shared>>
        tpu.wait_indirect_dma semaphore(%run_scoped3A : memref<!tpu.dma_semaphore, #tpu.memory_space<semaphore_mem>>) src(%arg19 : memref<400xf32, #tpu.memory_space<vmem>>) dst(%dma_wait3A_61 : memref<51200xf32, #tpu.memory_space<vmem_shared>>)
        tpu.yield
      }) : () -> ()
    }
    %scan3A_27 = arith.constant 250 : i32
    %barrier3A_28 = arith.constant 0 : index
    tpu.barrier barrier_id(%barrier3A_28)
    "tpu.region"() ({
      %run_scoped3A = tpu.sem_alloc : memref<!tpu.dma_semaphore, #tpu.memory_space<semaphore_mem>>
      %dma_start3A = tpu.memref_slice %arg10[%mul3A_0] : memref<51200xf32, #tpu.memory_space<vmem_shared>> -> memref<3200xf32, #tpu.memory_space<vmem_shared>>
      %dma_start3A_52 = tpu.memref_slice %arg10[%mul3A_0] : memref<51200xf32, #tpu.memory_space<vmem_shared>> -> memref<3200xf32, #tpu.memory_space<vmem_shared>>
      tpu.enqueue_dma source(%dma_start3A_52 : memref<3200xf32, #tpu.memory_space<vmem_shared>>) target(%arg18 : memref<3200xf32, #tpu.memory_space<vmem>>) target_semaphore(%run_scoped3A : memref<!tpu.dma_semaphore, #tpu.memory_space<semaphore_mem>>)
      %dma_wait3A = tpu.memref_slice %arg10[%mul3A_0] : memref<51200xf32, #tpu.memory_space<vmem_shared>> -> memref<3200xf32, #tpu.memory_space<vmem_shared>>
      %dma_wait3A_53 = tpu.memref_slice %arg10[%mul3A_0] : memref<51200xf32, #tpu.memory_space<vmem_shared>> -> memref<3200xf32, #tpu.memory_space<vmem_shared>>
      tpu.wait_dma2 semaphore(%run_scoped3A : memref<!tpu.dma_semaphore, #tpu.memory_space<semaphore_mem>>) src(%dma_wait3A_53 : memref<3200xf32, #tpu.memory_space<vmem_shared>>) dst(%arg18 : memref<3200xf32, #tpu.memory_space<vmem>>)
      tpu.yield
    }) : () -> ()
    %eq3A = arith.constant 0 : i32
    %eq3A_29 = arith.cmpi eq, %arg0, %eq3A : i32
    %convert_element_type3A = arith.extui %eq3A_29 : i1 to i32
    %cond3A = arith.constant 0 : i32
    %cond3A_30 = arith.cmpi ne, %convert_element_type3A, %cond3A : i32
    scf.if %cond3A_30 {
      "tpu.region"() ({
        %run_scoped3A = tpu.sem_alloc : memref<!tpu.dma_semaphore, #tpu.memory_space<semaphore_mem>>
        %dma_start3A = tpu.memref_slice %arg6[%mul3A_0] : memref<51200xf32, #tpu.memory_space<hbm>> -> memref<3200xf32, #tpu.memory_space<hbm>>
        %dma_start3A_52 = tpu.memref_slice %arg6[%mul3A_0] : memref<51200xf32, #tpu.memory_space<hbm>> -> memref<3200xf32, #tpu.memory_space<hbm>>
        tpu.enqueue_dma source(%arg18 : memref<3200xf32, #tpu.memory_space<vmem>>) target(%dma_start3A_52 : memref<3200xf32, #tpu.memory_space<hbm>>) target_semaphore(%run_scoped3A : memref<!tpu.dma_semaphore, #tpu.memory_space<semaphore_mem>>)
        %dma_wait3A = tpu.memref_slice %arg6[%mul3A_0] : memref<51200xf32, #tpu.memory_space<hbm>> -> memref<3200xf32, #tpu.memory_space<hbm>>
        %dma_wait3A_53 = tpu.memref_slice %arg6[%mul3A_0] : memref<51200xf32, #tpu.memory_space<hbm>> -> memref<3200xf32, #tpu.memory_space<hbm>>
        tpu.wait_dma2 semaphore(%run_scoped3A : memref<!tpu.dma_semaphore, #tpu.memory_space<semaphore_mem>>) src(%arg18 : memref<3200xf32, #tpu.memory_space<vmem>>) dst(%dma_wait3A_53 : memref<3200xf32, #tpu.memory_space<hbm>>)
        tpu.yield
      }) : () -> ()
    } else {
    }
    %scan3A_31 = arith.constant 0 : i32
    %scan3A_32 = arith.constant 200 : i32
    %scan3A_33 = arith.addi %scan3A_31, %scan3A_32 : i32
    %scan3A_34 = arith.constant 2 : i32
    scf.for %scan3A_52 = %scan3A_31 to %scan3A_33 step %scan3A_34  : i32 {
      %mul3A_53 = arith.constant 1 : i32
      %mul3A_54 = arith.muli %scan3A_52, %mul3A_53 : i32
      %add3A_55 = arith.constant 0 : i32
      %add3A_56 = arith.addi %add3A_55, %mul3A_54 : i32
      %mul3A_57 = arith.constant 16 : i32
      %mul3A_58 = arith.muli %add3A_56, %mul3A_57 : i32
      %get3A = arith.index_cast %mul3A_58 : i32 to index
      %get3A_59 = tpu.vector_load %arg18[%get3A] {strides = array<i32>} : memref<3200xf32, #tpu.memory_space<vmem>>, vector<16xf32>,
      %bitcast3A = vector.bitcast %get3A_59 : vector<16xf32> to vector<16xi32>
      %shift_right_arithmetic3A = arith.constant 1 : i32
      %shift_right_arithmetic3A_60 = vector.broadcast %shift_right_arithmetic3A : i32 to vector<16xi32>
      %shift_right_arithmetic3A_61 = arith.shrsi %bitcast3A, %shift_right_arithmetic3A_60 : vector<16xi32>
      %sub3A = arith.constant 1597463007 : i32
      %sub3A_62 = vector.broadcast %sub3A : i32 to vector<16xi32>
      %sub3A_63 = arith.subi %sub3A_62, %shift_right_arithmetic3A_61 : vector<16xi32>
      %bitcast3A_64 = vector.bitcast %sub3A_63 : vector<16xi32> to vector<16xf32>
      %mul3A_65 = arith.constant 5.000000e-01 : f32
      %mul3A_66 = vector.broadcast %mul3A_65 : f32 to vector<16xf32>
      %mul3A_67 = arith.mulf %mul3A_66, %get3A_59 : vector<16xf32>
      %mul3A_68 = arith.mulf %mul3A_67, %bitcast3A_64 : vector<16xf32>
      %mul3A_69 = arith.mulf %mul3A_68, %bitcast3A_64 : vector<16xf32>
      %sub3A_70 = arith.constant 1.500000e+00 : f32
      %sub3A_71 = vector.broadcast %sub3A_70 : f32 to vector<16xf32>
      %sub3A_72 = arith.subf %sub3A_71, %mul3A_69 : vector<16xf32>
      %mul3A_73 = arith.mulf %bitcast3A_64, %sub3A_72 : vector<16xf32>
      %mul3A_74 = arith.constant 5.000000e-01 : f32
      %mul3A_75 = vector.broadcast %mul3A_74 : f32 to vector<16xf32>
      %mul3A_76 = arith.mulf %mul3A_75, %get3A_59 : vector<16xf32>
      %mul3A_77 = arith.mulf %mul3A_76, %mul3A_73 : vector<16xf32>
      %mul3A_78 = arith.mulf %mul3A_77, %mul3A_73 : vector<16xf32>
      %sub3A_79 = arith.constant 1.500000e+00 : f32
      %sub3A_80 = vector.broadcast %sub3A_79 : f32 to vector<16xf32>
      %sub3A_81 = arith.subf %sub3A_80, %mul3A_78 : vector<16xf32>
      %mul3A_82 = arith.mulf %mul3A_73, %sub3A_81 : vector<16xf32>
      %mul3A_83 = arith.constant 5.000000e-01 : f32
      %mul3A_84 = vector.broadcast %mul3A_83 : f32 to vector<16xf32>
      %mul3A_85 = arith.mulf %mul3A_84, %get3A_59 : vector<16xf32>
      %mul3A_86 = arith.mulf %mul3A_85, %mul3A_82 : vector<16xf32>
      %mul3A_87 = arith.mulf %mul3A_86, %mul3A_82 : vector<16xf32>
      %sub3A_88 = arith.constant 1.500000e+00 : f32
      %sub3A_89 = vector.broadcast %sub3A_88 : f32 to vector<16xf32>
      %sub3A_90 = arith.subf %sub3A_89, %mul3A_87 : vector<16xf32>
      %mul3A_91 = arith.mulf %mul3A_82, %sub3A_90 : vector<16xf32>
      %div3A = arith.constant 1.000000e+00 : f32
      %div3A_92 = vector.broadcast %div3A : f32 to vector<16xf32>
      %div3A_93 = arith.divf %div3A_92, %get3A_59 : vector<16xf32>
      %mul3A_94 = arith.constant 16 : i32
      %mul3A_95 = arith.muli %add3A_56, %mul3A_94 : i32
      %swap3A_96 = arith.index_cast %mul3A_95 : i32 to index
      %swap3A_97 = tpu.vector_load %arg17[%swap3A_96] {strides = array<i32>} : memref<3200xf32, #tpu.memory_space<vmem>>, vector<16xf32>,
      tpu.vector_store %arg17[%swap3A_96], %div3A_93 {strides = array<i32>} : memref<3200xf32, #tpu.memory_space<vmem>>, vector<16xf32>,
      %mul3A_98 = arith.constant 16 : i32
      %mul3A_99 = arith.muli %add3A_56, %mul3A_98 : i32
      %swap3A_100 = arith.index_cast %mul3A_99 : i32 to index
      %swap3A_101 = tpu.vector_load %arg18[%swap3A_100] {strides = array<i32>} : memref<3200xf32, #tpu.memory_space<vmem>>, vector<16xf32>,
      tpu.vector_store %arg18[%swap3A_100], %mul3A_91 {strides = array<i32>} : memref<3200xf32, #tpu.memory_space<vmem>>, vector<16xf32>,
      %scan3A_102 = arith.constant 1 : i32
      %scan3A_103 = arith.addi %scan3A_52, %scan3A_102 : i32
      %mul3A_104 = arith.constant 1 : i32
      %mul3A_105 = arith.muli %scan3A_103, %mul3A_104 : i32
      %add3A_106 = arith.constant 0 : i32
      %add3A_107 = arith.addi %add3A_106, %mul3A_105 : i32
      %mul3A_108 = arith.constant 16 : i32
      %mul3A_109 = arith.muli %add3A_107, %mul3A_108 : i32
      %get3A_110 = arith.index_cast %mul3A_109 : i32 to index
      %get3A_111 = tpu.vector_load %arg18[%get3A_110] {strides = array<i32>} : memref<3200xf32, #tpu.memory_space<vmem>>, vector<16xf32>,
      %bitcast3A_112 = vector.bitcast %get3A_111 : vector<16xf32> to vector<16xi32>
      %shift_right_arithmetic3A_113 = arith.constant 1 : i32
      %shift_right_arithmetic3A_114 = vector.broadcast %shift_right_arithmetic3A_113 : i32 to vector<16xi32>
      %shift_right_arithmetic3A_115 = arith.shrsi %bitcast3A_112, %shift_right_arithmetic3A_114 : vector<16xi32>
      %sub3A_116 = arith.constant 1597463007 : i32
      %sub3A_117 = vector.broadcast %sub3A_116 : i32 to vector<16xi32>
      %sub3A_118 = arith.subi %sub3A_117, %shift_right_arithmetic3A_115 : vector<16xi32>
      %bitcast3A_119 = vector.bitcast %sub3A_118 : vector<16xi32> to vector<16xf32>
      %mul3A_120 = arith.constant 5.000000e-01 : f32
      %mul3A_121 = vector.broadcast %mul3A_120 : f32 to vector<16xf32>
      %mul3A_122 = arith.mulf %mul3A_121, %get3A_111 : vector<16xf32>
      %mul3A_123 = arith.mulf %mul3A_122, %bitcast3A_119 : vector<16xf32>
      %mul3A_124 = arith.mulf %mul3A_123, %bitcast3A_119 : vector<16xf32>
      %sub3A_125 = arith.constant 1.500000e+00 : f32
      %sub3A_126 = vector.broadcast %sub3A_125 : f32 to vector<16xf32>
      %sub3A_127 = arith.subf %sub3A_126, %mul3A_124 : vector<16xf32>
      %mul3A_128 = arith.mulf %bitcast3A_119, %sub3A_127 : vector<16xf32>
      %mul3A_129 = arith.constant 5.000000e-01 : f32
      %mul3A_130 = vector.broadcast %mul3A_129 : f32 to vector<16xf32>
      %mul3A_131 = arith.mulf %mul3A_130, %get3A_111 : vector<16xf32>
      %mul3A_132 = arith.mulf %mul3A_131, %mul3A_128 : vector<16xf32>
      %mul3A_133 = arith.mulf %mul3A_132, %mul3A_128 : vector<16xf32>
      %sub3A_134 = arith.constant 1.500000e+00 : f32
      %sub3A_135 = vector.broadcast %sub3A_134 : f32 to vector<16xf32>
      %sub3A_136 = arith.subf %sub3A_135, %mul3A_133 : vector<16xf32>
      %mul3A_137 = arith.mulf %mul3A_128, %sub3A_136 : vector<16xf32>
      %mul3A_138 = arith.constant 5.000000e-01 : f32
      %mul3A_139 = vector.broadcast %mul3A_138 : f32 to vector<16xf32>
      %mul3A_140 = arith.mulf %mul3A_139, %get3A_111 : vector<16xf32>
      %mul3A_141 = arith.mulf %mul3A_140, %mul3A_137 : vector<16xf32>
      %mul3A_142 = arith.mulf %mul3A_141, %mul3A_137 : vector<16xf32>
      %sub3A_143 = arith.constant 1.500000e+00 : f32
      %sub3A_144 = vector.broadcast %sub3A_143 : f32 to vector<16xf32>
      %sub3A_145 = arith.subf %sub3A_144, %mul3A_142 : vector<16xf32>
      %mul3A_146 = arith.mulf %mul3A_137, %sub3A_145 : vector<16xf32>
      %div3A_147 = arith.constant 1.000000e+00 : f32
      %div3A_148 = vector.broadcast %div3A_147 : f32 to vector<16xf32>
      %div3A_149 = arith.divf %div3A_148, %get3A_111 : vector<16xf32>
      %mul3A_150 = arith.constant 16 : i32
      %mul3A_151 = arith.muli %add3A_107, %mul3A_150 : i32
      %swap3A_152 = arith.index_cast %mul3A_151 : i32 to index
      %swap3A_153 = tpu.vector_load %arg17[%swap3A_152] {strides = array<i32>} : memref<3200xf32, #tpu.memory_space<vmem>>, vector<16xf32>,
      tpu.vector_store %arg17[%swap3A_152], %div3A_149 {strides = array<i32>} : memref<3200xf32, #tpu.memory_space<vmem>>, vector<16xf32>,
      %mul3A_154 = arith.constant 16 : i32
      %mul3A_155 = arith.muli %add3A_107, %mul3A_154 : i32
      %swap3A_156 = arith.index_cast %mul3A_155 : i32 to index
      %swap3A_157 = tpu.vector_load %arg18[%swap3A_156] {strides = array<i32>} : memref<3200xf32, #tpu.memory_space<vmem>>, vector<16xf32>,
      tpu.vector_store %arg18[%swap3A_156], %mul3A_146 {strides = array<i32>} : memref<3200xf32, #tpu.memory_space<vmem>>, vector<16xf32>,
    }
    %scan3A_35 = arith.constant 200 : i32
    %scan3A_36 = arith.constant 0 : i32
    %scan3A_37 = arith.constant 800 : i32
    %scan3A_38 = arith.addi %scan3A_36, %scan3A_37 : i32
    %scan3A_39 = arith.constant 4 : i32
    scf.for %scan3A_52 = %scan3A_36 to %scan3A_38 step %scan3A_39  : i32 {
      %mul3A_53 = arith.constant 1 : i32
      %mul3A_54 = arith.muli %scan3A_52, %mul3A_53 : i32
      %add3A_55 = arith.constant 0 : i32
      %add3A_56 = arith.addi %add3A_55, %mul3A_54 : i32
      %broadcast_in_dim3A_57 = arith.constant 0.000000e+00 : f32
      %broadcast_in_dim3A_58 = vector.broadcast %broadcast_in_dim3A_57 : f32 to vector<16xf32>
      %jit3A = arith.constant 2 : i32
      %div3A = arith.divsi %add3A_56, %jit3A : i32
      %sign3A = arith.constant 0 : i32
      %sign3A_59 = arith.cmpi sgt, %add3A_56, %sign3A : i32
      %sign3A_60 = arith.extui %sign3A_59 : i1 to i32
      %sign3A_61 = arith.constant 0 : i32
      %sign3A_62 = arith.cmpi slt, %add3A_56, %sign3A_61 : i32
      %sign3A_63 = arith.extui %sign3A_62 : i1 to i32
      %sign3A_64 = arith.subi %sign3A_60, %sign3A_63 : i32
      %sign3A_65 = arith.constant 0 : i32
      %sign3A_66 = arith.cmpi sgt, %jit3A, %sign3A_65 : i32
      %sign3A_67 = arith.extui %sign3A_66 : i1 to i32
      %sign3A_68 = arith.constant 0 : i32
      %sign3A_69 = arith.cmpi slt, %jit3A, %sign3A_68 : i32
      %sign3A_70 = arith.extui %sign3A_69 : i1 to i32
      %sign3A_71 = arith.subi %sign3A_67, %sign3A_70 : i32
      %ne3A = arith.cmpi ne, %sign3A_64, %sign3A_71 : i32
      %rem3A = arith.remsi %add3A_56, %jit3A : i32
      %ne3A_72 = arith.constant 0 : i32
      %ne3A_73 = arith.cmpi ne, %rem3A, %ne3A_72 : i32
      %and3A = arith.andi %ne3A, %ne3A_73 : i1
      %sub3A = arith.constant 1 : i32
      %sub3A_74 = arith.subi %div3A, %sub3A : i32
      %select_n3A = arith.select %and3A, %sub3A_74, %div3A : i32
      %jit3A_75 = arith.constant 2 : i32
      %eq3A_76 = arith.constant 0 : i32
      %eq3A_77 = arith.cmpi eq, %jit3A_75, %eq3A_76 : i32
      %jit3A_78 = arith.constant 1 : i32
      %select_n3A_79 = arith.select %eq3A_77, %jit3A_78, %jit3A_75 : i32
      %rem3A_80 = arith.remsi %add3A_56, %select_n3A_79 : i32
      %ne3A_81 = arith.constant 0 : i32
      %ne3A_82 = arith.cmpi ne, %rem3A_80, %ne3A_81 : i32
      %lt3A = arith.constant 0 : i32
      %lt3A_83 = arith.cmpi slt, %rem3A_80, %lt3A : i32
      %lt3A_84 = arith.constant 0 : i32
      %lt3A_85 = arith.cmpi slt, %select_n3A_79, %lt3A_84 : i32
      %ne3A_86 = arith.xori %lt3A_83, %lt3A_85 : i1
      %and3A_87 = arith.andi %ne3A_86, %ne3A_82 : i1
      %add3A_88 = arith.addi %rem3A_80, %select_n3A_79 : i32
      %select_n3A_89 = arith.select %and3A_87, %add3A_88, %rem3A_80 : i32
      %mul3A_90 = arith.constant 16 : i32
      %mul3A_91 = arith.muli %select_n3A_89, %mul3A_90 : i32
      %swap3A_92 = arith.index_cast %select_n3A : i32 to index
      %swap3A_93 = arith.index_cast %mul3A_91 : i32 to index
      %swap3A_94 = tpu.vector_load %arg15[%swap3A_92, %swap3A_93] {strides = array<i32>} : memref<400x32xf32, #tpu.memory_space<vmem>>, vector<16xf32>,
      tpu.vector_store %arg15[%swap3A_92, %swap3A_93], %broadcast_in_dim3A_58 {strides = array<i32>} : memref<400x32xf32, #tpu.memory_space<vmem>>, vector<16xf32>,
      %scan3A_95 = arith.constant 1 : i32
      %scan3A_96 = arith.addi %scan3A_52, %scan3A_95 : i32
      %mul3A_97 = arith.constant 1 : i32
      %mul3A_98 = arith.muli %scan3A_96, %mul3A_97 : i32
      %add3A_99 = arith.constant 0 : i32
      %add3A_100 = arith.addi %add3A_99, %mul3A_98 : i32
      %broadcast_in_dim3A_101 = arith.constant 0.000000e+00 : f32
      %broadcast_in_dim3A_102 = vector.broadcast %broadcast_in_dim3A_101 : f32 to vector<16xf32>
      %jit3A_103 = arith.constant 2 : i32
      %div3A_104 = arith.divsi %add3A_100, %jit3A_103 : i32
      %sign3A_105 = arith.constant 0 : i32
      %sign3A_106 = arith.cmpi sgt, %add3A_100, %sign3A_105 : i32
      %sign3A_107 = arith.extui %sign3A_106 : i1 to i32
      %sign3A_108 = arith.constant 0 : i32
      %sign3A_109 = arith.cmpi slt, %add3A_100, %sign3A_108 : i32
      %sign3A_110 = arith.extui %sign3A_109 : i1 to i32
      %sign3A_111 = arith.subi %sign3A_107, %sign3A_110 : i32
      %sign3A_112 = arith.constant 0 : i32
      %sign3A_113 = arith.cmpi sgt, %jit3A_103, %sign3A_112 : i32
      %sign3A_114 = arith.extui %sign3A_113 : i1 to i32
      %sign3A_115 = arith.constant 0 : i32
      %sign3A_116 = arith.cmpi slt, %jit3A_103, %sign3A_115 : i32
      %sign3A_117 = arith.extui %sign3A_116 : i1 to i32
      %sign3A_118 = arith.subi %sign3A_114, %sign3A_117 : i32
      %ne3A_119 = arith.cmpi ne, %sign3A_111, %sign3A_118 : i32
      %rem3A_120 = arith.remsi %add3A_100, %jit3A_103 : i32
      %ne3A_121 = arith.constant 0 : i32
      %ne3A_122 = arith.cmpi ne, %rem3A_120, %ne3A_121 : i32
      %and3A_123 = arith.andi %ne3A_119, %ne3A_122 : i1
      %sub3A_124 = arith.constant 1 : i32
      %sub3A_125 = arith.subi %div3A_104, %sub3A_124 : i32
      %select_n3A_126 = arith.select %and3A_123, %sub3A_125, %div3A_104 : i32
      %jit3A_127 = arith.constant 2 : i32
      %eq3A_128 = arith.constant 0 : i32
      %eq3A_129 = arith.cmpi eq, %jit3A_127, %eq3A_128 : i32
      %jit3A_130 = arith.constant 1 : i32
      %select_n3A_131 = arith.select %eq3A_129, %jit3A_130, %jit3A_127 : i32
      %rem3A_132 = arith.remsi %add3A_100, %select_n3A_131 : i32
      %ne3A_133 = arith.constant 0 : i32
      %ne3A_134 = arith.cmpi ne, %rem3A_132, %ne3A_133 : i32
      %lt3A_135 = arith.constant 0 : i32
      %lt3A_136 = arith.cmpi slt, %rem3A_132, %lt3A_135 : i32
      %lt3A_137 = arith.constant 0 : i32
      %lt3A_138 = arith.cmpi slt, %select_n3A_131, %lt3A_137 : i32
      %ne3A_139 = arith.xori %lt3A_136, %lt3A_138 : i1
      %and3A_140 = arith.andi %ne3A_139, %ne3A_134 : i1
      %add3A_141 = arith.addi %rem3A_132, %select_n3A_131 : i32
      %select_n3A_142 = arith.select %and3A_140, %add3A_141, %rem3A_132 : i32
      %mul3A_143 = arith.constant 16 : i32
      %mul3A_144 = arith.muli %select_n3A_142, %mul3A_143 : i32
      %swap3A_145 = arith.index_cast %select_n3A_126 : i32 to index
      %swap3A_146 = arith.index_cast %mul3A_144 : i32 to index
      %swap3A_147 = tpu.vector_load %arg15[%swap3A_145, %swap3A_146] {strides = array<i32>} : memref<400x32xf32, #tpu.memory_space<vmem>>, vector<16xf32>,
      tpu.vector_store %arg15[%swap3A_145, %swap3A_146], %broadcast_in_dim3A_102 {strides = array<i32>} : memref<400x32xf32, #tpu.memory_space<vmem>>, vector<16xf32>,
      %scan3A_148 = arith.constant 2 : i32
      %scan3A_149 = arith.addi %scan3A_52, %scan3A_148 : i32
      %mul3A_150 = arith.constant 1 : i32
      %mul3A_151 = arith.muli %scan3A_149, %mul3A_150 : i32
      %add3A_152 = arith.constant 0 : i32
      %add3A_153 = arith.addi %add3A_152, %mul3A_151 : i32
      %broadcast_in_dim3A_154 = arith.constant 0.000000e+00 : f32
      %broadcast_in_dim3A_155 = vector.broadcast %broadcast_in_dim3A_154 : f32 to vector<16xf32>
      %jit3A_156 = arith.constant 2 : i32
      %div3A_157 = arith.divsi %add3A_153, %jit3A_156 : i32
      %sign3A_158 = arith.constant 0 : i32
      %sign3A_159 = arith.cmpi sgt, %add3A_153, %sign3A_158 : i32
      %sign3A_160 = arith.extui %sign3A_159 : i1 to i32
      %sign3A_161 = arith.constant 0 : i32
      %sign3A_162 = arith.cmpi slt, %add3A_153, %sign3A_161 : i32
      %sign3A_163 = arith.extui %sign3A_162 : i1 to i32
      %sign3A_164 = arith.subi %sign3A_160, %sign3A_163 : i32
      %sign3A_165 = arith.constant 0 : i32
      %sign3A_166 = arith.cmpi sgt, %jit3A_156, %sign3A_165 : i32
      %sign3A_167 = arith.extui %sign3A_166 : i1 to i32
      %sign3A_168 = arith.constant 0 : i32
      %sign3A_169 = arith.cmpi slt, %jit3A_156, %sign3A_168 : i32
      %sign3A_170 = arith.extui %sign3A_169 : i1 to i32
      %sign3A_171 = arith.subi %sign3A_167, %sign3A_170 : i32
      %ne3A_172 = arith.cmpi ne, %sign3A_164, %sign3A_171 : i32
      %rem3A_173 = arith.remsi %add3A_153, %jit3A_156 : i32
      %ne3A_174 = arith.constant 0 : i32
      %ne3A_175 = arith.cmpi ne, %rem3A_173, %ne3A_174 : i32
      %and3A_176 = arith.andi %ne3A_172, %ne3A_175 : i1
      %sub3A_177 = arith.constant 1 : i32
      %sub3A_178 = arith.subi %div3A_157, %sub3A_177 : i32
      %select_n3A_179 = arith.select %and3A_176, %sub3A_178, %div3A_157 : i32
      %jit3A_180 = arith.constant 2 : i32
      %eq3A_181 = arith.constant 0 : i32
      %eq3A_182 = arith.cmpi eq, %jit3A_180, %eq3A_181 : i32
      %jit3A_183 = arith.constant 1 : i32
      %select_n3A_184 = arith.select %eq3A_182, %jit3A_183, %jit3A_180 : i32
      %rem3A_185 = arith.remsi %add3A_153, %select_n3A_184 : i32
      %ne3A_186 = arith.constant 0 : i32
      %ne3A_187 = arith.cmpi ne, %rem3A_185, %ne3A_186 : i32
      %lt3A_188 = arith.constant 0 : i32
      %lt3A_189 = arith.cmpi slt, %rem3A_185, %lt3A_188 : i32
      %lt3A_190 = arith.constant 0 : i32
      %lt3A_191 = arith.cmpi slt, %select_n3A_184, %lt3A_190 : i32
      %ne3A_192 = arith.xori %lt3A_189, %lt3A_191 : i1
      %and3A_193 = arith.andi %ne3A_192, %ne3A_187 : i1
      %add3A_194 = arith.addi %rem3A_185, %select_n3A_184 : i32
      %select_n3A_195 = arith.select %and3A_193, %add3A_194, %rem3A_185 : i32
      %mul3A_196 = arith.constant 16 : i32
      %mul3A_197 = arith.muli %select_n3A_195, %mul3A_196 : i32
      %swap3A_198 = arith.index_cast %select_n3A_179 : i32 to index
      %swap3A_199 = arith.index_cast %mul3A_197 : i32 to index
      %swap3A_200 = tpu.vector_load %arg15[%swap3A_198, %swap3A_199] {strides = array<i32>} : memref<400x32xf32, #tpu.memory_space<vmem>>, vector<16xf32>,
      tpu.vector_store %arg15[%swap3A_198, %swap3A_199], %broadcast_in_dim3A_155 {strides = array<i32>} : memref<400x32xf32, #tpu.memory_space<vmem>>, vector<16xf32>,
      %scan3A_201 = arith.constant 3 : i32
      %scan3A_202 = arith.addi %scan3A_52, %scan3A_201 : i32
      %mul3A_203 = arith.constant 1 : i32
      %mul3A_204 = arith.muli %scan3A_202, %mul3A_203 : i32
      %add3A_205 = arith.constant 0 : i32
      %add3A_206 = arith.addi %add3A_205, %mul3A_204 : i32
      %broadcast_in_dim3A_207 = arith.constant 0.000000e+00 : f32
      %broadcast_in_dim3A_208 = vector.broadcast %broadcast_in_dim3A_207 : f32 to vector<16xf32>
      %jit3A_209 = arith.constant 2 : i32
      %div3A_210 = arith.divsi %add3A_206, %jit3A_209 : i32
      %sign3A_211 = arith.constant 0 : i32
      %sign3A_212 = arith.cmpi sgt, %add3A_206, %sign3A_211 : i32
      %sign3A_213 = arith.extui %sign3A_212 : i1 to i32
      %sign3A_214 = arith.constant 0 : i32
      %sign3A_215 = arith.cmpi slt, %add3A_206, %sign3A_214 : i32
      %sign3A_216 = arith.extui %sign3A_215 : i1 to i32
      %sign3A_217 = arith.subi %sign3A_213, %sign3A_216 : i32
      %sign3A_218 = arith.constant 0 : i32
      %sign3A_219 = arith.cmpi sgt, %jit3A_209, %sign3A_218 : i32
      %sign3A_220 = arith.extui %sign3A_219 : i1 to i32
      %sign3A_221 = arith.constant 0 : i32
      %sign3A_222 = arith.cmpi slt, %jit3A_209, %sign3A_221 : i32
      %sign3A_223 = arith.extui %sign3A_222 : i1 to i32
      %sign3A_224 = arith.subi %sign3A_220, %sign3A_223 : i32
      %ne3A_225 = arith.cmpi ne, %sign3A_217, %sign3A_224 : i32
      %rem3A_226 = arith.remsi %add3A_206, %jit3A_209 : i32
      %ne3A_227 = arith.constant 0 : i32
      %ne3A_228 = arith.cmpi ne, %rem3A_226, %ne3A_227 : i32
      %and3A_229 = arith.andi %ne3A_225, %ne3A_228 : i1
      %sub3A_230 = arith.constant 1 : i32
      %sub3A_231 = arith.subi %div3A_210, %sub3A_230 : i32
      %select_n3A_232 = arith.select %and3A_229, %sub3A_231, %div3A_210 : i32
      %jit3A_233 = arith.constant 2 : i32
      %eq3A_234 = arith.constant 0 : i32
      %eq3A_235 = arith.cmpi eq, %jit3A_233, %eq3A_234 : i32
      %jit3A_236 = arith.constant 1 : i32
      %select_n3A_237 = arith.select %eq3A_235, %jit3A_236, %jit3A_233 : i32
      %rem3A_238 = arith.remsi %add3A_206, %select_n3A_237 : i32
      %ne3A_239 = arith.constant 0 : i32
      %ne3A_240 = arith.cmpi ne, %rem3A_238, %ne3A_239 : i32
      %lt3A_241 = arith.constant 0 : i32
      %lt3A_242 = arith.cmpi slt, %rem3A_238, %lt3A_241 : i32
      %lt3A_243 = arith.constant 0 : i32
      %lt3A_244 = arith.cmpi slt, %select_n3A_237, %lt3A_243 : i32
      %ne3A_245 = arith.xori %lt3A_242, %lt3A_244 : i1
      %and3A_246 = arith.andi %ne3A_245, %ne3A_240 : i1
      %add3A_247 = arith.addi %rem3A_238, %select_n3A_237 : i32
      %select_n3A_248 = arith.select %and3A_246, %add3A_247, %rem3A_238 : i32
      %mul3A_249 = arith.constant 16 : i32
      %mul3A_250 = arith.muli %select_n3A_248, %mul3A_249 : i32
      %swap3A_251 = arith.index_cast %select_n3A_232 : i32 to index
      %swap3A_252 = arith.index_cast %mul3A_250 : i32 to index
      %swap3A_253 = tpu.vector_load %arg15[%swap3A_251, %swap3A_252] {strides = array<i32>} : memref<400x32xf32, #tpu.memory_space<vmem>>, vector<16xf32>,
      tpu.vector_store %arg15[%swap3A_251, %swap3A_252], %broadcast_in_dim3A_208 {strides = array<i32>} : memref<400x32xf32, #tpu.memory_space<vmem>>, vector<16xf32>,
    }
    %scan3A_40 = arith.constant 800 : i32
    %scan3A_41 = arith.constant 0 : i32
    %scan3A_42 = arith.constant 25 : i32
    %scan3A_43 = arith.addi %scan3A_41, %scan3A_42 : i32
    %scan3A_44 = arith.constant 1 : i32
    scf.for %scan3A_52 = %scan3A_41 to %scan3A_43 step %scan3A_44  : i32 {
      %mul3A_53 = arith.constant 1 : i32
      %mul3A_54 = arith.muli %scan3A_52, %mul3A_53 : i32
      %add3A_55 = arith.constant 0 : i32
      %add3A_56 = arith.addi %add3A_55, %mul3A_54 : i32
      %mul3A_57 = arith.constant 128 : i32
      %mul3A_58 = arith.muli %add3A_56, %mul3A_57 : i32
      %add3A_59 = arith.addi %mul3A_0, %mul3A_58 : i32
      %add3A_60 = arith.addi %mul3A_4, %add3A_59 : i32
      "tpu.region"() ({
        %run_scoped3A = tpu.sem_alloc : memref<!tpu.dma_semaphore, #tpu.memory_space<semaphore_mem>>
        %dma_start3A = arith.constant 0 : i32
        %dma_start3A_67 = tpu.memref_slice %arg4[%add3A_60, %dma_start3A] : memref<102400x32xf32, #tpu.memory_space<hbm>> -> memref<128x32xf32, #tpu.memory_space<hbm>>
        %dma_start3A_68 = arith.constant 0 : i32
        %dma_start3A_69 = tpu.memref_slice %arg4[%add3A_60, %dma_start3A_68] : memref<102400x32xf32, #tpu.memory_space<hbm>> -> memref<128x32xf32, #tpu.memory_space<hbm>>
        tpu.enqueue_dma source(%dma_start3A_69 : memref<128x32xf32, #tpu.memory_space<hbm>>) target(%arg16 : memref<128x32xf32, #tpu.memory_space<vmem>>) target_semaphore(%run_scoped3A : memref<!tpu.dma_semaphore, #tpu.memory_space<semaphore_mem>>)
        %dma_wait3A = arith.constant 0 : i32
        %dma_wait3A_70 = tpu.memref_slice %arg4[%add3A_60, %dma_wait3A] : memref<102400x32xf32, #tpu.memory_space<hbm>> -> memref<128x32xf32, #tpu.memory_space<hbm>>
        %dma_wait3A_71 = arith.constant 0 : i32
        %dma_wait3A_72 = tpu.memref_slice %arg4[%add3A_60, %dma_wait3A_71] : memref<102400x32xf32, #tpu.memory_space<hbm>> -> memref<128x32xf32, #tpu.memory_space<hbm>>
        tpu.wait_dma2 semaphore(%run_scoped3A : memref<!tpu.dma_semaphore, #tpu.memory_space<semaphore_mem>>) src(%dma_wait3A_72 : memref<128x32xf32, #tpu.memory_space<hbm>>) dst(%arg16 : memref<128x32xf32, #tpu.memory_space<vmem>>)
        tpu.yield
      }) : () -> ()
      %scan3A_61 = arith.constant 0 : i32
      %scan3A_62 = arith.constant 128 : i32
      %scan3A_63 = arith.addi %scan3A_61, %scan3A_62 : i32
      %scan3A_64 = arith.constant 2 : i32
      scf.for %scan3A_67 = %scan3A_61 to %scan3A_63 step %scan3A_64  : i32 {
        %mul3A_68 = arith.constant 1 : i32
        %mul3A_69 = arith.muli %scan3A_67, %mul3A_68 : i32
        %add3A_70 = arith.constant 0 : i32
        %add3A_71 = arith.addi %add3A_70, %mul3A_69 : i32
        %mul3A_72 = arith.constant 128 : i32
        %mul3A_73 = arith.muli %add3A_56, %mul3A_72 : i32
        %add3A_74 = arith.addi %mul3A_73, %add3A_71 : i32
        %broadcast_in_dim3A_75 = vector.broadcast %add3A_74 : i32 to vector<16xi32>
        %gather3A = tpu.vector_load_idx %arg18[%broadcast_in_dim3A_75] : memref<3200xf32, #tpu.memory_space<vmem>>[vector<16xi32>], vector<16xf32>,
        %get3A = arith.index_cast %add3A_71 : i32 to index
        %get3A_76 = arith.constant 0 : index
        %get3A_77 = tpu.vector_load %arg16[%get3A, %get3A_76] {strides = array<i32>} : memref<128x32xf32, #tpu.memory_space<vmem>>, vector<16xf32>,
        %mul3A_78 = arith.mulf %get3A_77, %gather3A : vector<16xf32>
        %swap3A_79 = arith.index_cast %add3A_71 : i32 to index
        %swap3A_80 = arith.constant 0 : index
        %swap3A_81 = tpu.vector_load %arg16[%swap3A_79, %swap3A_80] {strides = array<i32>} : memref<128x32xf32, #tpu.memory_space<vmem>>, vector<16xf32>,
        tpu.vector_store %arg16[%swap3A_79, %swap3A_80], %mul3A_78 {strides = array<i32>} : memref<128x32xf32, #tpu.memory_space<vmem>>, vector<16xf32>,
        %get3A_82 = arith.index_cast %add3A_71 : i32 to index
        %get3A_83 = arith.constant 16 : index
        %get3A_84 = tpu.vector_load %arg16[%get3A_82, %get3A_83] {strides = array<i32>} : memref<128x32xf32, #tpu.memory_space<vmem>>, vector<16xf32>,
        %mul3A_85 = arith.mulf %get3A_84, %gather3A : vector<16xf32>
        %swap3A_86 = arith.index_cast %add3A_71 : i32 to index
        %swap3A_87 = arith.constant 16 : index
        %swap3A_88 = tpu.vector_load %arg16[%swap3A_86, %swap3A_87] {strides = array<i32>} : memref<128x32xf32, #tpu.memory_space<vmem>>, vector<16xf32>,
        tpu.vector_store %arg16[%swap3A_86, %swap3A_87], %mul3A_85 {strides = array<i32>} : memref<128x32xf32, #tpu.memory_space<vmem>>, vector<16xf32>,
        %scan3A_89 = arith.constant 1 : i32
        %scan3A_90 = arith.addi %scan3A_67, %scan3A_89 : i32
        %mul3A_91 = arith.constant 1 : i32
        %mul3A_92 = arith.muli %scan3A_90, %mul3A_91 : i32
        %add3A_93 = arith.constant 0 : i32
        %add3A_94 = arith.addi %add3A_93, %mul3A_92 : i32
        %mul3A_95 = arith.constant 128 : i32
        %mul3A_96 = arith.muli %add3A_56, %mul3A_95 : i32
        %add3A_97 = arith.addi %mul3A_96, %add3A_94 : i32
        %broadcast_in_dim3A_98 = vector.broadcast %add3A_97 : i32 to vector<16xi32>
        %gather3A_99 = tpu.vector_load_idx %arg18[%broadcast_in_dim3A_98] : memref<3200xf32, #tpu.memory_space<vmem>>[vector<16xi32>], vector<16xf32>,
        %get3A_100 = arith.index_cast %add3A_94 : i32 to index
        %get3A_101 = arith.constant 0 : index
        %get3A_102 = tpu.vector_load %arg16[%get3A_100, %get3A_101] {strides = array<i32>} : memref<128x32xf32, #tpu.memory_space<vmem>>, vector<16xf32>,
        %mul3A_103 = arith.mulf %get3A_102, %gather3A_99 : vector<16xf32>
        %swap3A_104 = arith.index_cast %add3A_94 : i32 to index
        %swap3A_105 = arith.constant 0 : index
        %swap3A_106 = tpu.vector_load %arg16[%swap3A_104, %swap3A_105] {strides = array<i32>} : memref<128x32xf32, #tpu.memory_space<vmem>>, vector<16xf32>,
        tpu.vector_store %arg16[%swap3A_104, %swap3A_105], %mul3A_103 {strides = array<i32>} : memref<128x32xf32, #tpu.memory_space<vmem>>, vector<16xf32>,
        %get3A_107 = arith.index_cast %add3A_94 : i32 to index
        %get3A_108 = arith.constant 16 : index
        %get3A_109 = tpu.vector_load %arg16[%get3A_107, %get3A_108] {strides = array<i32>} : memref<128x32xf32, #tpu.memory_space<vmem>>, vector<16xf32>,
        %mul3A_110 = arith.mulf %get3A_109, %gather3A_99 : vector<16xf32>
        %swap3A_111 = arith.index_cast %add3A_94 : i32 to index
        %swap3A_112 = arith.constant 16 : index
        %swap3A_113 = tpu.vector_load %arg16[%swap3A_111, %swap3A_112] {strides = array<i32>} : memref<128x32xf32, #tpu.memory_space<vmem>>, vector<16xf32>,
        tpu.vector_store %arg16[%swap3A_111, %swap3A_112], %mul3A_110 {strides = array<i32>} : memref<128x32xf32, #tpu.memory_space<vmem>>, vector<16xf32>,
      }
      %scan3A_65 = arith.constant 128 : i32
      %add3A_66 = arith.addi %mul3A_4, %add3A_59 : i32
      "tpu.region"() ({
        %run_scoped3A = tpu.sem_alloc : memref<!tpu.dma_semaphore, #tpu.memory_space<semaphore_mem>>
        %dma_start3A = arith.constant 0 : i32
        %dma_start3A_67 = tpu.memref_slice %arg7[%add3A_66, %dma_start3A] : memref<102400x32xf32, #tpu.memory_space<hbm>> -> memref<128x32xf32, #tpu.memory_space<hbm>>
        %dma_start3A_68 = arith.constant 0 : i32
        %dma_start3A_69 = tpu.memref_slice %arg7[%add3A_66, %dma_start3A_68] : memref<102400x32xf32, #tpu.memory_space<hbm>> -> memref<128x32xf32, #tpu.memory_space<hbm>>
        tpu.enqueue_dma source(%arg16 : memref<128x32xf32, #tpu.memory_space<vmem>>) target(%dma_start3A_69 : memref<128x32xf32, #tpu.memory_space<hbm>>) target_semaphore(%run_scoped3A : memref<!tpu.dma_semaphore, #tpu.memory_space<semaphore_mem>>)
        %dma_wait3A = arith.constant 0 : i32
        %dma_wait3A_70 = tpu.memref_slice %arg7[%add3A_66, %dma_wait3A] : memref<102400x32xf32, #tpu.memory_space<hbm>> -> memref<128x32xf32, #tpu.memory_space<hbm>>
        %dma_wait3A_71 = arith.constant 0 : i32
        %dma_wait3A_72 = tpu.memref_slice %arg7[%add3A_66, %dma_wait3A_71] : memref<102400x32xf32, #tpu.memory_space<hbm>> -> memref<128x32xf32, #tpu.memory_space<hbm>>
        tpu.wait_dma2 semaphore(%run_scoped3A : memref<!tpu.dma_semaphore, #tpu.memory_space<semaphore_mem>>) src(%arg16 : memref<128x32xf32, #tpu.memory_space<vmem>>) dst(%dma_wait3A_72 : memref<128x32xf32, #tpu.memory_space<hbm>>)
        tpu.yield
      }) : () -> ()
      "tpu.region"() ({
        %run_scoped3A = tpu.sem_alloc : memref<!tpu.dma_semaphore, #tpu.memory_space<semaphore_mem>>
        %dma_start3A = arith.constant 0 : i32
        %dma_start3A_67 = arith.constant 0 : i32
        %dma_start3A_68 = tpu.memref_slice %arg15[%dma_start3A, %dma_start3A_67] : memref<400x32xf32, #tpu.memory_space<vmem>> -> memref<128x32xf32, #tpu.memory_space<vmem>>
        %dma_start3A_69 = arith.constant 0 : i32
        %dma_start3A_70 = tpu.memref_slice %arg9[%add3A_59, %dma_start3A_69] : memref<51200x32xf32, #tpu.memory_space<vmem_shared>> -> memref<128x32xf32, #tpu.memory_space<vmem_shared>>
        %dma_start3A_71 = arith.constant 0 : i32
        %dma_start3A_72 = tpu.memref_slice %arg9[%add3A_59, %dma_start3A_71] : memref<51200x32xf32, #tpu.memory_space<vmem_shared>> -> memref<128x32xf32, #tpu.memory_space<vmem_shared>>
        %dma_start3A_73 = arith.constant 0 : i32
        %dma_start3A_74 = arith.constant 0 : i32
        %dma_start3A_75 = tpu.memref_slice %arg15[%dma_start3A_73, %dma_start3A_74] : memref<400x32xf32, #tpu.memory_space<vmem>> -> memref<128x32xf32, #tpu.memory_space<vmem>>
        tpu.enqueue_dma source(%dma_start3A_75 : memref<128x32xf32, #tpu.memory_space<vmem>>) target(%dma_start3A_72 : memref<128x32xf32, #tpu.memory_space<vmem_shared>>) target_semaphore(%run_scoped3A : memref<!tpu.dma_semaphore, #tpu.memory_space<semaphore_mem>>)
        %dma_wait3A = arith.constant 0 : i32
        %dma_wait3A_76 = arith.constant 0 : i32
        %dma_wait3A_77 = tpu.memref_slice %arg15[%dma_wait3A, %dma_wait3A_76] : memref<400x32xf32, #tpu.memory_space<vmem>> -> memref<128x32xf32, #tpu.memory_space<vmem>>
        %dma_wait3A_78 = arith.constant 0 : i32
        %dma_wait3A_79 = tpu.memref_slice %arg9[%add3A_59, %dma_wait3A_78] : memref<51200x32xf32, #tpu.memory_space<vmem_shared>> -> memref<128x32xf32, #tpu.memory_space<vmem_shared>>
        %dma_wait3A_80 = arith.constant 0 : i32
        %dma_wait3A_81 = tpu.memref_slice %arg9[%add3A_59, %dma_wait3A_80] : memref<51200x32xf32, #tpu.memory_space<vmem_shared>> -> memref<128x32xf32, #tpu.memory_space<vmem_shared>>
        %dma_wait3A_82 = arith.constant 0 : i32
        %dma_wait3A_83 = arith.constant 0 : i32
        %dma_wait3A_84 = tpu.memref_slice %arg15[%dma_wait3A_82, %dma_wait3A_83] : memref<400x32xf32, #tpu.memory_space<vmem>> -> memref<128x32xf32, #tpu.memory_space<vmem>>
        tpu.wait_dma2 semaphore(%run_scoped3A : memref<!tpu.dma_semaphore, #tpu.memory_space<semaphore_mem>>) src(%dma_wait3A_84 : memref<128x32xf32, #tpu.memory_space<vmem>>) dst(%dma_wait3A_81 : memref<128x32xf32, #tpu.memory_space<vmem_shared>>)
        tpu.yield
      }) : () -> ()
    }
    %scan3A_45 = arith.constant 25 : i32
    %barrier3A_46 = arith.constant 0 : index
    tpu.barrier barrier_id(%barrier3A_46)
    %scan3A_47 = arith.constant 0 : i32
    %scan3A_48 = arith.constant 5 : i32
    %scan3A_49 = arith.addi %scan3A_47, %scan3A_48 : i32
    %scan3A_50 = arith.constant 1 : i32
    scf.for %scan3A_52 = %scan3A_47 to %scan3A_49 step %scan3A_50  : i32 {
      %mul3A_53 = arith.constant 1 : i32
      %mul3A_54 = arith.muli %scan3A_52, %mul3A_53 : i32
      %add3A_55 = arith.constant 0 : i32
      %add3A_56 = arith.addi %add3A_55, %mul3A_54 : i32
      %add3A_57 = arith.constant 0 : i32
      %add3A_58 = arith.addi %mul3A_2, %add3A_57 : i32
      %dma_start3A = tpu.memref_slice %arg2[%add3A_58] : memref<1600800xi32, #tpu.memory_space<hbm>> -> memref<400xi32, #tpu.memory_space<hbm>>
      %dma_start3A_59 = tpu.memref_slice %arg2[%add3A_58] : memref<1600800xi32, #tpu.memory_space<hbm>> -> memref<400xi32, #tpu.memory_space<hbm>>
      tpu.enqueue_dma source(%dma_start3A_59 : memref<400xi32, #tpu.memory_space<hbm>>) target(%arg11 : memref<400xi32, #tpu.memory_space<vmem>>) target_semaphore(%arg21 : memref<!tpu.dma_semaphore, #tpu.memory_space<semaphore_mem>>)
      %dma_start3A_60 = tpu.memref_slice %arg3[%add3A_58] : memref<1600800xi32, #tpu.memory_space<hbm>> -> memref<400xi32, #tpu.memory_space<hbm>>
      %dma_start3A_61 = tpu.memref_slice %arg3[%add3A_58] : memref<1600800xi32, #tpu.memory_space<hbm>> -> memref<400xi32, #tpu.memory_space<hbm>>
      tpu.enqueue_dma source(%dma_start3A_61 : memref<400xi32, #tpu.memory_space<hbm>>) target(%arg13 : memref<400xi32, #tpu.memory_space<vmem>>) target_semaphore(%arg23 : memref<!tpu.dma_semaphore, #tpu.memory_space<semaphore_mem>>)
      %scan3A_62 = arith.constant 0 : i32
      %scan3A_63 = arith.constant 125 : i32
      %scan3A_64 = arith.addi %scan3A_62, %scan3A_63 : i32
      %scan3A_65 = arith.constant 1 : i32
      scf.for %scan3A_163 = %scan3A_62 to %scan3A_64 step %scan3A_65  : i32 {
        %mul3A_164 = arith.constant 1 : i32
        %mul3A_165 = arith.muli %scan3A_163, %mul3A_164 : i32
        %add3A_166 = arith.constant 0 : i32
        %add3A_167 = arith.addi %add3A_166, %mul3A_165 : i32
        %mul3A_168 = arith.constant 2 : i32
        %mul3A_169 = arith.muli %mul3A_168, %add3A_167 : i32
        %dma_wait3A_170 = tpu.memref_slice %arg2[%mul3A_2] : memref<1600800xi32, #tpu.memory_space<hbm>> -> memref<400xi32, #tpu.memory_space<hbm>>
        %dma_wait3A_171 = tpu.memref_slice %arg2[%mul3A_2] : memref<1600800xi32, #tpu.memory_space<hbm>> -> memref<400xi32, #tpu.memory_space<hbm>>
        tpu.wait_dma2 semaphore(%arg21 : memref<!tpu.dma_semaphore, #tpu.memory_space<semaphore_mem>>) src(%dma_wait3A_171 : memref<400xi32, #tpu.memory_space<hbm>>) dst(%arg11 : memref<400xi32, #tpu.memory_space<vmem>>)
        %dma_wait3A_172 = tpu.memref_slice %arg3[%mul3A_2] : memref<1600800xi32, #tpu.memory_space<hbm>> -> memref<400xi32, #tpu.memory_space<hbm>>
        %dma_wait3A_173 = tpu.memref_slice %arg3[%mul3A_2] : memref<1600800xi32, #tpu.memory_space<hbm>> -> memref<400xi32, #tpu.memory_space<hbm>>
        tpu.wait_dma2 semaphore(%arg23 : memref<!tpu.dma_semaphore, #tpu.memory_space<semaphore_mem>>) src(%dma_wait3A_173 : memref<400xi32, #tpu.memory_space<hbm>>) dst(%arg13 : memref<400xi32, #tpu.memory_space<vmem>>)
        %add3A_174 = arith.constant 1 : i32
        %add3A_175 = arith.addi %mul3A_169, %add3A_174 : i32
        %mul3A_176 = arith.constant 400 : i32
        %mul3A_177 = arith.muli %add3A_175, %mul3A_176 : i32
        %add3A_178 = arith.addi %mul3A_2, %mul3A_177 : i32
        %dma_start3A_179 = tpu.memref_slice %arg2[%add3A_178] : memref<1600800xi32, #tpu.memory_space<hbm>> -> memref<400xi32, #tpu.memory_space<hbm>>
        %dma_start3A_180 = tpu.memref_slice %arg2[%add3A_178] : memref<1600800xi32, #tpu.memory_space<hbm>> -> memref<400xi32, #tpu.memory_space<hbm>>
        tpu.enqueue_dma source(%dma_start3A_180 : memref<400xi32, #tpu.memory_space<hbm>>) target(%arg12 : memref<400xi32, #tpu.memory_space<vmem>>) target_semaphore(%arg22 : memref<!tpu.dma_semaphore, #tpu.memory_space<semaphore_mem>>)
        %dma_start3A_181 = tpu.memref_slice %arg3[%add3A_178] : memref<1600800xi32, #tpu.memory_space<hbm>> -> memref<400xi32, #tpu.memory_space<hbm>>
        %dma_start3A_182 = tpu.memref_slice %arg3[%add3A_178] : memref<1600800xi32, #tpu.memory_space<hbm>> -> memref<400xi32, #tpu.memory_space<hbm>>
        tpu.enqueue_dma source(%dma_start3A_182 : memref<400xi32, #tpu.memory_space<hbm>>) target(%arg14 : memref<400xi32, #tpu.memory_space<vmem>>) target_semaphore(%arg24 : memref<!tpu.dma_semaphore, #tpu.memory_space<semaphore_mem>>)
        %scan3A_183 = arith.constant 0 : i32
        %scan3A_184 = arith.constant 24 : i32
        %scan3A_185 = arith.addi %scan3A_183, %scan3A_184 : i32
        %scan3A_186 = arith.constant 4 : i32
        scf.for %scan3A_249 = %scan3A_183 to %scan3A_185 step %scan3A_186  : i32 {
          %mul3A_250 = arith.constant 1 : i32
          %mul3A_251 = arith.muli %scan3A_249, %mul3A_250 : i32
          %add3A_252 = arith.constant 0 : i32
          %add3A_253 = arith.addi %add3A_252, %mul3A_251 : i32
          %mul3A_254 = arith.constant 16 : i32
          %mul3A_255 = arith.muli %add3A_253, %mul3A_254 : i32
          %get3A_256 = arith.index_cast %mul3A_255 : i32 to index
          %get3A_257 = tpu.vector_load %arg11[%get3A_256] {strides = array<i32>} : memref<400xi32, #tpu.memory_space<vmem>>, vector<16xi32>,
          %add3A_258 = vector.broadcast %mul3A_4 : i32 to vector<16xi32>
          %add3A_259 = arith.addi %get3A_257, %add3A_258 : vector<16xi32>
          %mul3A_260 = arith.constant 16 : i32
          %mul3A_261 = arith.muli %add3A_253, %mul3A_260 : i32
          %swap3A_262 = arith.index_cast %mul3A_261 : i32 to index
          %swap3A_263 = tpu.vector_load %arg11[%swap3A_262] {strides = array<i32>} : memref<400xi32, #tpu.memory_space<vmem>>, vector<16xi32>,
          tpu.vector_store %arg11[%swap3A_262], %add3A_259 {strides = array<i32>} : memref<400xi32, #tpu.memory_space<vmem>>, vector<16xi32>,
          %scan3A_264 = arith.constant 1 : i32
          %scan3A_265 = arith.addi %scan3A_249, %scan3A_264 : i32
          %mul3A_266 = arith.constant 1 : i32
          %mul3A_267 = arith.muli %scan3A_265, %mul3A_266 : i32
          %add3A_268 = arith.constant 0 : i32
          %add3A_269 = arith.addi %add3A_268, %mul3A_267 : i32
          %mul3A_270 = arith.constant 16 : i32
          %mul3A_271 = arith.muli %add3A_269, %mul3A_270 : i32
          %get3A_272 = arith.index_cast %mul3A_271 : i32 to index
          %get3A_273 = tpu.vector_load %arg11[%get3A_272] {strides = array<i32>} : memref<400xi32, #tpu.memory_space<vmem>>, vector<16xi32>,
          %add3A_274 = vector.broadcast %mul3A_4 : i32 to vector<16xi32>
          %add3A_275 = arith.addi %get3A_273, %add3A_274 : vector<16xi32>
          %mul3A_276 = arith.constant 16 : i32
          %mul3A_277 = arith.muli %add3A_269, %mul3A_276 : i32
          %swap3A_278 = arith.index_cast %mul3A_277 : i32 to index
          %swap3A_279 = tpu.vector_load %arg11[%swap3A_278] {strides = array<i32>} : memref<400xi32, #tpu.memory_space<vmem>>, vector<16xi32>,
          tpu.vector_store %arg11[%swap3A_278], %add3A_275 {strides = array<i32>} : memref<400xi32, #tpu.memory_space<vmem>>, vector<16xi32>,
          %scan3A_280 = arith.constant 2 : i32
          %scan3A_281 = arith.addi %scan3A_249, %scan3A_280 : i32
          %mul3A_282 = arith.constant 1 : i32
          %mul3A_283 = arith.muli %scan3A_281, %mul3A_282 : i32
          %add3A_284 = arith.constant 0 : i32
          %add3A_285 = arith.addi %add3A_284, %mul3A_283 : i32
          %mul3A_286 = arith.constant 16 : i32
          %mul3A_287 = arith.muli %add3A_285, %mul3A_286 : i32
          %get3A_288 = arith.index_cast %mul3A_287 : i32 to index
          %get3A_289 = tpu.vector_load %arg11[%get3A_288] {strides = array<i32>} : memref<400xi32, #tpu.memory_space<vmem>>, vector<16xi32>,
          %add3A_290 = vector.broadcast %mul3A_4 : i32 to vector<16xi32>
          %add3A_291 = arith.addi %get3A_289, %add3A_290 : vector<16xi32>
          %mul3A_292 = arith.constant 16 : i32
          %mul3A_293 = arith.muli %add3A_285, %mul3A_292 : i32
          %swap3A_294 = arith.index_cast %mul3A_293 : i32 to index
          %swap3A_295 = tpu.vector_load %arg11[%swap3A_294] {strides = array<i32>} : memref<400xi32, #tpu.memory_space<vmem>>, vector<16xi32>,
          tpu.vector_store %arg11[%swap3A_294], %add3A_291 {strides = array<i32>} : memref<400xi32, #tpu.memory_space<vmem>>, vector<16xi32>,
          %scan3A_296 = arith.constant 3 : i32
          %scan3A_297 = arith.addi %scan3A_249, %scan3A_296 : i32
          %mul3A_298 = arith.constant 1 : i32
          %mul3A_299 = arith.muli %scan3A_297, %mul3A_298 : i32
          %add3A_300 = arith.constant 0 : i32
          %add3A_301 = arith.addi %add3A_300, %mul3A_299 : i32
          %mul3A_302 = arith.constant 16 : i32
          %mul3A_303 = arith.muli %add3A_301, %mul3A_302 : i32
          %get3A_304 = arith.index_cast %mul3A_303 : i32 to index
          %get3A_305 = tpu.vector_load %arg11[%get3A_304] {strides = array<i32>} : memref<400xi32, #tpu.memory_space<vmem>>, vector<16xi32>,
          %add3A_306 = vector.broadcast %mul3A_4 : i32 to vector<16xi32>
          %add3A_307 = arith.addi %get3A_305, %add3A_306 : vector<16xi32>
          %mul3A_308 = arith.constant 16 : i32
          %mul3A_309 = arith.muli %add3A_301, %mul3A_308 : i32
          %swap3A_310 = arith.index_cast %mul3A_309 : i32 to index
          %swap3A_311 = tpu.vector_load %arg11[%swap3A_310] {strides = array<i32>} : memref<400xi32, #tpu.memory_space<vmem>>, vector<16xi32>,
          tpu.vector_store %arg11[%swap3A_310], %add3A_307 {strides = array<i32>} : memref<400xi32, #tpu.memory_space<vmem>>, vector<16xi32>,
        }
        %scan3A_187 = arith.constant 24 : i32
        %scan3A_188 = arith.addi %scan3A_183, %scan3A_187 : i32
        %mul3A_189 = arith.constant 1 : i32
        %mul3A_190 = arith.muli %scan3A_188, %mul3A_189 : i32
        %add3A_191 = arith.constant 0 : i32
        %add3A_192 = arith.addi %add3A_191, %mul3A_190 : i32
        %mul3A_193 = arith.constant 16 : i32
        %mul3A_194 = arith.muli %add3A_192, %mul3A_193 : i32
        %get3A = arith.index_cast %mul3A_194 : i32 to index
        %get3A_195 = tpu.vector_load %arg11[%get3A] {strides = array<i32>} : memref<400xi32, #tpu.memory_space<vmem>>, vector<16xi32>,
        %add3A_196 = vector.broadcast %mul3A_4 : i32 to vector<16xi32>
        %add3A_197 = arith.addi %get3A_195, %add3A_196 : vector<16xi32>
        %mul3A_198 = arith.constant 16 : i32
        %mul3A_199 = arith.muli %add3A_192, %mul3A_198 : i32
        %swap3A_200 = arith.index_cast %mul3A_199 : i32 to index
        %swap3A_201 = tpu.vector_load %arg11[%swap3A_200] {strides = array<i32>} : memref<400xi32, #tpu.memory_space<vmem>>, vector<16xi32>,
        tpu.vector_store %arg11[%swap3A_200], %add3A_197 {strides = array<i32>} : memref<400xi32, #tpu.memory_space<vmem>>, vector<16xi32>,
        %scan3A_202 = arith.constant 25 : i32
        %dma_start3A_203 = arith.constant 0 : i32
        %dma_start3A_204 = arith.constant 0 : i32
        %dma_start3A_205 = tpu.memref_slice %arg7[%dma_start3A_203, %dma_start3A_204] : memref<102400x32xf32, #tpu.memory_space<hbm>> -> memref<102400x32xf32, #tpu.memory_space<hbm>>
        tpu.enqueue_indirect_dma source(%dma_start3A_205 : memref<102400x32xf32, #tpu.memory_space<hbm>>) target(%arg15 : memref<400x32xf32, #tpu.memory_space<vmem>>) offsets(%arg11 : memref<400xi32, #tpu.memory_space<vmem>>) semaphore(%arg20 : memref<!tpu.dma_semaphore, #tpu.memory_space<semaphore_mem>>)
        %dma_wait3A_206 = arith.constant 0 : i32
        %dma_wait3A_207 = arith.constant 0 : i32
        %dma_wait3A_208 = tpu.memref_slice %arg7[%dma_wait3A_206, %dma_wait3A_207] : memref<102400x32xf32, #tpu.memory_space<hbm>> -> memref<102400x32xf32, #tpu.memory_space<hbm>>
        tpu.wait_indirect_dma semaphore(%arg20 : memref<!tpu.dma_semaphore, #tpu.memory_space<semaphore_mem>>) src(%dma_wait3A_208 : memref<102400x32xf32, #tpu.memory_space<hbm>>) dst(%arg15 : memref<400x32xf32, #tpu.memory_space<vmem>>)
        "tpu.region"() ({
          %run_scoped3A = tpu.sem_alloc : memref<!tpu.dma_semaphore, #tpu.memory_space<semaphore_mem>>
          %dma_start3A_249 = arith.constant 0 : i32
          %dma_start3A_250 = arith.constant 0 : i32
          %dma_start3A_251 = tpu.memref_slice %arg9[%dma_start3A_249, %dma_start3A_250] : memref<51200x32xf32, #tpu.memory_space<vmem_shared>> -> memref<51200x32xf32, #tpu.memory_space<vmem_shared>>
          tpu.enqueue_indirect_dma source(%arg15 : memref<400x32xf32, #tpu.memory_space<vmem>>) target(%dma_start3A_251 : memref<51200x32xf32, #tpu.memory_space<vmem_shared>>) offsets(%arg13 : memref<400xi32, #tpu.memory_space<vmem>>) semaphore(%run_scoped3A : memref<!tpu.dma_semaphore, #tpu.memory_space<semaphore_mem>>) {add = true}
          %dma_wait3A_252 = arith.constant 0 : i32
          %dma_wait3A_253 = arith.constant 0 : i32
          %dma_wait3A_254 = tpu.memref_slice %arg9[%dma_wait3A_252, %dma_wait3A_253] : memref<51200x32xf32, #tpu.memory_space<vmem_shared>> -> memref<51200x32xf32, #tpu.memory_space<vmem_shared>>
          tpu.wait_indirect_dma semaphore(%run_scoped3A : memref<!tpu.dma_semaphore, #tpu.memory_space<semaphore_mem>>) src(%arg15 : memref<400x32xf32, #tpu.memory_space<vmem>>) dst(%dma_wait3A_254 : memref<51200x32xf32, #tpu.memory_space<vmem_shared>>)
          tpu.yield
        }) : () -> ()
        %dma_wait3A_209 = tpu.memref_slice %arg2[%mul3A_2] : memref<1600800xi32, #tpu.memory_space<hbm>> -> memref<400xi32, #tpu.memory_space<hbm>>
        %dma_wait3A_210 = tpu.memref_slice %arg2[%mul3A_2] : memref<1600800xi32, #tpu.memory_space<hbm>> -> memref<400xi32, #tpu.memory_space<hbm>>
        tpu.wait_dma2 semaphore(%arg22 : memref<!tpu.dma_semaphore, #tpu.memory_space<semaphore_mem>>) src(%dma_wait3A_210 : memref<400xi32, #tpu.memory_space<hbm>>) dst(%arg12 : memref<400xi32, #tpu.memory_space<vmem>>)
        %dma_wait3A_211 = tpu.memref_slice %arg3[%mul3A_2] : memref<1600800xi32, #tpu.memory_space<hbm>> -> memref<400xi32, #tpu.memory_space<hbm>>
        %dma_wait3A_212 = tpu.memref_slice %arg3[%mul3A_2] : memref<1600800xi32, #tpu.memory_space<hbm>> -> memref<400xi32, #tpu.memory_space<hbm>>
        tpu.wait_dma2 semaphore(%arg24 : memref<!tpu.dma_semaphore, #tpu.memory_space<semaphore_mem>>) src(%dma_wait3A_212 : memref<400xi32, #tpu.memory_space<hbm>>) dst(%arg14 : memref<400xi32, #tpu.memory_space<vmem>>)
        %add3A_213 = arith.constant 2 : i32
        %add3A_214 = arith.addi %mul3A_169, %add3A_213 : i32
        %mul3A_215 = arith.constant 400 : i32
        %mul3A_216 = arith.muli %add3A_214, %mul3A_215 : i32
        %add3A_217 = arith.addi %mul3A_2, %mul3A_216 : i32
        %dma_start3A_218 = tpu.memref_slice %arg2[%add3A_217] : memref<1600800xi32, #tpu.memory_space<hbm>> -> memref<400xi32, #tpu.memory_space<hbm>>
        %dma_start3A_219 = tpu.memref_slice %arg2[%add3A_217] : memref<1600800xi32, #tpu.memory_space<hbm>> -> memref<400xi32, #tpu.memory_space<hbm>>
        tpu.enqueue_dma source(%dma_start3A_219 : memref<400xi32, #tpu.memory_space<hbm>>) target(%arg11 : memref<400xi32, #tpu.memory_space<vmem>>) target_semaphore(%arg21 : memref<!tpu.dma_semaphore, #tpu.memory_space<semaphore_mem>>)
        %dma_start3A_220 = tpu.memref_slice %arg3[%add3A_217] : memref<1600800xi32, #tpu.memory_space<hbm>> -> memref<400xi32, #tpu.memory_space<hbm>>
        %dma_start3A_221 = tpu.memref_slice %arg3[%add3A_217] : memref<1600800xi32, #tpu.memory_space<hbm>> -> memref<400xi32, #tpu.memory_space<hbm>>
        tpu.enqueue_dma source(%dma_start3A_221 : memref<400xi32, #tpu.memory_space<hbm>>) target(%arg13 : memref<400xi32, #tpu.memory_space<vmem>>) target_semaphore(%arg23 : memref<!tpu.dma_semaphore, #tpu.memory_space<semaphore_mem>>)
        %scan3A_222 = arith.constant 0 : i32
        %scan3A_223 = arith.constant 24 : i32
        %scan3A_224 = arith.addi %scan3A_222, %scan3A_223 : i32
        %scan3A_225 = arith.constant 4 : i32
        scf.for %scan3A_249 = %scan3A_222 to %scan3A_224 step %scan3A_225  : i32 {
          %mul3A_250 = arith.constant 1 : i32
          %mul3A_251 = arith.muli %scan3A_249, %mul3A_250 : i32
          %add3A_252 = arith.constant 0 : i32
          %add3A_253 = arith.addi %add3A_252, %mul3A_251 : i32
          %mul3A_254 = arith.constant 16 : i32
          %mul3A_255 = arith.muli %add3A_253, %mul3A_254 : i32
          %get3A_256 = arith.index_cast %mul3A_255 : i32 to index
          %get3A_257 = tpu.vector_load %arg12[%get3A_256] {strides = array<i32>} : memref<400xi32, #tpu.memory_space<vmem>>, vector<16xi32>,
          %add3A_258 = vector.broadcast %mul3A_4 : i32 to vector<16xi32>
          %add3A_259 = arith.addi %get3A_257, %add3A_258 : vector<16xi32>
          %mul3A_260 = arith.constant 16 : i32
          %mul3A_261 = arith.muli %add3A_253, %mul3A_260 : i32
          %swap3A_262 = arith.index_cast %mul3A_261 : i32 to index
          %swap3A_263 = tpu.vector_load %arg12[%swap3A_262] {strides = array<i32>} : memref<400xi32, #tpu.memory_space<vmem>>, vector<16xi32>,
          tpu.vector_store %arg12[%swap3A_262], %add3A_259 {strides = array<i32>} : memref<400xi32, #tpu.memory_space<vmem>>, vector<16xi32>,
          %scan3A_264 = arith.constant 1 : i32
          %scan3A_265 = arith.addi %scan3A_249, %scan3A_264 : i32
          %mul3A_266 = arith.constant 1 : i32
          %mul3A_267 = arith.muli %scan3A_265, %mul3A_266 : i32
          %add3A_268 = arith.constant 0 : i32
          %add3A_269 = arith.addi %add3A_268, %mul3A_267 : i32
          %mul3A_270 = arith.constant 16 : i32
          %mul3A_271 = arith.muli %add3A_269, %mul3A_270 : i32
          %get3A_272 = arith.index_cast %mul3A_271 : i32 to index
          %get3A_273 = tpu.vector_load %arg12[%get3A_272] {strides = array<i32>} : memref<400xi32, #tpu.memory_space<vmem>>, vector<16xi32>,
          %add3A_274 = vector.broadcast %mul3A_4 : i32 to vector<16xi32>
          %add3A_275 = arith.addi %get3A_273, %add3A_274 : vector<16xi32>
          %mul3A_276 = arith.constant 16 : i32
          %mul3A_277 = arith.muli %add3A_269, %mul3A_276 : i32
          %swap3A_278 = arith.index_cast %mul3A_277 : i32 to index
          %swap3A_279 = tpu.vector_load %arg12[%swap3A_278] {strides = array<i32>} : memref<400xi32, #tpu.memory_space<vmem>>, vector<16xi32>,
          tpu.vector_store %arg12[%swap3A_278], %add3A_275 {strides = array<i32>} : memref<400xi32, #tpu.memory_space<vmem>>, vector<16xi32>,
          %scan3A_280 = arith.constant 2 : i32
          %scan3A_281 = arith.addi %scan3A_249, %scan3A_280 : i32
          %mul3A_282 = arith.constant 1 : i32
          %mul3A_283 = arith.muli %scan3A_281, %mul3A_282 : i32
          %add3A_284 = arith.constant 0 : i32
          %add3A_285 = arith.addi %add3A_284, %mul3A_283 : i32
          %mul3A_286 = arith.constant 16 : i32
          %mul3A_287 = arith.muli %add3A_285, %mul3A_286 : i32
          %get3A_288 = arith.index_cast %mul3A_287 : i32 to index
          %get3A_289 = tpu.vector_load %arg12[%get3A_288] {strides = array<i32>} : memref<400xi32, #tpu.memory_space<vmem>>, vector<16xi32>,
          %add3A_290 = vector.broadcast %mul3A_4 : i32 to vector<16xi32>
          %add3A_291 = arith.addi %get3A_289, %add3A_290 : vector<16xi32>
          %mul3A_292 = arith.constant 16 : i32
          %mul3A_293 = arith.muli %add3A_285, %mul3A_292 : i32
          %swap3A_294 = arith.index_cast %mul3A_293 : i32 to index
          %swap3A_295 = tpu.vector_load %arg12[%swap3A_294] {strides = array<i32>} : memref<400xi32, #tpu.memory_space<vmem>>, vector<16xi32>,
          tpu.vector_store %arg12[%swap3A_294], %add3A_291 {strides = array<i32>} : memref<400xi32, #tpu.memory_space<vmem>>, vector<16xi32>,
          %scan3A_296 = arith.constant 3 : i32
          %scan3A_297 = arith.addi %scan3A_249, %scan3A_296 : i32
          %mul3A_298 = arith.constant 1 : i32
          %mul3A_299 = arith.muli %scan3A_297, %mul3A_298 : i32
          %add3A_300 = arith.constant 0 : i32
          %add3A_301 = arith.addi %add3A_300, %mul3A_299 : i32
          %mul3A_302 = arith.constant 16 : i32
          %mul3A_303 = arith.muli %add3A_301, %mul3A_302 : i32
          %get3A_304 = arith.index_cast %mul3A_303 : i32 to index
          %get3A_305 = tpu.vector_load %arg12[%get3A_304] {strides = array<i32>} : memref<400xi32, #tpu.memory_space<vmem>>, vector<16xi32>,
          %add3A_306 = vector.broadcast %mul3A_4 : i32 to vector<16xi32>
          %add3A_307 = arith.addi %get3A_305, %add3A_306 : vector<16xi32>
          %mul3A_308 = arith.constant 16 : i32
          %mul3A_309 = arith.muli %add3A_301, %mul3A_308 : i32
          %swap3A_310 = arith.index_cast %mul3A_309 : i32 to index
          %swap3A_311 = tpu.vector_load %arg12[%swap3A_310] {strides = array<i32>} : memref<400xi32, #tpu.memory_space<vmem>>, vector<16xi32>,
          tpu.vector_store %arg12[%swap3A_310], %add3A_307 {strides = array<i32>} : memref<400xi32, #tpu.memory_space<vmem>>, vector<16xi32>,
        }
        %scan3A_226 = arith.constant 24 : i32
        %scan3A_227 = arith.addi %scan3A_222, %scan3A_226 : i32
        %mul3A_228 = arith.constant 1 : i32
        %mul3A_229 = arith.muli %scan3A_227, %mul3A_228 : i32
        %add3A_230 = arith.constant 0 : i32
        %add3A_231 = arith.addi %add3A_230, %mul3A_229 : i32
        %mul3A_232 = arith.constant 16 : i32
        %mul3A_233 = arith.muli %add3A_231, %mul3A_232 : i32
        %get3A_234 = arith.index_cast %mul3A_233 : i32 to index
        %get3A_235 = tpu.vector_load %arg12[%get3A_234] {strides = array<i32>} : memref<400xi32, #tpu.memory_space<vmem>>, vector<16xi32>,
        %add3A_236 = vector.broadcast %mul3A_4 : i32 to vector<16xi32>
        %add3A_237 = arith.addi %get3A_235, %add3A_236 : vector<16xi32>
        %mul3A_238 = arith.constant 16 : i32
        %mul3A_239 = arith.muli %add3A_231, %mul3A_238 : i32
        %swap3A_240 = arith.index_cast %mul3A_239 : i32 to index
        %swap3A_241 = tpu.vector_load %arg12[%swap3A_240] {strides = array<i32>} : memref<400xi32, #tpu.memory_space<vmem>>, vector<16xi32>,
        tpu.vector_store %arg12[%swap3A_240], %add3A_237 {strides = array<i32>} : memref<400xi32, #tpu.memory_space<vmem>>, vector<16xi32>,
        %scan3A_242 = arith.constant 25 : i32
        %dma_start3A_243 = arith.constant 0 : i32
        %dma_start3A_244 = arith.constant 0 : i32
        %dma_start3A_245 = tpu.memref_slice %arg7[%dma_start3A_243, %dma_start3A_244] : memref<102400x32xf32, #tpu.memory_space<hbm>> -> memref<102400x32xf32, #tpu.memory_space<hbm>>
        tpu.enqueue_indirect_dma source(%dma_start3A_245 : memref<102400x32xf32, #tpu.memory_space<hbm>>) target(%arg15 : memref<400x32xf32, #tpu.memory_space<vmem>>) offsets(%arg12 : memref<400xi32, #tpu.memory_space<vmem>>) semaphore(%arg20 : memref<!tpu.dma_semaphore, #tpu.memory_space<semaphore_mem>>)
        %dma_wait3A_246 = arith.constant 0 : i32
        %dma_wait3A_247 = arith.constant 0 : i32
        %dma_wait3A_248 = tpu.memref_slice %arg7[%dma_wait3A_246, %dma_wait3A_247] : memref<102400x32xf32, #tpu.memory_space<hbm>> -> memref<102400x32xf32, #tpu.memory_space<hbm>>
        tpu.wait_indirect_dma semaphore(%arg20 : memref<!tpu.dma_semaphore, #tpu.memory_space<semaphore_mem>>) src(%dma_wait3A_248 : memref<102400x32xf32, #tpu.memory_space<hbm>>) dst(%arg15 : memref<400x32xf32, #tpu.memory_space<vmem>>)
        "tpu.region"() ({
          %run_scoped3A = tpu.sem_alloc : memref<!tpu.dma_semaphore, #tpu.memory_space<semaphore_mem>>
          %dma_start3A_249 = arith.constant 0 : i32
          %dma_start3A_250 = arith.constant 0 : i32
          %dma_start3A_251 = tpu.memref_slice %arg9[%dma_start3A_249, %dma_start3A_250] : memref<51200x32xf32, #tpu.memory_space<vmem_shared>> -> memref<51200x32xf32, #tpu.memory_space<vmem_shared>>
          tpu.enqueue_indirect_dma source(%arg15 : memref<400x32xf32, #tpu.memory_space<vmem>>) target(%dma_start3A_251 : memref<51200x32xf32, #tpu.memory_space<vmem_shared>>) offsets(%arg14 : memref<400xi32, #tpu.memory_space<vmem>>) semaphore(%run_scoped3A : memref<!tpu.dma_semaphore, #tpu.memory_space<semaphore_mem>>) {add = true}
          %dma_wait3A_252 = arith.constant 0 : i32
          %dma_wait3A_253 = arith.constant 0 : i32
          %dma_wait3A_254 = tpu.memref_slice %arg9[%dma_wait3A_252, %dma_wait3A_253] : memref<51200x32xf32, #tpu.memory_space<vmem_shared>> -> memref<51200x32xf32, #tpu.memory_space<vmem_shared>>
          tpu.wait_indirect_dma semaphore(%run_scoped3A : memref<!tpu.dma_semaphore, #tpu.memory_space<semaphore_mem>>) src(%arg15 : memref<400x32xf32, #tpu.memory_space<vmem>>) dst(%dma_wait3A_254 : memref<51200x32xf32, #tpu.memory_space<vmem_shared>>)
          tpu.yield
        }) : () -> ()
      }
      %scan3A_66 = arith.constant 125 : i32
      %dma_wait3A = tpu.memref_slice %arg2[%mul3A_2] : memref<1600800xi32, #tpu.memory_space<hbm>> -> memref<400xi32, #tpu.memory_space<hbm>>
      %dma_wait3A_67 = tpu.memref_slice %arg2[%mul3A_2] : memref<1600800xi32, #tpu.memory_space<hbm>> -> memref<400xi32, #tpu.memory_space<hbm>>
      tpu.wait_dma2 semaphore(%arg21 : memref<!tpu.dma_semaphore, #tpu.memory_space<semaphore_mem>>) src(%dma_wait3A_67 : memref<400xi32, #tpu.memory_space<hbm>>) dst(%arg11 : memref<400xi32, #tpu.memory_space<vmem>>)
      %dma_wait3A_68 = tpu.memref_slice %arg3[%mul3A_2] : memref<1600800xi32, #tpu.memory_space<hbm>> -> memref<400xi32, #tpu.memory_space<hbm>>
      %dma_wait3A_69 = tpu.memref_slice %arg3[%mul3A_2] : memref<1600800xi32, #tpu.memory_space<hbm>> -> memref<400xi32, #tpu.memory_space<hbm>>
      tpu.wait_dma2 semaphore(%arg23 : memref<!tpu.dma_semaphore, #tpu.memory_space<semaphore_mem>>) src(%dma_wait3A_69 : memref<400xi32, #tpu.memory_space<hbm>>) dst(%arg13 : memref<400xi32, #tpu.memory_space<vmem>>)
      %barrier3A_70 = arith.constant 0 : index
      tpu.barrier barrier_id(%barrier3A_70)
      %mul3A_71 = arith.constant 2 : i32
      %mul3A_72 = arith.muli %mul3A_71, %add3A_56 : i32
      %scan3A_73 = arith.constant 0 : i32
      %scan3A_74 = arith.constant 800 : i32
      %scan3A_75 = arith.addi %scan3A_73, %scan3A_74 : i32
      %scan3A_76 = arith.constant 4 : i32
      scf.for %scan3A_163 = %scan3A_73 to %scan3A_75 step %scan3A_76  : i32 {
        %mul3A_164 = arith.constant 1 : i32
        %mul3A_165 = arith.muli %scan3A_163, %mul3A_164 : i32
        %add3A_166 = arith.constant 0 : i32
        %add3A_167 = arith.addi %add3A_166, %mul3A_165 : i32
        %broadcast_in_dim3A_168 = arith.constant 0.000000e+00 : f32
        %broadcast_in_dim3A_169 = vector.broadcast %broadcast_in_dim3A_168 : f32 to vector<16xf32>
        %jit3A = arith.constant 2 : i32
        %div3A = arith.divsi %add3A_167, %jit3A : i32
        %sign3A = arith.constant 0 : i32
        %sign3A_170 = arith.cmpi sgt, %add3A_167, %sign3A : i32
        %sign3A_171 = arith.extui %sign3A_170 : i1 to i32
        %sign3A_172 = arith.constant 0 : i32
        %sign3A_173 = arith.cmpi slt, %add3A_167, %sign3A_172 : i32
        %sign3A_174 = arith.extui %sign3A_173 : i1 to i32
        %sign3A_175 = arith.subi %sign3A_171, %sign3A_174 : i32
        %sign3A_176 = arith.constant 0 : i32
        %sign3A_177 = arith.cmpi sgt, %jit3A, %sign3A_176 : i32
        %sign3A_178 = arith.extui %sign3A_177 : i1 to i32
        %sign3A_179 = arith.constant 0 : i32
        %sign3A_180 = arith.cmpi slt, %jit3A, %sign3A_179 : i32
        %sign3A_181 = arith.extui %sign3A_180 : i1 to i32
        %sign3A_182 = arith.subi %sign3A_178, %sign3A_181 : i32
        %ne3A = arith.cmpi ne, %sign3A_175, %sign3A_182 : i32
        %rem3A = arith.remsi %add3A_167, %jit3A : i32
        %ne3A_183 = arith.constant 0 : i32
        %ne3A_184 = arith.cmpi ne, %rem3A, %ne3A_183 : i32
        %and3A = arith.andi %ne3A, %ne3A_184 : i1
        %sub3A = arith.constant 1 : i32
        %sub3A_185 = arith.subi %div3A, %sub3A : i32
        %select_n3A = arith.select %and3A, %sub3A_185, %div3A : i32
        %jit3A_186 = arith.constant 2 : i32
        %eq3A_187 = arith.constant 0 : i32
        %eq3A_188 = arith.cmpi eq, %jit3A_186, %eq3A_187 : i32
        %jit3A_189 = arith.constant 1 : i32
        %select_n3A_190 = arith.select %eq3A_188, %jit3A_189, %jit3A_186 : i32
        %rem3A_191 = arith.remsi %add3A_167, %select_n3A_190 : i32
        %ne3A_192 = arith.constant 0 : i32
        %ne3A_193 = arith.cmpi ne, %rem3A_191, %ne3A_192 : i32
        %lt3A = arith.constant 0 : i32
        %lt3A_194 = arith.cmpi slt, %rem3A_191, %lt3A : i32
        %lt3A_195 = arith.constant 0 : i32
        %lt3A_196 = arith.cmpi slt, %select_n3A_190, %lt3A_195 : i32
        %ne3A_197 = arith.xori %lt3A_194, %lt3A_196 : i1
        %and3A_198 = arith.andi %ne3A_197, %ne3A_193 : i1
        %add3A_199 = arith.addi %rem3A_191, %select_n3A_190 : i32
        %select_n3A_200 = arith.select %and3A_198, %add3A_199, %rem3A_191 : i32
        %mul3A_201 = arith.constant 16 : i32
        %mul3A_202 = arith.muli %select_n3A_200, %mul3A_201 : i32
        %swap3A_203 = arith.index_cast %select_n3A : i32 to index
        %swap3A_204 = arith.index_cast %mul3A_202 : i32 to index
        %swap3A_205 = tpu.vector_load %arg15[%swap3A_203, %swap3A_204] {strides = array<i32>} : memref<400x32xf32, #tpu.memory_space<vmem>>, vector<16xf32>,
        tpu.vector_store %arg15[%swap3A_203, %swap3A_204], %broadcast_in_dim3A_169 {strides = array<i32>} : memref<400x32xf32, #tpu.memory_space<vmem>>, vector<16xf32>,
        %scan3A_206 = arith.constant 1 : i32
        %scan3A_207 = arith.addi %scan3A_163, %scan3A_206 : i32
        %mul3A_208 = arith.constant 1 : i32
        %mul3A_209 = arith.muli %scan3A_207, %mul3A_208 : i32
        %add3A_210 = arith.constant 0 : i32
        %add3A_211 = arith.addi %add3A_210, %mul3A_209 : i32
        %broadcast_in_dim3A_212 = arith.constant 0.000000e+00 : f32
        %broadcast_in_dim3A_213 = vector.broadcast %broadcast_in_dim3A_212 : f32 to vector<16xf32>
        %jit3A_214 = arith.constant 2 : i32
        %div3A_215 = arith.divsi %add3A_211, %jit3A_214 : i32
        %sign3A_216 = arith.constant 0 : i32
        %sign3A_217 = arith.cmpi sgt, %add3A_211, %sign3A_216 : i32
        %sign3A_218 = arith.extui %sign3A_217 : i1 to i32
        %sign3A_219 = arith.constant 0 : i32
        %sign3A_220 = arith.cmpi slt, %add3A_211, %sign3A_219 : i32
        %sign3A_221 = arith.extui %sign3A_220 : i1 to i32
        %sign3A_222 = arith.subi %sign3A_218, %sign3A_221 : i32
        %sign3A_223 = arith.constant 0 : i32
        %sign3A_224 = arith.cmpi sgt, %jit3A_214, %sign3A_223 : i32
        %sign3A_225 = arith.extui %sign3A_224 : i1 to i32
        %sign3A_226 = arith.constant 0 : i32
        %sign3A_227 = arith.cmpi slt, %jit3A_214, %sign3A_226 : i32
        %sign3A_228 = arith.extui %sign3A_227 : i1 to i32
        %sign3A_229 = arith.subi %sign3A_225, %sign3A_228 : i32
        %ne3A_230 = arith.cmpi ne, %sign3A_222, %sign3A_229 : i32
        %rem3A_231 = arith.remsi %add3A_211, %jit3A_214 : i32
        %ne3A_232 = arith.constant 0 : i32
        %ne3A_233 = arith.cmpi ne, %rem3A_231, %ne3A_232 : i32
        %and3A_234 = arith.andi %ne3A_230, %ne3A_233 : i1
        %sub3A_235 = arith.constant 1 : i32
        %sub3A_236 = arith.subi %div3A_215, %sub3A_235 : i32
        %select_n3A_237 = arith.select %and3A_234, %sub3A_236, %div3A_215 : i32
        %jit3A_238 = arith.constant 2 : i32
        %eq3A_239 = arith.constant 0 : i32
        %eq3A_240 = arith.cmpi eq, %jit3A_238, %eq3A_239 : i32
        %jit3A_241 = arith.constant 1 : i32
        %select_n3A_242 = arith.select %eq3A_240, %jit3A_241, %jit3A_238 : i32
        %rem3A_243 = arith.remsi %add3A_211, %select_n3A_242 : i32
        %ne3A_244 = arith.constant 0 : i32
        %ne3A_245 = arith.cmpi ne, %rem3A_243, %ne3A_244 : i32
        %lt3A_246 = arith.constant 0 : i32
        %lt3A_247 = arith.cmpi slt, %rem3A_243, %lt3A_246 : i32
        %lt3A_248 = arith.constant 0 : i32
        %lt3A_249 = arith.cmpi slt, %select_n3A_242, %lt3A_248 : i32
        %ne3A_250 = arith.xori %lt3A_247, %lt3A_249 : i1
        %and3A_251 = arith.andi %ne3A_250, %ne3A_245 : i1
        %add3A_252 = arith.addi %rem3A_243, %select_n3A_242 : i32
        %select_n3A_253 = arith.select %and3A_251, %add3A_252, %rem3A_243 : i32
        %mul3A_254 = arith.constant 16 : i32
        %mul3A_255 = arith.muli %select_n3A_253, %mul3A_254 : i32
        %swap3A_256 = arith.index_cast %select_n3A_237 : i32 to index
        %swap3A_257 = arith.index_cast %mul3A_255 : i32 to index
        %swap3A_258 = tpu.vector_load %arg15[%swap3A_256, %swap3A_257] {strides = array<i32>} : memref<400x32xf32, #tpu.memory_space<vmem>>, vector<16xf32>,
        tpu.vector_store %arg15[%swap3A_256, %swap3A_257], %broadcast_in_dim3A_213 {strides = array<i32>} : memref<400x32xf32, #tpu.memory_space<vmem>>, vector<16xf32>,
        %scan3A_259 = arith.constant 2 : i32
        %scan3A_260 = arith.addi %scan3A_163, %scan3A_259 : i32
        %mul3A_261 = arith.constant 1 : i32
        %mul3A_262 = arith.muli %scan3A_260, %mul3A_261 : i32
        %add3A_263 = arith.constant 0 : i32
        %add3A_264 = arith.addi %add3A_263, %mul3A_262 : i32
        %broadcast_in_dim3A_265 = arith.constant 0.000000e+00 : f32
        %broadcast_in_dim3A_266 = vector.broadcast %broadcast_in_dim3A_265 : f32 to vector<16xf32>
        %jit3A_267 = arith.constant 2 : i32
        %div3A_268 = arith.divsi %add3A_264, %jit3A_267 : i32
        %sign3A_269 = arith.constant 0 : i32
        %sign3A_270 = arith.cmpi sgt, %add3A_264, %sign3A_269 : i32
        %sign3A_271 = arith.extui %sign3A_270 : i1 to i32
        %sign3A_272 = arith.constant 0 : i32
        %sign3A_273 = arith.cmpi slt, %add3A_264, %sign3A_272 : i32
        %sign3A_274 = arith.extui %sign3A_273 : i1 to i32
        %sign3A_275 = arith.subi %sign3A_271, %sign3A_274 : i32
        %sign3A_276 = arith.constant 0 : i32
        %sign3A_277 = arith.cmpi sgt, %jit3A_267, %sign3A_276 : i32
        %sign3A_278 = arith.extui %sign3A_277 : i1 to i32
        %sign3A_279 = arith.constant 0 : i32
        %sign3A_280 = arith.cmpi slt, %jit3A_267, %sign3A_279 : i32
        %sign3A_281 = arith.extui %sign3A_280 : i1 to i32
        %sign3A_282 = arith.subi %sign3A_278, %sign3A_281 : i32
        %ne3A_283 = arith.cmpi ne, %sign3A_275, %sign3A_282 : i32
        %rem3A_284 = arith.remsi %add3A_264, %jit3A_267 : i32
        %ne3A_285 = arith.constant 0 : i32
        %ne3A_286 = arith.cmpi ne, %rem3A_284, %ne3A_285 : i32
        %and3A_287 = arith.andi %ne3A_283, %ne3A_286 : i1
        %sub3A_288 = arith.constant 1 : i32
        %sub3A_289 = arith.subi %div3A_268, %sub3A_288 : i32
        %select_n3A_290 = arith.select %and3A_287, %sub3A_289, %div3A_268 : i32
        %jit3A_291 = arith.constant 2 : i32
        %eq3A_292 = arith.constant 0 : i32
        %eq3A_293 = arith.cmpi eq, %jit3A_291, %eq3A_292 : i32
        %jit3A_294 = arith.constant 1 : i32
        %select_n3A_295 = arith.select %eq3A_293, %jit3A_294, %jit3A_291 : i32
        %rem3A_296 = arith.remsi %add3A_264, %select_n3A_295 : i32
        %ne3A_297 = arith.constant 0 : i32
        %ne3A_298 = arith.cmpi ne, %rem3A_296, %ne3A_297 : i32
        %lt3A_299 = arith.constant 0 : i32
        %lt3A_300 = arith.cmpi slt, %rem3A_296, %lt3A_299 : i32
        %lt3A_301 = arith.constant 0 : i32
        %lt3A_302 = arith.cmpi slt, %select_n3A_295, %lt3A_301 : i32
        %ne3A_303 = arith.xori %lt3A_300, %lt3A_302 : i1
        %and3A_304 = arith.andi %ne3A_303, %ne3A_298 : i1
        %add3A_305 = arith.addi %rem3A_296, %select_n3A_295 : i32
        %select_n3A_306 = arith.select %and3A_304, %add3A_305, %rem3A_296 : i32
        %mul3A_307 = arith.constant 16 : i32
        %mul3A_308 = arith.muli %select_n3A_306, %mul3A_307 : i32
        %swap3A_309 = arith.index_cast %select_n3A_290 : i32 to index
        %swap3A_310 = arith.index_cast %mul3A_308 : i32 to index
        %swap3A_311 = tpu.vector_load %arg15[%swap3A_309, %swap3A_310] {strides = array<i32>} : memref<400x32xf32, #tpu.memory_space<vmem>>, vector<16xf32>,
        tpu.vector_store %arg15[%swap3A_309, %swap3A_310], %broadcast_in_dim3A_266 {strides = array<i32>} : memref<400x32xf32, #tpu.memory_space<vmem>>, vector<16xf32>,
        %scan3A_312 = arith.constant 3 : i32
        %scan3A_313 = arith.addi %scan3A_163, %scan3A_312 : i32
        %mul3A_314 = arith.constant 1 : i32
        %mul3A_315 = arith.muli %scan3A_313, %mul3A_314 : i32
        %add3A_316 = arith.constant 0 : i32
        %add3A_317 = arith.addi %add3A_316, %mul3A_315 : i32
        %broadcast_in_dim3A_318 = arith.constant 0.000000e+00 : f32
        %broadcast_in_dim3A_319 = vector.broadcast %broadcast_in_dim3A_318 : f32 to vector<16xf32>
        %jit3A_320 = arith.constant 2 : i32
        %div3A_321 = arith.divsi %add3A_317, %jit3A_320 : i32
        %sign3A_322 = arith.constant 0 : i32
        %sign3A_323 = arith.cmpi sgt, %add3A_317, %sign3A_322 : i32
        %sign3A_324 = arith.extui %sign3A_323 : i1 to i32
        %sign3A_325 = arith.constant 0 : i32
        %sign3A_326 = arith.cmpi slt, %add3A_317, %sign3A_325 : i32
        %sign3A_327 = arith.extui %sign3A_326 : i1 to i32
        %sign3A_328 = arith.subi %sign3A_324, %sign3A_327 : i32
        %sign3A_329 = arith.constant 0 : i32
        %sign3A_330 = arith.cmpi sgt, %jit3A_320, %sign3A_329 : i32
        %sign3A_331 = arith.extui %sign3A_330 : i1 to i32
        %sign3A_332 = arith.constant 0 : i32
        %sign3A_333 = arith.cmpi slt, %jit3A_320, %sign3A_332 : i32
        %sign3A_334 = arith.extui %sign3A_333 : i1 to i32
        %sign3A_335 = arith.subi %sign3A_331, %sign3A_334 : i32
        %ne3A_336 = arith.cmpi ne, %sign3A_328, %sign3A_335 : i32
        %rem3A_337 = arith.remsi %add3A_317, %jit3A_320 : i32
        %ne3A_338 = arith.constant 0 : i32
        %ne3A_339 = arith.cmpi ne, %rem3A_337, %ne3A_338 : i32
        %and3A_340 = arith.andi %ne3A_336, %ne3A_339 : i1
        %sub3A_341 = arith.constant 1 : i32
        %sub3A_342 = arith.subi %div3A_321, %sub3A_341 : i32
        %select_n3A_343 = arith.select %and3A_340, %sub3A_342, %div3A_321 : i32
        %jit3A_344 = arith.constant 2 : i32
        %eq3A_345 = arith.constant 0 : i32
        %eq3A_346 = arith.cmpi eq, %jit3A_344, %eq3A_345 : i32
        %jit3A_347 = arith.constant 1 : i32
        %select_n3A_348 = arith.select %eq3A_346, %jit3A_347, %jit3A_344 : i32
        %rem3A_349 = arith.remsi %add3A_317, %select_n3A_348 : i32
        %ne3A_350 = arith.constant 0 : i32
        %ne3A_351 = arith.cmpi ne, %rem3A_349, %ne3A_350 : i32
        %lt3A_352 = arith.constant 0 : i32
        %lt3A_353 = arith.cmpi slt, %rem3A_349, %lt3A_352 : i32
        %lt3A_354 = arith.constant 0 : i32
        %lt3A_355 = arith.cmpi slt, %select_n3A_348, %lt3A_354 : i32
        %ne3A_356 = arith.xori %lt3A_353, %lt3A_355 : i1
        %and3A_357 = arith.andi %ne3A_356, %ne3A_351 : i1
        %add3A_358 = arith.addi %rem3A_349, %select_n3A_348 : i32
        %select_n3A_359 = arith.select %and3A_357, %add3A_358, %rem3A_349 : i32
        %mul3A_360 = arith.constant 16 : i32
        %mul3A_361 = arith.muli %select_n3A_359, %mul3A_360 : i32
        %swap3A_362 = arith.index_cast %select_n3A_343 : i32 to index
        %swap3A_363 = arith.index_cast %mul3A_361 : i32 to index
        %swap3A_364 = tpu.vector_load %arg15[%swap3A_362, %swap3A_363] {strides = array<i32>} : memref<400x32xf32, #tpu.memory_space<vmem>>, vector<16xf32>,
        tpu.vector_store %arg15[%swap3A_362, %swap3A_363], %broadcast_in_dim3A_319 {strides = array<i32>} : memref<400x32xf32, #tpu.memory_space<vmem>>, vector<16xf32>,
      }
      %scan3A_77 = arith.constant 800 : i32
      %scan3A_78 = arith.constant 0 : i32
      %scan3A_79 = arith.constant 25 : i32
      %scan3A_80 = arith.addi %scan3A_78, %scan3A_79 : i32
      %scan3A_81 = arith.constant 1 : i32
      scf.for %scan3A_163 = %scan3A_78 to %scan3A_80 step %scan3A_81  : i32 {
        %mul3A_164 = arith.constant 1 : i32
        %mul3A_165 = arith.muli %scan3A_163, %mul3A_164 : i32
        %add3A_166 = arith.constant 0 : i32
        %add3A_167 = arith.addi %add3A_166, %mul3A_165 : i32
        %mul3A_168 = arith.constant 128 : i32
        %mul3A_169 = arith.muli %add3A_167, %mul3A_168 : i32
        %add3A_170 = arith.addi %mul3A_0, %mul3A_169 : i32
        %gt3A = arith.constant 0 : i32
        %gt3A_171 = arith.cmpi sgt, %add3A_167, %gt3A : i32
        %convert_element_type3A_172 = arith.extui %gt3A_171 : i1 to i32
        %cond3A_173 = arith.constant 0 : i32
        %cond3A_174 = arith.cmpi ne, %convert_element_type3A_172, %cond3A_173 : i32
        scf.if %cond3A_174 {
          %add3A_209 = arith.addi %mul3A_4, %mul3A_0 : i32
          %dma_wait3A_210 = arith.constant 0 : i32
          %dma_wait3A_211 = arith.constant 0 : i32
          %dma_wait3A_212 = tpu.memref_slice %arg5[%mul3A_72, %dma_wait3A_210, %dma_wait3A_211] : memref<10x102400x32xf32, #tpu.memory_space<hbm>> -> memref<1x102400x32xf32, #tpu.memory_space<hbm>>
          %dma_wait3A_213 = tpu.memref_squeeze %dma_wait3A_212 : memref<1x102400x32xf32, #tpu.memory_space<hbm>> -> memref<102400x32xf32, #tpu.memory_space<hbm>>
          %dma_wait3A_214 = arith.constant 0 : i32
          %dma_wait3A_215 = tpu.memref_slice %dma_wait3A_213[%add3A_209, %dma_wait3A_214] : memref<102400x32xf32, #tpu.memory_space<hbm>> -> memref<128x32xf32, #tpu.memory_space<hbm>>
          %dma_wait3A_216 = arith.constant 0 : i32
          %dma_wait3A_217 = arith.constant 0 : i32
          %dma_wait3A_218 = tpu.memref_slice %arg5[%mul3A_72, %dma_wait3A_216, %dma_wait3A_217] : memref<10x102400x32xf32, #tpu.memory_space<hbm>> -> memref<1x102400x32xf32, #tpu.memory_space<hbm>>
          %dma_wait3A_219 = tpu.memref_squeeze %dma_wait3A_218 : memref<1x102400x32xf32, #tpu.memory_space<hbm>> -> memref<102400x32xf32, #tpu.memory_space<hbm>>
          %dma_wait3A_220 = arith.constant 0 : i32
          %dma_wait3A_221 = tpu.memref_slice %dma_wait3A_219[%add3A_209, %dma_wait3A_220] : memref<102400x32xf32, #tpu.memory_space<hbm>> -> memref<128x32xf32, #tpu.memory_space<hbm>>
          tpu.wait_dma2 semaphore(%arg21 : memref<!tpu.dma_semaphore, #tpu.memory_space<semaphore_mem>>) src(%arg16 : memref<128x32xf32, #tpu.memory_space<vmem>>) dst(%dma_wait3A_221 : memref<128x32xf32, #tpu.memory_space<hbm>>)
        } else {
        }
        "tpu.region"() ({
          %run_scoped3A = tpu.sem_alloc : memref<!tpu.dma_semaphore, #tpu.memory_space<semaphore_mem>>
          %dma_start3A_209 = arith.constant 0 : i32
          %dma_start3A_210 = tpu.memref_slice %arg9[%add3A_170, %dma_start3A_209] : memref<51200x32xf32, #tpu.memory_space<vmem_shared>> -> memref<128x32xf32, #tpu.memory_space<vmem_shared>>
          %dma_start3A_211 = arith.constant 0 : i32
          %dma_start3A_212 = tpu.memref_slice %arg9[%add3A_170, %dma_start3A_211] : memref<51200x32xf32, #tpu.memory_space<vmem_shared>> -> memref<128x32xf32, #tpu.memory_space<vmem_shared>>
          tpu.enqueue_dma source(%dma_start3A_212 : memref<128x32xf32, #tpu.memory_space<vmem_shared>>) target(%arg16 : memref<128x32xf32, #tpu.memory_space<vmem>>) target_semaphore(%run_scoped3A : memref<!tpu.dma_semaphore, #tpu.memory_space<semaphore_mem>>)
          %dma_wait3A_213 = arith.constant 0 : i32
          %dma_wait3A_214 = tpu.memref_slice %arg9[%add3A_170, %dma_wait3A_213] : memref<51200x32xf32, #tpu.memory_space<vmem_shared>> -> memref<128x32xf32, #tpu.memory_space<vmem_shared>>
          %dma_wait3A_215 = arith.constant 0 : i32
          %dma_wait3A_216 = tpu.memref_slice %arg9[%add3A_170, %dma_wait3A_215] : memref<51200x32xf32, #tpu.memory_space<vmem_shared>> -> memref<128x32xf32, #tpu.memory_space<vmem_shared>>
          tpu.wait_dma2 semaphore(%run_scoped3A : memref<!tpu.dma_semaphore, #tpu.memory_space<semaphore_mem>>) src(%dma_wait3A_216 : memref<128x32xf32, #tpu.memory_space<vmem_shared>>) dst(%arg16 : memref<128x32xf32, #tpu.memory_space<vmem>>)
          tpu.yield
        }) : () -> ()
        "tpu.region"() ({
          %run_scoped3A = tpu.sem_alloc : memref<!tpu.dma_semaphore, #tpu.memory_space<semaphore_mem>>
          %dma_start3A_209 = arith.constant 0 : i32
          %dma_start3A_210 = arith.constant 0 : i32
          %dma_start3A_211 = tpu.memref_slice %arg15[%dma_start3A_209, %dma_start3A_210] : memref<400x32xf32, #tpu.memory_space<vmem>> -> memref<128x32xf32, #tpu.memory_space<vmem>>
          %dma_start3A_212 = arith.constant 0 : i32
          %dma_start3A_213 = tpu.memref_slice %arg9[%add3A_170, %dma_start3A_212] : memref<51200x32xf32, #tpu.memory_space<vmem_shared>> -> memref<128x32xf32, #tpu.memory_space<vmem_shared>>
          %dma_start3A_214 = arith.constant 0 : i32
          %dma_start3A_215 = tpu.memref_slice %arg9[%add3A_170, %dma_start3A_214] : memref<51200x32xf32, #tpu.memory_space<vmem_shared>> -> memref<128x32xf32, #tpu.memory_space<vmem_shared>>
          %dma_start3A_216 = arith.constant 0 : i32
          %dma_start3A_217 = arith.constant 0 : i32
          %dma_start3A_218 = tpu.memref_slice %arg15[%dma_start3A_216, %dma_start3A_217] : memref<400x32xf32, #tpu.memory_space<vmem>> -> memref<128x32xf32, #tpu.memory_space<vmem>>
          tpu.enqueue_dma source(%dma_start3A_218 : memref<128x32xf32, #tpu.memory_space<vmem>>) target(%dma_start3A_215 : memref<128x32xf32, #tpu.memory_space<vmem_shared>>) target_semaphore(%run_scoped3A : memref<!tpu.dma_semaphore, #tpu.memory_space<semaphore_mem>>)
          %dma_wait3A_219 = arith.constant 0 : i32
          %dma_wait3A_220 = arith.constant 0 : i32
          %dma_wait3A_221 = tpu.memref_slice %arg15[%dma_wait3A_219, %dma_wait3A_220] : memref<400x32xf32, #tpu.memory_space<vmem>> -> memref<128x32xf32, #tpu.memory_space<vmem>>
          %dma_wait3A_222 = arith.constant 0 : i32
          %dma_wait3A_223 = tpu.memref_slice %arg9[%add3A_170, %dma_wait3A_222] : memref<51200x32xf32, #tpu.memory_space<vmem_shared>> -> memref<128x32xf32, #tpu.memory_space<vmem_shared>>
          %dma_wait3A_224 = arith.constant 0 : i32
          %dma_wait3A_225 = tpu.memref_slice %arg9[%add3A_170, %dma_wait3A_224] : memref<51200x32xf32, #tpu.memory_space<vmem_shared>> -> memref<128x32xf32, #tpu.memory_space<vmem_shared>>
          %dma_wait3A_226 = arith.constant 0 : i32
          %dma_wait3A_227 = arith.constant 0 : i32
          %dma_wait3A_228 = tpu.memref_slice %arg15[%dma_wait3A_226, %dma_wait3A_227] : memref<400x32xf32, #tpu.memory_space<vmem>> -> memref<128x32xf32, #tpu.memory_space<vmem>>
          tpu.wait_dma2 semaphore(%run_scoped3A : memref<!tpu.dma_semaphore, #tpu.memory_space<semaphore_mem>>) src(%dma_wait3A_228 : memref<128x32xf32, #tpu.memory_space<vmem>>) dst(%dma_wait3A_225 : memref<128x32xf32, #tpu.memory_space<vmem_shared>>)
          tpu.yield
        }) : () -> ()
        %add3A_175 = arith.addi %mul3A_4, %add3A_170 : i32
        %dma_start3A_176 = arith.constant 0 : i32
        %dma_start3A_177 = arith.constant 0 : i32
        %dma_start3A_178 = tpu.memref_slice %arg5[%mul3A_72, %dma_start3A_176, %dma_start3A_177] : memref<10x102400x32xf32, #tpu.memory_space<hbm>> -> memref<1x102400x32xf32, #tpu.memory_space<hbm>>
        %dma_start3A_179 = tpu.memref_squeeze %dma_start3A_178 : memref<1x102400x32xf32, #tpu.memory_space<hbm>> -> memref<102400x32xf32, #tpu.memory_space<hbm>>
        %dma_start3A_180 = arith.constant 0 : i32
        %dma_start3A_181 = tpu.memref_slice %dma_start3A_179[%add3A_175, %dma_start3A_180] : memref<102400x32xf32, #tpu.memory_space<hbm>> -> memref<128x32xf32, #tpu.memory_space<hbm>>
        %dma_start3A_182 = arith.constant 0 : i32
        %dma_start3A_183 = arith.constant 0 : i32
        %dma_start3A_184 = tpu.memref_slice %arg5[%mul3A_72, %dma_start3A_182, %dma_start3A_183] : memref<10x102400x32xf32, #tpu.memory_space<hbm>> -> memref<1x102400x32xf32, #tpu.memory_space<hbm>>
        %dma_start3A_185 = tpu.memref_squeeze %dma_start3A_184 : memref<1x102400x32xf32, #tpu.memory_space<hbm>> -> memref<102400x32xf32, #tpu.memory_space<hbm>>
        %dma_start3A_186 = arith.constant 0 : i32
        %dma_start3A_187 = tpu.memref_slice %dma_start3A_185[%add3A_175, %dma_start3A_186] : memref<102400x32xf32, #tpu.memory_space<hbm>> -> memref<128x32xf32, #tpu.memory_space<hbm>>
        tpu.enqueue_dma source(%arg16 : memref<128x32xf32, #tpu.memory_space<vmem>>) target(%dma_start3A_187 : memref<128x32xf32, #tpu.memory_space<hbm>>) target_semaphore(%arg21 : memref<!tpu.dma_semaphore, #tpu.memory_space<semaphore_mem>>)
        %gt3A_188 = arith.constant 0 : i32
        %gt3A_189 = arith.cmpi sgt, %add3A_167, %gt3A_188 : i32
        %convert_element_type3A_190 = arith.extui %gt3A_189 : i1 to i32
        %cond3A_191 = arith.constant 0 : i32
        %cond3A_192 = arith.cmpi ne, %convert_element_type3A_190, %cond3A_191 : i32
        scf.if %cond3A_192 {
          %add3A_209 = arith.addi %mul3A_4, %mul3A_0 : i32
          %dma_wait3A_210 = arith.constant 256 : i32
          %dma_wait3A_211 = arith.constant 0 : i32
          %dma_wait3A_212 = tpu.memref_slice %arg15[%dma_wait3A_210, %dma_wait3A_211] : memref<400x32xf32, #tpu.memory_space<vmem>> -> memref<128x32xf32, #tpu.memory_space<vmem>>
          %dma_wait3A_213 = arith.constant 0 : i32
          %dma_wait3A_214 = tpu.memref_slice %arg8[%add3A_209, %dma_wait3A_213] : memref<102400x32xf32, #tpu.memory_space<hbm>> -> memref<128x32xf32, #tpu.memory_space<hbm>>
          %dma_wait3A_215 = arith.constant 0 : i32
          %dma_wait3A_216 = tpu.memref_slice %arg8[%add3A_209, %dma_wait3A_215] : memref<102400x32xf32, #tpu.memory_space<hbm>> -> memref<128x32xf32, #tpu.memory_space<hbm>>
          %dma_wait3A_217 = arith.constant 256 : i32
          %dma_wait3A_218 = arith.constant 0 : i32
          %dma_wait3A_219 = tpu.memref_slice %arg15[%dma_wait3A_217, %dma_wait3A_218] : memref<400x32xf32, #tpu.memory_space<vmem>> -> memref<128x32xf32, #tpu.memory_space<vmem>>
          tpu.wait_dma2 semaphore(%arg22 : memref<!tpu.dma_semaphore, #tpu.memory_space<semaphore_mem>>) src(%dma_wait3A_219 : memref<128x32xf32, #tpu.memory_space<vmem>>) dst(%dma_wait3A_216 : memref<128x32xf32, #tpu.memory_space<hbm>>)
        } else {
        }
        %scan3A_193 = arith.constant 0 : i32
        %scan3A_194 = arith.constant 128 : i32
        %scan3A_195 = arith.addi %scan3A_193, %scan3A_194 : i32
        %scan3A_196 = arith.constant 2 : i32
        scf.for %scan3A_209 = %scan3A_193 to %scan3A_195 step %scan3A_196  : i32 {
          %mul3A_210 = arith.constant 1 : i32
          %mul3A_211 = arith.muli %scan3A_209, %mul3A_210 : i32
          %add3A_212 = arith.constant 0 : i32
          %add3A_213 = arith.addi %add3A_212, %mul3A_211 : i32
          %mul3A_214 = arith.constant 128 : i32
          %mul3A_215 = arith.muli %add3A_167, %mul3A_214 : i32
          %add3A_216 = arith.addi %mul3A_215, %add3A_213 : i32
          %broadcast_in_dim3A_217 = vector.broadcast %add3A_216 : i32 to vector<16xi32>
          %gather3A = tpu.vector_load_idx %arg17[%broadcast_in_dim3A_217] : memref<3200xf32, #tpu.memory_space<vmem>>[vector<16xi32>], vector<16xf32>,
          %get3A = arith.index_cast %add3A_213 : i32 to index
          %get3A_218 = arith.constant 0 : index
          %get3A_219 = tpu.vector_load %arg16[%get3A, %get3A_218] {strides = array<i32>} : memref<128x32xf32, #tpu.memory_space<vmem>>, vector<16xf32>,
          %mul3A_220 = arith.mulf %get3A_219, %gather3A : vector<16xf32>
          %add3A_221 = arith.constant 256 : i32
          %add3A_222 = arith.addi %add3A_221, %add3A_213 : i32
          %swap3A_223 = arith.index_cast %add3A_222 : i32 to index
          %swap3A_224 = arith.constant 0 : index
          %swap3A_225 = tpu.vector_load %arg15[%swap3A_223, %swap3A_224] {strides = array<i32>} : memref<400x32xf32, #tpu.memory_space<vmem>>, vector<16xf32>,
          tpu.vector_store %arg15[%swap3A_223, %swap3A_224], %mul3A_220 {strides = array<i32>} : memref<400x32xf32, #tpu.memory_space<vmem>>, vector<16xf32>,
          %get3A_226 = arith.index_cast %add3A_213 : i32 to index
          %get3A_227 = arith.constant 16 : index
          %get3A_228 = tpu.vector_load %arg16[%get3A_226, %get3A_227] {strides = array<i32>} : memref<128x32xf32, #tpu.memory_space<vmem>>, vector<16xf32>,
          %mul3A_229 = arith.mulf %get3A_228, %gather3A : vector<16xf32>
          %add3A_230 = arith.constant 256 : i32
          %add3A_231 = arith.addi %add3A_230, %add3A_213 : i32
          %swap3A_232 = arith.index_cast %add3A_231 : i32 to index
          %swap3A_233 = arith.constant 16 : index
          %swap3A_234 = tpu.vector_load %arg15[%swap3A_232, %swap3A_233] {strides = array<i32>} : memref<400x32xf32, #tpu.memory_space<vmem>>, vector<16xf32>,
          tpu.vector_store %arg15[%swap3A_232, %swap3A_233], %mul3A_229 {strides = array<i32>} : memref<400x32xf32, #tpu.memory_space<vmem>>, vector<16xf32>,
          %scan3A_235 = arith.constant 1 : i32
          %scan3A_236 = arith.addi %scan3A_209, %scan3A_235 : i32
          %mul3A_237 = arith.constant 1 : i32
          %mul3A_238 = arith.muli %scan3A_236, %mul3A_237 : i32
          %add3A_239 = arith.constant 0 : i32
          %add3A_240 = arith.addi %add3A_239, %mul3A_238 : i32
          %mul3A_241 = arith.constant 128 : i32
          %mul3A_242 = arith.muli %add3A_167, %mul3A_241 : i32
          %add3A_243 = arith.addi %mul3A_242, %add3A_240 : i32
          %broadcast_in_dim3A_244 = vector.broadcast %add3A_243 : i32 to vector<16xi32>
          %gather3A_245 = tpu.vector_load_idx %arg17[%broadcast_in_dim3A_244] : memref<3200xf32, #tpu.memory_space<vmem>>[vector<16xi32>], vector<16xf32>,
          %get3A_246 = arith.index_cast %add3A_240 : i32 to index
          %get3A_247 = arith.constant 0 : index
          %get3A_248 = tpu.vector_load %arg16[%get3A_246, %get3A_247] {strides = array<i32>} : memref<128x32xf32, #tpu.memory_space<vmem>>, vector<16xf32>,
          %mul3A_249 = arith.mulf %get3A_248, %gather3A_245 : vector<16xf32>
          %add3A_250 = arith.constant 256 : i32
          %add3A_251 = arith.addi %add3A_250, %add3A_240 : i32
          %swap3A_252 = arith.index_cast %add3A_251 : i32 to index
          %swap3A_253 = arith.constant 0 : index
          %swap3A_254 = tpu.vector_load %arg15[%swap3A_252, %swap3A_253] {strides = array<i32>} : memref<400x32xf32, #tpu.memory_space<vmem>>, vector<16xf32>,
          tpu.vector_store %arg15[%swap3A_252, %swap3A_253], %mul3A_249 {strides = array<i32>} : memref<400x32xf32, #tpu.memory_space<vmem>>, vector<16xf32>,
          %get3A_255 = arith.index_cast %add3A_240 : i32 to index
          %get3A_256 = arith.constant 16 : index
          %get3A_257 = tpu.vector_load %arg16[%get3A_255, %get3A_256] {strides = array<i32>} : memref<128x32xf32, #tpu.memory_space<vmem>>, vector<16xf32>,
          %mul3A_258 = arith.mulf %get3A_257, %gather3A_245 : vector<16xf32>
          %add3A_259 = arith.constant 256 : i32
          %add3A_260 = arith.addi %add3A_259, %add3A_240 : i32
          %swap3A_261 = arith.index_cast %add3A_260 : i32 to index
          %swap3A_262 = arith.constant 16 : index
          %swap3A_263 = tpu.vector_load %arg15[%swap3A_261, %swap3A_262] {strides = array<i32>} : memref<400x32xf32, #tpu.memory_space<vmem>>, vector<16xf32>,
          tpu.vector_store %arg15[%swap3A_261, %swap3A_262], %mul3A_258 {strides = array<i32>} : memref<400x32xf32, #tpu.memory_space<vmem>>, vector<16xf32>,
        }
        %scan3A_197 = arith.constant 128 : i32
        %add3A_198 = arith.addi %mul3A_4, %add3A_170 : i32
        %dma_start3A_199 = arith.constant 256 : i32
        %dma_start3A_200 = arith.constant 0 : i32
        %dma_start3A_201 = tpu.memref_slice %arg15[%dma_start3A_199, %dma_start3A_200] : memref<400x32xf32, #tpu.memory_space<vmem>> -> memref<128x32xf32, #tpu.memory_space<vmem>>
        %dma_start3A_202 = arith.constant 0 : i32
        %dma_start3A_203 = tpu.memref_slice %arg8[%add3A_198, %dma_start3A_202] : memref<102400x32xf32, #tpu.memory_space<hbm>> -> memref<128x32xf32, #tpu.memory_space<hbm>>
        %dma_start3A_204 = arith.constant 0 : i32
        %dma_start3A_205 = tpu.memref_slice %arg8[%add3A_198, %dma_start3A_204] : memref<102400x32xf32, #tpu.memory_space<hbm>> -> memref<128x32xf32, #tpu.memory_space<hbm>>
        %dma_start3A_206 = arith.constant 256 : i32
        %dma_start3A_207 = arith.constant 0 : i32
        %dma_start3A_208 = tpu.memref_slice %arg15[%dma_start3A_206, %dma_start3A_207] : memref<400x32xf32, #tpu.memory_space<vmem>> -> memref<128x32xf32, #tpu.memory_space<vmem>>
        tpu.enqueue_dma source(%dma_start3A_208 : memref<128x32xf32, #tpu.memory_space<vmem>>) target(%dma_start3A_205 : memref<128x32xf32, #tpu.memory_space<hbm>>) target_semaphore(%arg22 : memref<!tpu.dma_semaphore, #tpu.memory_space<semaphore_mem>>)
      }
      %scan3A_82 = arith.constant 25 : i32
      %add3A_83 = arith.addi %mul3A_4, %mul3A_0 : i32
      %dma_wait3A_84 = arith.constant 0 : i32
      %dma_wait3A_85 = arith.constant 0 : i32
      %dma_wait3A_86 = tpu.memref_slice %arg5[%mul3A_72, %dma_wait3A_84, %dma_wait3A_85] : memref<10x102400x32xf32, #tpu.memory_space<hbm>> -> memref<1x102400x32xf32, #tpu.memory_space<hbm>>
      %dma_wait3A_87 = tpu.memref_squeeze %dma_wait3A_86 : memref<1x102400x32xf32, #tpu.memory_space<hbm>> -> memref<102400x32xf32, #tpu.memory_space<hbm>>
      %dma_wait3A_88 = arith.constant 0 : i32
      %dma_wait3A_89 = tpu.memref_slice %dma_wait3A_87[%add3A_83, %dma_wait3A_88] : memref<102400x32xf32, #tpu.memory_space<hbm>> -> memref<128x32xf32, #tpu.memory_space<hbm>>
      %dma_wait3A_90 = arith.constant 0 : i32
      %dma_wait3A_91 = arith.constant 0 : i32
      %dma_wait3A_92 = tpu.memref_slice %arg5[%mul3A_72, %dma_wait3A_90, %dma_wait3A_91] : memref<10x102400x32xf32, #tpu.memory_space<hbm>> -> memref<1x102400x32xf32, #tpu.memory_space<hbm>>
      %dma_wait3A_93 = tpu.memref_squeeze %dma_wait3A_92 : memref<1x102400x32xf32, #tpu.memory_space<hbm>> -> memref<102400x32xf32, #tpu.memory_space<hbm>>
      %dma_wait3A_94 = arith.constant 0 : i32
      %dma_wait3A_95 = tpu.memref_slice %dma_wait3A_93[%add3A_83, %dma_wait3A_94] : memref<102400x32xf32, #tpu.memory_space<hbm>> -> memref<128x32xf32, #tpu.memory_space<hbm>>
      tpu.wait_dma2 semaphore(%arg21 : memref<!tpu.dma_semaphore, #tpu.memory_space<semaphore_mem>>) src(%arg16 : memref<128x32xf32, #tpu.memory_space<vmem>>) dst(%dma_wait3A_95 : memref<128x32xf32, #tpu.memory_space<hbm>>)
      %add3A_96 = arith.addi %mul3A_4, %mul3A_0 : i32
      %dma_wait3A_97 = arith.constant 256 : i32
      %dma_wait3A_98 = arith.constant 0 : i32
      %dma_wait3A_99 = tpu.memref_slice %arg15[%dma_wait3A_97, %dma_wait3A_98] : memref<400x32xf32, #tpu.memory_space<vmem>> -> memref<128x32xf32, #tpu.memory_space<vmem>>
      %dma_wait3A_100 = arith.constant 0 : i32
      %dma_wait3A_101 = tpu.memref_slice %arg8[%add3A_96, %dma_wait3A_100] : memref<102400x32xf32, #tpu.memory_space<hbm>> -> memref<128x32xf32, #tpu.memory_space<hbm>>
      %dma_wait3A_102 = arith.constant 0 : i32
      %dma_wait3A_103 = tpu.memref_slice %arg8[%add3A_96, %dma_wait3A_102] : memref<102400x32xf32, #tpu.memory_space<hbm>> -> memref<128x32xf32, #tpu.memory_space<hbm>>
      %dma_wait3A_104 = arith.constant 256 : i32
      %dma_wait3A_105 = arith.constant 0 : i32
      %dma_wait3A_106 = tpu.memref_slice %arg15[%dma_wait3A_104, %dma_wait3A_105] : memref<400x32xf32, #tpu.memory_space<vmem>> -> memref<128x32xf32, #tpu.memory_space<vmem>>
      tpu.wait_dma2 semaphore(%arg22 : memref<!tpu.dma_semaphore, #tpu.memory_space<semaphore_mem>>) src(%dma_wait3A_106 : memref<128x32xf32, #tpu.memory_space<vmem>>) dst(%dma_wait3A_103 : memref<128x32xf32, #tpu.memory_space<hbm>>)
      %barrier3A_107 = arith.constant 0 : index
      tpu.barrier barrier_id(%barrier3A_107)
      %add3A_108 = arith.constant 0 : i32
      %add3A_109 = arith.addi %mul3A_2, %add3A_108 : i32
      %dma_start3A_110 = tpu.memref_slice %arg2[%add3A_109] : memref<1600800xi32, #tpu.memory_space<hbm>> -> memref<400xi32, #tpu.memory_space<hbm>>
      %dma_start3A_111 = tpu.memref_slice %arg2[%add3A_109] : memref<1600800xi32, #tpu.memory_space<hbm>> -> memref<400xi32, #tpu.memory_space<hbm>>
      tpu.enqueue_dma source(%dma_start3A_111 : memref<400xi32, #tpu.memory_space<hbm>>) target(%arg11 : memref<400xi32, #tpu.memory_space<vmem>>) target_semaphore(%arg21 : memref<!tpu.dma_semaphore, #tpu.memory_space<semaphore_mem>>)
      %dma_start3A_112 = tpu.memref_slice %arg3[%add3A_109] : memref<1600800xi32, #tpu.memory_space<hbm>> -> memref<400xi32, #tpu.memory_space<hbm>>
      %dma_start3A_113 = tpu.memref_slice %arg3[%add3A_109] : memref<1600800xi32, #tpu.memory_space<hbm>> -> memref<400xi32, #tpu.memory_space<hbm>>
      tpu.enqueue_dma source(%dma_start3A_113 : memref<400xi32, #tpu.memory_space<hbm>>) target(%arg13 : memref<400xi32, #tpu.memory_space<vmem>>) target_semaphore(%arg23 : memref<!tpu.dma_semaphore, #tpu.memory_space<semaphore_mem>>)
      %scan3A_114 = arith.constant 0 : i32
      %scan3A_115 = arith.constant 125 : i32
      %scan3A_116 = arith.addi %scan3A_114, %scan3A_115 : i32
      %scan3A_117 = arith.constant 1 : i32
      scf.for %scan3A_163 = %scan3A_114 to %scan3A_116 step %scan3A_117  : i32 {
        %mul3A_164 = arith.constant 1 : i32
        %mul3A_165 = arith.muli %scan3A_163, %mul3A_164 : i32
        %add3A_166 = arith.constant 0 : i32
        %add3A_167 = arith.addi %add3A_166, %mul3A_165 : i32
        %mul3A_168 = arith.constant 2 : i32
        %mul3A_169 = arith.muli %mul3A_168, %add3A_167 : i32
        %dma_wait3A_170 = tpu.memref_slice %arg2[%mul3A_2] : memref<1600800xi32, #tpu.memory_space<hbm>> -> memref<400xi32, #tpu.memory_space<hbm>>
        %dma_wait3A_171 = tpu.memref_slice %arg2[%mul3A_2] : memref<1600800xi32, #tpu.memory_space<hbm>> -> memref<400xi32, #tpu.memory_space<hbm>>
        tpu.wait_dma2 semaphore(%arg21 : memref<!tpu.dma_semaphore, #tpu.memory_space<semaphore_mem>>) src(%dma_wait3A_171 : memref<400xi32, #tpu.memory_space<hbm>>) dst(%arg11 : memref<400xi32, #tpu.memory_space<vmem>>)
        %dma_wait3A_172 = tpu.memref_slice %arg3[%mul3A_2] : memref<1600800xi32, #tpu.memory_space<hbm>> -> memref<400xi32, #tpu.memory_space<hbm>>
        %dma_wait3A_173 = tpu.memref_slice %arg3[%mul3A_2] : memref<1600800xi32, #tpu.memory_space<hbm>> -> memref<400xi32, #tpu.memory_space<hbm>>
        tpu.wait_dma2 semaphore(%arg23 : memref<!tpu.dma_semaphore, #tpu.memory_space<semaphore_mem>>) src(%dma_wait3A_173 : memref<400xi32, #tpu.memory_space<hbm>>) dst(%arg13 : memref<400xi32, #tpu.memory_space<vmem>>)
        %add3A_174 = arith.constant 1 : i32
        %add3A_175 = arith.addi %mul3A_169, %add3A_174 : i32
        %mul3A_176 = arith.constant 400 : i32
        %mul3A_177 = arith.muli %add3A_175, %mul3A_176 : i32
        %add3A_178 = arith.addi %mul3A_2, %mul3A_177 : i32
        %dma_start3A_179 = tpu.memref_slice %arg2[%add3A_178] : memref<1600800xi32, #tpu.memory_space<hbm>> -> memref<400xi32, #tpu.memory_space<hbm>>
        %dma_start3A_180 = tpu.memref_slice %arg2[%add3A_178] : memref<1600800xi32, #tpu.memory_space<hbm>> -> memref<400xi32, #tpu.memory_space<hbm>>
        tpu.enqueue_dma source(%dma_start3A_180 : memref<400xi32, #tpu.memory_space<hbm>>) target(%arg12 : memref<400xi32, #tpu.memory_space<vmem>>) target_semaphore(%arg22 : memref<!tpu.dma_semaphore, #tpu.memory_space<semaphore_mem>>)
        %dma_start3A_181 = tpu.memref_slice %arg3[%add3A_178] : memref<1600800xi32, #tpu.memory_space<hbm>> -> memref<400xi32, #tpu.memory_space<hbm>>
        %dma_start3A_182 = tpu.memref_slice %arg3[%add3A_178] : memref<1600800xi32, #tpu.memory_space<hbm>> -> memref<400xi32, #tpu.memory_space<hbm>>
        tpu.enqueue_dma source(%dma_start3A_182 : memref<400xi32, #tpu.memory_space<hbm>>) target(%arg14 : memref<400xi32, #tpu.memory_space<vmem>>) target_semaphore(%arg24 : memref<!tpu.dma_semaphore, #tpu.memory_space<semaphore_mem>>)
        %scan3A_183 = arith.constant 0 : i32
        %scan3A_184 = arith.constant 24 : i32
        %scan3A_185 = arith.addi %scan3A_183, %scan3A_184 : i32
        %scan3A_186 = arith.constant 4 : i32
        scf.for %scan3A_249 = %scan3A_183 to %scan3A_185 step %scan3A_186  : i32 {
          %mul3A_250 = arith.constant 1 : i32
          %mul3A_251 = arith.muli %scan3A_249, %mul3A_250 : i32
          %add3A_252 = arith.constant 0 : i32
          %add3A_253 = arith.addi %add3A_252, %mul3A_251 : i32
          %mul3A_254 = arith.constant 16 : i32
          %mul3A_255 = arith.muli %add3A_253, %mul3A_254 : i32
          %get3A_256 = arith.index_cast %mul3A_255 : i32 to index
          %get3A_257 = tpu.vector_load %arg11[%get3A_256] {strides = array<i32>} : memref<400xi32, #tpu.memory_space<vmem>>, vector<16xi32>,
          %add3A_258 = vector.broadcast %mul3A_4 : i32 to vector<16xi32>
          %add3A_259 = arith.addi %get3A_257, %add3A_258 : vector<16xi32>
          %mul3A_260 = arith.constant 16 : i32
          %mul3A_261 = arith.muli %add3A_253, %mul3A_260 : i32
          %swap3A_262 = arith.index_cast %mul3A_261 : i32 to index
          %swap3A_263 = tpu.vector_load %arg11[%swap3A_262] {strides = array<i32>} : memref<400xi32, #tpu.memory_space<vmem>>, vector<16xi32>,
          tpu.vector_store %arg11[%swap3A_262], %add3A_259 {strides = array<i32>} : memref<400xi32, #tpu.memory_space<vmem>>, vector<16xi32>,
          %scan3A_264 = arith.constant 1 : i32
          %scan3A_265 = arith.addi %scan3A_249, %scan3A_264 : i32
          %mul3A_266 = arith.constant 1 : i32
          %mul3A_267 = arith.muli %scan3A_265, %mul3A_266 : i32
          %add3A_268 = arith.constant 0 : i32
          %add3A_269 = arith.addi %add3A_268, %mul3A_267 : i32
          %mul3A_270 = arith.constant 16 : i32
          %mul3A_271 = arith.muli %add3A_269, %mul3A_270 : i32
          %get3A_272 = arith.index_cast %mul3A_271 : i32 to index
          %get3A_273 = tpu.vector_load %arg11[%get3A_272] {strides = array<i32>} : memref<400xi32, #tpu.memory_space<vmem>>, vector<16xi32>,
          %add3A_274 = vector.broadcast %mul3A_4 : i32 to vector<16xi32>
          %add3A_275 = arith.addi %get3A_273, %add3A_274 : vector<16xi32>
          %mul3A_276 = arith.constant 16 : i32
          %mul3A_277 = arith.muli %add3A_269, %mul3A_276 : i32
          %swap3A_278 = arith.index_cast %mul3A_277 : i32 to index
          %swap3A_279 = tpu.vector_load %arg11[%swap3A_278] {strides = array<i32>} : memref<400xi32, #tpu.memory_space<vmem>>, vector<16xi32>,
          tpu.vector_store %arg11[%swap3A_278], %add3A_275 {strides = array<i32>} : memref<400xi32, #tpu.memory_space<vmem>>, vector<16xi32>,
          %scan3A_280 = arith.constant 2 : i32
          %scan3A_281 = arith.addi %scan3A_249, %scan3A_280 : i32
          %mul3A_282 = arith.constant 1 : i32
          %mul3A_283 = arith.muli %scan3A_281, %mul3A_282 : i32
          %add3A_284 = arith.constant 0 : i32
          %add3A_285 = arith.addi %add3A_284, %mul3A_283 : i32
          %mul3A_286 = arith.constant 16 : i32
          %mul3A_287 = arith.muli %add3A_285, %mul3A_286 : i32
          %get3A_288 = arith.index_cast %mul3A_287 : i32 to index
          %get3A_289 = tpu.vector_load %arg11[%get3A_288] {strides = array<i32>} : memref<400xi32, #tpu.memory_space<vmem>>, vector<16xi32>,
          %add3A_290 = vector.broadcast %mul3A_4 : i32 to vector<16xi32>
          %add3A_291 = arith.addi %get3A_289, %add3A_290 : vector<16xi32>
          %mul3A_292 = arith.constant 16 : i32
          %mul3A_293 = arith.muli %add3A_285, %mul3A_292 : i32
          %swap3A_294 = arith.index_cast %mul3A_293 : i32 to index
          %swap3A_295 = tpu.vector_load %arg11[%swap3A_294] {strides = array<i32>} : memref<400xi32, #tpu.memory_space<vmem>>, vector<16xi32>,
          tpu.vector_store %arg11[%swap3A_294], %add3A_291 {strides = array<i32>} : memref<400xi32, #tpu.memory_space<vmem>>, vector<16xi32>,
          %scan3A_296 = arith.constant 3 : i32
          %scan3A_297 = arith.addi %scan3A_249, %scan3A_296 : i32
          %mul3A_298 = arith.constant 1 : i32
          %mul3A_299 = arith.muli %scan3A_297, %mul3A_298 : i32
          %add3A_300 = arith.constant 0 : i32
          %add3A_301 = arith.addi %add3A_300, %mul3A_299 : i32
          %mul3A_302 = arith.constant 16 : i32
          %mul3A_303 = arith.muli %add3A_301, %mul3A_302 : i32
          %get3A_304 = arith.index_cast %mul3A_303 : i32 to index
          %get3A_305 = tpu.vector_load %arg11[%get3A_304] {strides = array<i32>} : memref<400xi32, #tpu.memory_space<vmem>>, vector<16xi32>,
          %add3A_306 = vector.broadcast %mul3A_4 : i32 to vector<16xi32>
          %add3A_307 = arith.addi %get3A_305, %add3A_306 : vector<16xi32>
          %mul3A_308 = arith.constant 16 : i32
          %mul3A_309 = arith.muli %add3A_301, %mul3A_308 : i32
          %swap3A_310 = arith.index_cast %mul3A_309 : i32 to index
          %swap3A_311 = tpu.vector_load %arg11[%swap3A_310] {strides = array<i32>} : memref<400xi32, #tpu.memory_space<vmem>>, vector<16xi32>,
          tpu.vector_store %arg11[%swap3A_310], %add3A_307 {strides = array<i32>} : memref<400xi32, #tpu.memory_space<vmem>>, vector<16xi32>,
        }
        %scan3A_187 = arith.constant 24 : i32
        %scan3A_188 = arith.addi %scan3A_183, %scan3A_187 : i32
        %mul3A_189 = arith.constant 1 : i32
        %mul3A_190 = arith.muli %scan3A_188, %mul3A_189 : i32
        %add3A_191 = arith.constant 0 : i32
        %add3A_192 = arith.addi %add3A_191, %mul3A_190 : i32
        %mul3A_193 = arith.constant 16 : i32
        %mul3A_194 = arith.muli %add3A_192, %mul3A_193 : i32
        %get3A = arith.index_cast %mul3A_194 : i32 to index
        %get3A_195 = tpu.vector_load %arg11[%get3A] {strides = array<i32>} : memref<400xi32, #tpu.memory_space<vmem>>, vector<16xi32>,
        %add3A_196 = vector.broadcast %mul3A_4 : i32 to vector<16xi32>
        %add3A_197 = arith.addi %get3A_195, %add3A_196 : vector<16xi32>
        %mul3A_198 = arith.constant 16 : i32
        %mul3A_199 = arith.muli %add3A_192, %mul3A_198 : i32
        %swap3A_200 = arith.index_cast %mul3A_199 : i32 to index
        %swap3A_201 = tpu.vector_load %arg11[%swap3A_200] {strides = array<i32>} : memref<400xi32, #tpu.memory_space<vmem>>, vector<16xi32>,
        tpu.vector_store %arg11[%swap3A_200], %add3A_197 {strides = array<i32>} : memref<400xi32, #tpu.memory_space<vmem>>, vector<16xi32>,
        %scan3A_202 = arith.constant 25 : i32
        %dma_start3A_203 = arith.constant 0 : i32
        %dma_start3A_204 = arith.constant 0 : i32
        %dma_start3A_205 = tpu.memref_slice %arg8[%dma_start3A_203, %dma_start3A_204] : memref<102400x32xf32, #tpu.memory_space<hbm>> -> memref<102400x32xf32, #tpu.memory_space<hbm>>
        tpu.enqueue_indirect_dma source(%dma_start3A_205 : memref<102400x32xf32, #tpu.memory_space<hbm>>) target(%arg15 : memref<400x32xf32, #tpu.memory_space<vmem>>) offsets(%arg11 : memref<400xi32, #tpu.memory_space<vmem>>) semaphore(%arg20 : memref<!tpu.dma_semaphore, #tpu.memory_space<semaphore_mem>>)
        %dma_wait3A_206 = arith.constant 0 : i32
        %dma_wait3A_207 = arith.constant 0 : i32
        %dma_wait3A_208 = tpu.memref_slice %arg8[%dma_wait3A_206, %dma_wait3A_207] : memref<102400x32xf32, #tpu.memory_space<hbm>> -> memref<102400x32xf32, #tpu.memory_space<hbm>>
        tpu.wait_indirect_dma semaphore(%arg20 : memref<!tpu.dma_semaphore, #tpu.memory_space<semaphore_mem>>) src(%dma_wait3A_208 : memref<102400x32xf32, #tpu.memory_space<hbm>>) dst(%arg15 : memref<400x32xf32, #tpu.memory_space<vmem>>)
        "tpu.region"() ({
          %run_scoped3A = tpu.sem_alloc : memref<!tpu.dma_semaphore, #tpu.memory_space<semaphore_mem>>
          %dma_start3A_249 = arith.constant 0 : i32
          %dma_start3A_250 = arith.constant 0 : i32
          %dma_start3A_251 = tpu.memref_slice %arg9[%dma_start3A_249, %dma_start3A_250] : memref<51200x32xf32, #tpu.memory_space<vmem_shared>> -> memref<51200x32xf32, #tpu.memory_space<vmem_shared>>
          tpu.enqueue_indirect_dma source(%arg15 : memref<400x32xf32, #tpu.memory_space<vmem>>) target(%dma_start3A_251 : memref<51200x32xf32, #tpu.memory_space<vmem_shared>>) offsets(%arg13 : memref<400xi32, #tpu.memory_space<vmem>>) semaphore(%run_scoped3A : memref<!tpu.dma_semaphore, #tpu.memory_space<semaphore_mem>>) {add = true}
          %dma_wait3A_252 = arith.constant 0 : i32
          %dma_wait3A_253 = arith.constant 0 : i32
          %dma_wait3A_254 = tpu.memref_slice %arg9[%dma_wait3A_252, %dma_wait3A_253] : memref<51200x32xf32, #tpu.memory_space<vmem_shared>> -> memref<51200x32xf32, #tpu.memory_space<vmem_shared>>
          tpu.wait_indirect_dma semaphore(%run_scoped3A : memref<!tpu.dma_semaphore, #tpu.memory_space<semaphore_mem>>) src(%arg15 : memref<400x32xf32, #tpu.memory_space<vmem>>) dst(%dma_wait3A_254 : memref<51200x32xf32, #tpu.memory_space<vmem_shared>>)
          tpu.yield
        }) : () -> ()
        %dma_wait3A_209 = tpu.memref_slice %arg2[%mul3A_2] : memref<1600800xi32, #tpu.memory_space<hbm>> -> memref<400xi32, #tpu.memory_space<hbm>>
        %dma_wait3A_210 = tpu.memref_slice %arg2[%mul3A_2] : memref<1600800xi32, #tpu.memory_space<hbm>> -> memref<400xi32, #tpu.memory_space<hbm>>
        tpu.wait_dma2 semaphore(%arg22 : memref<!tpu.dma_semaphore, #tpu.memory_space<semaphore_mem>>) src(%dma_wait3A_210 : memref<400xi32, #tpu.memory_space<hbm>>) dst(%arg12 : memref<400xi32, #tpu.memory_space<vmem>>)
        %dma_wait3A_211 = tpu.memref_slice %arg3[%mul3A_2] : memref<1600800xi32, #tpu.memory_space<hbm>> -> memref<400xi32, #tpu.memory_space<hbm>>
        %dma_wait3A_212 = tpu.memref_slice %arg3[%mul3A_2] : memref<1600800xi32, #tpu.memory_space<hbm>> -> memref<400xi32, #tpu.memory_space<hbm>>
        tpu.wait_dma2 semaphore(%arg24 : memref<!tpu.dma_semaphore, #tpu.memory_space<semaphore_mem>>) src(%dma_wait3A_212 : memref<400xi32, #tpu.memory_space<hbm>>) dst(%arg14 : memref<400xi32, #tpu.memory_space<vmem>>)
        %add3A_213 = arith.constant 2 : i32
        %add3A_214 = arith.addi %mul3A_169, %add3A_213 : i32
        %mul3A_215 = arith.constant 400 : i32
        %mul3A_216 = arith.muli %add3A_214, %mul3A_215 : i32
        %add3A_217 = arith.addi %mul3A_2, %mul3A_216 : i32
        %dma_start3A_218 = tpu.memref_slice %arg2[%add3A_217] : memref<1600800xi32, #tpu.memory_space<hbm>> -> memref<400xi32, #tpu.memory_space<hbm>>
        %dma_start3A_219 = tpu.memref_slice %arg2[%add3A_217] : memref<1600800xi32, #tpu.memory_space<hbm>> -> memref<400xi32, #tpu.memory_space<hbm>>
        tpu.enqueue_dma source(%dma_start3A_219 : memref<400xi32, #tpu.memory_space<hbm>>) target(%arg11 : memref<400xi32, #tpu.memory_space<vmem>>) target_semaphore(%arg21 : memref<!tpu.dma_semaphore, #tpu.memory_space<semaphore_mem>>)
        %dma_start3A_220 = tpu.memref_slice %arg3[%add3A_217] : memref<1600800xi32, #tpu.memory_space<hbm>> -> memref<400xi32, #tpu.memory_space<hbm>>
        %dma_start3A_221 = tpu.memref_slice %arg3[%add3A_217] : memref<1600800xi32, #tpu.memory_space<hbm>> -> memref<400xi32, #tpu.memory_space<hbm>>
        tpu.enqueue_dma source(%dma_start3A_221 : memref<400xi32, #tpu.memory_space<hbm>>) target(%arg13 : memref<400xi32, #tpu.memory_space<vmem>>) target_semaphore(%arg23 : memref<!tpu.dma_semaphore, #tpu.memory_space<semaphore_mem>>)
        %scan3A_222 = arith.constant 0 : i32
        %scan3A_223 = arith.constant 24 : i32
        %scan3A_224 = arith.addi %scan3A_222, %scan3A_223 : i32
        %scan3A_225 = arith.constant 4 : i32
        scf.for %scan3A_249 = %scan3A_222 to %scan3A_224 step %scan3A_225  : i32 {
          %mul3A_250 = arith.constant 1 : i32
          %mul3A_251 = arith.muli %scan3A_249, %mul3A_250 : i32
          %add3A_252 = arith.constant 0 : i32
          %add3A_253 = arith.addi %add3A_252, %mul3A_251 : i32
          %mul3A_254 = arith.constant 16 : i32
          %mul3A_255 = arith.muli %add3A_253, %mul3A_254 : i32
          %get3A_256 = arith.index_cast %mul3A_255 : i32 to index
          %get3A_257 = tpu.vector_load %arg12[%get3A_256] {strides = array<i32>} : memref<400xi32, #tpu.memory_space<vmem>>, vector<16xi32>,
          %add3A_258 = vector.broadcast %mul3A_4 : i32 to vector<16xi32>
          %add3A_259 = arith.addi %get3A_257, %add3A_258 : vector<16xi32>
          %mul3A_260 = arith.constant 16 : i32
          %mul3A_261 = arith.muli %add3A_253, %mul3A_260 : i32
          %swap3A_262 = arith.index_cast %mul3A_261 : i32 to index
          %swap3A_263 = tpu.vector_load %arg12[%swap3A_262] {strides = array<i32>} : memref<400xi32, #tpu.memory_space<vmem>>, vector<16xi32>,
          tpu.vector_store %arg12[%swap3A_262], %add3A_259 {strides = array<i32>} : memref<400xi32, #tpu.memory_space<vmem>>, vector<16xi32>,
          %scan3A_264 = arith.constant 1 : i32
          %scan3A_265 = arith.addi %scan3A_249, %scan3A_264 : i32
          %mul3A_266 = arith.constant 1 : i32
          %mul3A_267 = arith.muli %scan3A_265, %mul3A_266 : i32
          %add3A_268 = arith.constant 0 : i32
          %add3A_269 = arith.addi %add3A_268, %mul3A_267 : i32
          %mul3A_270 = arith.constant 16 : i32
          %mul3A_271 = arith.muli %add3A_269, %mul3A_270 : i32
          %get3A_272 = arith.index_cast %mul3A_271 : i32 to index
          %get3A_273 = tpu.vector_load %arg12[%get3A_272] {strides = array<i32>} : memref<400xi32, #tpu.memory_space<vmem>>, vector<16xi32>,
          %add3A_274 = vector.broadcast %mul3A_4 : i32 to vector<16xi32>
          %add3A_275 = arith.addi %get3A_273, %add3A_274 : vector<16xi32>
          %mul3A_276 = arith.constant 16 : i32
          %mul3A_277 = arith.muli %add3A_269, %mul3A_276 : i32
          %swap3A_278 = arith.index_cast %mul3A_277 : i32 to index
          %swap3A_279 = tpu.vector_load %arg12[%swap3A_278] {strides = array<i32>} : memref<400xi32, #tpu.memory_space<vmem>>, vector<16xi32>,
          tpu.vector_store %arg12[%swap3A_278], %add3A_275 {strides = array<i32>} : memref<400xi32, #tpu.memory_space<vmem>>, vector<16xi32>,
          %scan3A_280 = arith.constant 2 : i32
          %scan3A_281 = arith.addi %scan3A_249, %scan3A_280 : i32
          %mul3A_282 = arith.constant 1 : i32
          %mul3A_283 = arith.muli %scan3A_281, %mul3A_282 : i32
          %add3A_284 = arith.constant 0 : i32
          %add3A_285 = arith.addi %add3A_284, %mul3A_283 : i32
          %mul3A_286 = arith.constant 16 : i32
          %mul3A_287 = arith.muli %add3A_285, %mul3A_286 : i32
          %get3A_288 = arith.index_cast %mul3A_287 : i32 to index
          %get3A_289 = tpu.vector_load %arg12[%get3A_288] {strides = array<i32>} : memref<400xi32, #tpu.memory_space<vmem>>, vector<16xi32>,
          %add3A_290 = vector.broadcast %mul3A_4 : i32 to vector<16xi32>
          %add3A_291 = arith.addi %get3A_289, %add3A_290 : vector<16xi32>
          %mul3A_292 = arith.constant 16 : i32
          %mul3A_293 = arith.muli %add3A_285, %mul3A_292 : i32
          %swap3A_294 = arith.index_cast %mul3A_293 : i32 to index
          %swap3A_295 = tpu.vector_load %arg12[%swap3A_294] {strides = array<i32>} : memref<400xi32, #tpu.memory_space<vmem>>, vector<16xi32>,
          tpu.vector_store %arg12[%swap3A_294], %add3A_291 {strides = array<i32>} : memref<400xi32, #tpu.memory_space<vmem>>, vector<16xi32>,
          %scan3A_296 = arith.constant 3 : i32
          %scan3A_297 = arith.addi %scan3A_249, %scan3A_296 : i32
          %mul3A_298 = arith.constant 1 : i32
          %mul3A_299 = arith.muli %scan3A_297, %mul3A_298 : i32
          %add3A_300 = arith.constant 0 : i32
          %add3A_301 = arith.addi %add3A_300, %mul3A_299 : i32
          %mul3A_302 = arith.constant 16 : i32
          %mul3A_303 = arith.muli %add3A_301, %mul3A_302 : i32
          %get3A_304 = arith.index_cast %mul3A_303 : i32 to index
          %get3A_305 = tpu.vector_load %arg12[%get3A_304] {strides = array<i32>} : memref<400xi32, #tpu.memory_space<vmem>>, vector<16xi32>,
          %add3A_306 = vector.broadcast %mul3A_4 : i32 to vector<16xi32>
          %add3A_307 = arith.addi %get3A_305, %add3A_306 : vector<16xi32>
          %mul3A_308 = arith.constant 16 : i32
          %mul3A_309 = arith.muli %add3A_301, %mul3A_308 : i32
          %swap3A_310 = arith.index_cast %mul3A_309 : i32 to index
          %swap3A_311 = tpu.vector_load %arg12[%swap3A_310] {strides = array<i32>} : memref<400xi32, #tpu.memory_space<vmem>>, vector<16xi32>,
          tpu.vector_store %arg12[%swap3A_310], %add3A_307 {strides = array<i32>} : memref<400xi32, #tpu.memory_space<vmem>>, vector<16xi32>,
        }
        %scan3A_226 = arith.constant 24 : i32
        %scan3A_227 = arith.addi %scan3A_222, %scan3A_226 : i32
        %mul3A_228 = arith.constant 1 : i32
        %mul3A_229 = arith.muli %scan3A_227, %mul3A_228 : i32
        %add3A_230 = arith.constant 0 : i32
        %add3A_231 = arith.addi %add3A_230, %mul3A_229 : i32
        %mul3A_232 = arith.constant 16 : i32
        %mul3A_233 = arith.muli %add3A_231, %mul3A_232 : i32
        %get3A_234 = arith.index_cast %mul3A_233 : i32 to index
        %get3A_235 = tpu.vector_load %arg12[%get3A_234] {strides = array<i32>} : memref<400xi32, #tpu.memory_space<vmem>>, vector<16xi32>,
        %add3A_236 = vector.broadcast %mul3A_4 : i32 to vector<16xi32>
        %add3A_237 = arith.addi %get3A_235, %add3A_236 : vector<16xi32>
        %mul3A_238 = arith.constant 16 : i32
        %mul3A_239 = arith.muli %add3A_231, %mul3A_238 : i32
        %swap3A_240 = arith.index_cast %mul3A_239 : i32 to index
        %swap3A_241 = tpu.vector_load %arg12[%swap3A_240] {strides = array<i32>} : memref<400xi32, #tpu.memory_space<vmem>>, vector<16xi32>,
        tpu.vector_store %arg12[%swap3A_240], %add3A_237 {strides = array<i32>} : memref<400xi32, #tpu.memory_space<vmem>>, vector<16xi32>,
        %scan3A_242 = arith.constant 25 : i32
        %dma_start3A_243 = arith.constant 0 : i32
        %dma_start3A_244 = arith.constant 0 : i32
        %dma_start3A_245 = tpu.memref_slice %arg8[%dma_start3A_243, %dma_start3A_244] : memref<102400x32xf32, #tpu.memory_space<hbm>> -> memref<102400x32xf32, #tpu.memory_space<hbm>>
        tpu.enqueue_indirect_dma source(%dma_start3A_245 : memref<102400x32xf32, #tpu.memory_space<hbm>>) target(%arg15 : memref<400x32xf32, #tpu.memory_space<vmem>>) offsets(%arg12 : memref<400xi32, #tpu.memory_space<vmem>>) semaphore(%arg20 : memref<!tpu.dma_semaphore, #tpu.memory_space<semaphore_mem>>)
        %dma_wait3A_246 = arith.constant 0 : i32
        %dma_wait3A_247 = arith.constant 0 : i32
        %dma_wait3A_248 = tpu.memref_slice %arg8[%dma_wait3A_246, %dma_wait3A_247] : memref<102400x32xf32, #tpu.memory_space<hbm>> -> memref<102400x32xf32, #tpu.memory_space<hbm>>
        tpu.wait_indirect_dma semaphore(%arg20 : memref<!tpu.dma_semaphore, #tpu.memory_space<semaphore_mem>>) src(%dma_wait3A_248 : memref<102400x32xf32, #tpu.memory_space<hbm>>) dst(%arg15 : memref<400x32xf32, #tpu.memory_space<vmem>>)
        "tpu.region"() ({
          %run_scoped3A = tpu.sem_alloc : memref<!tpu.dma_semaphore, #tpu.memory_space<semaphore_mem>>
          %dma_start3A_249 = arith.constant 0 : i32
          %dma_start3A_250 = arith.constant 0 : i32
          %dma_start3A_251 = tpu.memref_slice %arg9[%dma_start3A_249, %dma_start3A_250] : memref<51200x32xf32, #tpu.memory_space<vmem_shared>> -> memref<51200x32xf32, #tpu.memory_space<vmem_shared>>
          tpu.enqueue_indirect_dma source(%arg15 : memref<400x32xf32, #tpu.memory_space<vmem>>) target(%dma_start3A_251 : memref<51200x32xf32, #tpu.memory_space<vmem_shared>>) offsets(%arg14 : memref<400xi32, #tpu.memory_space<vmem>>) semaphore(%run_scoped3A : memref<!tpu.dma_semaphore, #tpu.memory_space<semaphore_mem>>) {add = true}
          %dma_wait3A_252 = arith.constant 0 : i32
          %dma_wait3A_253 = arith.constant 0 : i32
          %dma_wait3A_254 = tpu.memref_slice %arg9[%dma_wait3A_252, %dma_wait3A_253] : memref<51200x32xf32, #tpu.memory_space<vmem_shared>> -> memref<51200x32xf32, #tpu.memory_space<vmem_shared>>
          tpu.wait_indirect_dma semaphore(%run_scoped3A : memref<!tpu.dma_semaphore, #tpu.memory_space<semaphore_mem>>) src(%arg15 : memref<400x32xf32, #tpu.memory_space<vmem>>) dst(%dma_wait3A_254 : memref<51200x32xf32, #tpu.memory_space<vmem_shared>>)
          tpu.yield
        }) : () -> ()
      }
      %scan3A_118 = arith.constant 125 : i32
      %dma_wait3A_119 = tpu.memref_slice %arg2[%mul3A_2] : memref<1600800xi32, #tpu.memory_space<hbm>> -> memref<400xi32, #tpu.memory_space<hbm>>
      %dma_wait3A_120 = tpu.memref_slice %arg2[%mul3A_2] : memref<1600800xi32, #tpu.memory_space<hbm>> -> memref<400xi32, #tpu.memory_space<hbm>>
      tpu.wait_dma2 semaphore(%arg21 : memref<!tpu.dma_semaphore, #tpu.memory_space<semaphore_mem>>) src(%dma_wait3A_120 : memref<400xi32, #tpu.memory_space<hbm>>) dst(%arg11 : memref<400xi32, #tpu.memory_space<vmem>>)
      %dma_wait3A_121 = tpu.memref_slice %arg3[%mul3A_2] : memref<1600800xi32, #tpu.memory_space<hbm>> -> memref<400xi32, #tpu.memory_space<hbm>>
      %dma_wait3A_122 = tpu.memref_slice %arg3[%mul3A_2] : memref<1600800xi32, #tpu.memory_space<hbm>> -> memref<400xi32, #tpu.memory_space<hbm>>
      tpu.wait_dma2 semaphore(%arg23 : memref<!tpu.dma_semaphore, #tpu.memory_space<semaphore_mem>>) src(%dma_wait3A_122 : memref<400xi32, #tpu.memory_space<hbm>>) dst(%arg13 : memref<400xi32, #tpu.memory_space<vmem>>)
      %barrier3A_123 = arith.constant 0 : index
      tpu.barrier barrier_id(%barrier3A_123)
      %mul3A_124 = arith.constant 2 : i32
      %mul3A_125 = arith.muli %mul3A_124, %add3A_56 : i32
      %add3A_126 = arith.constant 1 : i32
      %add3A_127 = arith.addi %mul3A_125, %add3A_126 : i32
      %scan3A_128 = arith.constant 0 : i32
      %scan3A_129 = arith.constant 800 : i32
      %scan3A_130 = arith.addi %scan3A_128, %scan3A_129 : i32
      %scan3A_131 = arith.constant 4 : i32
      scf.for %scan3A_163 = %scan3A_128 to %scan3A_130 step %scan3A_131  : i32 {
        %mul3A_164 = arith.constant 1 : i32
        %mul3A_165 = arith.muli %scan3A_163, %mul3A_164 : i32
        %add3A_166 = arith.constant 0 : i32
        %add3A_167 = arith.addi %add3A_166, %mul3A_165 : i32
        %broadcast_in_dim3A_168 = arith.constant 0.000000e+00 : f32
        %broadcast_in_dim3A_169 = vector.broadcast %broadcast_in_dim3A_168 : f32 to vector<16xf32>
        %jit3A = arith.constant 2 : i32
        %div3A = arith.divsi %add3A_167, %jit3A : i32
        %sign3A = arith.constant 0 : i32
        %sign3A_170 = arith.cmpi sgt, %add3A_167, %sign3A : i32
        %sign3A_171 = arith.extui %sign3A_170 : i1 to i32
        %sign3A_172 = arith.constant 0 : i32
        %sign3A_173 = arith.cmpi slt, %add3A_167, %sign3A_172 : i32
        %sign3A_174 = arith.extui %sign3A_173 : i1 to i32
        %sign3A_175 = arith.subi %sign3A_171, %sign3A_174 : i32
        %sign3A_176 = arith.constant 0 : i32
        %sign3A_177 = arith.cmpi sgt, %jit3A, %sign3A_176 : i32
        %sign3A_178 = arith.extui %sign3A_177 : i1 to i32
        %sign3A_179 = arith.constant 0 : i32
        %sign3A_180 = arith.cmpi slt, %jit3A, %sign3A_179 : i32
        %sign3A_181 = arith.extui %sign3A_180 : i1 to i32
        %sign3A_182 = arith.subi %sign3A_178, %sign3A_181 : i32
        %ne3A = arith.cmpi ne, %sign3A_175, %sign3A_182 : i32
        %rem3A = arith.remsi %add3A_167, %jit3A : i32
        %ne3A_183 = arith.constant 0 : i32
        %ne3A_184 = arith.cmpi ne, %rem3A, %ne3A_183 : i32
        %and3A = arith.andi %ne3A, %ne3A_184 : i1
        %sub3A = arith.constant 1 : i32
        %sub3A_185 = arith.subi %div3A, %sub3A : i32
        %select_n3A = arith.select %and3A, %sub3A_185, %div3A : i32
        %jit3A_186 = arith.constant 2 : i32
        %eq3A_187 = arith.constant 0 : i32
        %eq3A_188 = arith.cmpi eq, %jit3A_186, %eq3A_187 : i32
        %jit3A_189 = arith.constant 1 : i32
        %select_n3A_190 = arith.select %eq3A_188, %jit3A_189, %jit3A_186 : i32
        %rem3A_191 = arith.remsi %add3A_167, %select_n3A_190 : i32
        %ne3A_192 = arith.constant 0 : i32
        %ne3A_193 = arith.cmpi ne, %rem3A_191, %ne3A_192 : i32
        %lt3A = arith.constant 0 : i32
        %lt3A_194 = arith.cmpi slt, %rem3A_191, %lt3A : i32
        %lt3A_195 = arith.constant 0 : i32
        %lt3A_196 = arith.cmpi slt, %select_n3A_190, %lt3A_195 : i32
        %ne3A_197 = arith.xori %lt3A_194, %lt3A_196 : i1
        %and3A_198 = arith.andi %ne3A_197, %ne3A_193 : i1
        %add3A_199 = arith.addi %rem3A_191, %select_n3A_190 : i32
        %select_n3A_200 = arith.select %and3A_198, %add3A_199, %rem3A_191 : i32
        %mul3A_201 = arith.constant 16 : i32
        %mul3A_202 = arith.muli %select_n3A_200, %mul3A_201 : i32
        %swap3A_203 = arith.index_cast %select_n3A : i32 to index
        %swap3A_204 = arith.index_cast %mul3A_202 : i32 to index
        %swap3A_205 = tpu.vector_load %arg15[%swap3A_203, %swap3A_204] {strides = array<i32>} : memref<400x32xf32, #tpu.memory_space<vmem>>, vector<16xf32>,
        tpu.vector_store %arg15[%swap3A_203, %swap3A_204], %broadcast_in_dim3A_169 {strides = array<i32>} : memref<400x32xf32, #tpu.memory_space<vmem>>, vector<16xf32>,
        %scan3A_206 = arith.constant 1 : i32
        %scan3A_207 = arith.addi %scan3A_163, %scan3A_206 : i32
        %mul3A_208 = arith.constant 1 : i32
        %mul3A_209 = arith.muli %scan3A_207, %mul3A_208 : i32
        %add3A_210 = arith.constant 0 : i32
        %add3A_211 = arith.addi %add3A_210, %mul3A_209 : i32
        %broadcast_in_dim3A_212 = arith.constant 0.000000e+00 : f32
        %broadcast_in_dim3A_213 = vector.broadcast %broadcast_in_dim3A_212 : f32 to vector<16xf32>
        %jit3A_214 = arith.constant 2 : i32
        %div3A_215 = arith.divsi %add3A_211, %jit3A_214 : i32
        %sign3A_216 = arith.constant 0 : i32
        %sign3A_217 = arith.cmpi sgt, %add3A_211, %sign3A_216 : i32
        %sign3A_218 = arith.extui %sign3A_217 : i1 to i32
        %sign3A_219 = arith.constant 0 : i32
        %sign3A_220 = arith.cmpi slt, %add3A_211, %sign3A_219 : i32
        %sign3A_221 = arith.extui %sign3A_220 : i1 to i32
        %sign3A_222 = arith.subi %sign3A_218, %sign3A_221 : i32
        %sign3A_223 = arith.constant 0 : i32
        %sign3A_224 = arith.cmpi sgt, %jit3A_214, %sign3A_223 : i32
        %sign3A_225 = arith.extui %sign3A_224 : i1 to i32
        %sign3A_226 = arith.constant 0 : i32
        %sign3A_227 = arith.cmpi slt, %jit3A_214, %sign3A_226 : i32
        %sign3A_228 = arith.extui %sign3A_227 : i1 to i32
        %sign3A_229 = arith.subi %sign3A_225, %sign3A_228 : i32
        %ne3A_230 = arith.cmpi ne, %sign3A_222, %sign3A_229 : i32
        %rem3A_231 = arith.remsi %add3A_211, %jit3A_214 : i32
        %ne3A_232 = arith.constant 0 : i32
        %ne3A_233 = arith.cmpi ne, %rem3A_231, %ne3A_232 : i32
        %and3A_234 = arith.andi %ne3A_230, %ne3A_233 : i1
        %sub3A_235 = arith.constant 1 : i32
        %sub3A_236 = arith.subi %div3A_215, %sub3A_235 : i32
        %select_n3A_237 = arith.select %and3A_234, %sub3A_236, %div3A_215 : i32
        %jit3A_238 = arith.constant 2 : i32
        %eq3A_239 = arith.constant 0 : i32
        %eq3A_240 = arith.cmpi eq, %jit3A_238, %eq3A_239 : i32
        %jit3A_241 = arith.constant 1 : i32
        %select_n3A_242 = arith.select %eq3A_240, %jit3A_241, %jit3A_238 : i32
        %rem3A_243 = arith.remsi %add3A_211, %select_n3A_242 : i32
        %ne3A_244 = arith.constant 0 : i32
        %ne3A_245 = arith.cmpi ne, %rem3A_243, %ne3A_244 : i32
        %lt3A_246 = arith.constant 0 : i32
        %lt3A_247 = arith.cmpi slt, %rem3A_243, %lt3A_246 : i32
        %lt3A_248 = arith.constant 0 : i32
        %lt3A_249 = arith.cmpi slt, %select_n3A_242, %lt3A_248 : i32
        %ne3A_250 = arith.xori %lt3A_247, %lt3A_249 : i1
        %and3A_251 = arith.andi %ne3A_250, %ne3A_245 : i1
        %add3A_252 = arith.addi %rem3A_243, %select_n3A_242 : i32
        %select_n3A_253 = arith.select %and3A_251, %add3A_252, %rem3A_243 : i32
        %mul3A_254 = arith.constant 16 : i32
        %mul3A_255 = arith.muli %select_n3A_253, %mul3A_254 : i32
        %swap3A_256 = arith.index_cast %select_n3A_237 : i32 to index
        %swap3A_257 = arith.index_cast %mul3A_255 : i32 to index
        %swap3A_258 = tpu.vector_load %arg15[%swap3A_256, %swap3A_257] {strides = array<i32>} : memref<400x32xf32, #tpu.memory_space<vmem>>, vector<16xf32>,
        tpu.vector_store %arg15[%swap3A_256, %swap3A_257], %broadcast_in_dim3A_213 {strides = array<i32>} : memref<400x32xf32, #tpu.memory_space<vmem>>, vector<16xf32>,
        %scan3A_259 = arith.constant 2 : i32
        %scan3A_260 = arith.addi %scan3A_163, %scan3A_259 : i32
        %mul3A_261 = arith.constant 1 : i32
        %mul3A_262 = arith.muli %scan3A_260, %mul3A_261 : i32
        %add3A_263 = arith.constant 0 : i32
        %add3A_264 = arith.addi %add3A_263, %mul3A_262 : i32
        %broadcast_in_dim3A_265 = arith.constant 0.000000e+00 : f32
        %broadcast_in_dim3A_266 = vector.broadcast %broadcast_in_dim3A_265 : f32 to vector<16xf32>
        %jit3A_267 = arith.constant 2 : i32
        %div3A_268 = arith.divsi %add3A_264, %jit3A_267 : i32
        %sign3A_269 = arith.constant 0 : i32
        %sign3A_270 = arith.cmpi sgt, %add3A_264, %sign3A_269 : i32
        %sign3A_271 = arith.extui %sign3A_270 : i1 to i32
        %sign3A_272 = arith.constant 0 : i32
        %sign3A_273 = arith.cmpi slt, %add3A_264, %sign3A_272 : i32
        %sign3A_274 = arith.extui %sign3A_273 : i1 to i32
        %sign3A_275 = arith.subi %sign3A_271, %sign3A_274 : i32
        %sign3A_276 = arith.constant 0 : i32
        %sign3A_277 = arith.cmpi sgt, %jit3A_267, %sign3A_276 : i32
        %sign3A_278 = arith.extui %sign3A_277 : i1 to i32
        %sign3A_279 = arith.constant 0 : i32
        %sign3A_280 = arith.cmpi slt, %jit3A_267, %sign3A_279 : i32
        %sign3A_281 = arith.extui %sign3A_280 : i1 to i32
        %sign3A_282 = arith.subi %sign3A_278, %sign3A_281 : i32
        %ne3A_283 = arith.cmpi ne, %sign3A_275, %sign3A_282 : i32
        %rem3A_284 = arith.remsi %add3A_264, %jit3A_267 : i32
        %ne3A_285 = arith.constant 0 : i32
        %ne3A_286 = arith.cmpi ne, %rem3A_284, %ne3A_285 : i32
        %and3A_287 = arith.andi %ne3A_283, %ne3A_286 : i1
        %sub3A_288 = arith.constant 1 : i32
        %sub3A_289 = arith.subi %div3A_268, %sub3A_288 : i32
        %select_n3A_290 = arith.select %and3A_287, %sub3A_289, %div3A_268 : i32
        %jit3A_291 = arith.constant 2 : i32
        %eq3A_292 = arith.constant 0 : i32
        %eq3A_293 = arith.cmpi eq, %jit3A_291, %eq3A_292 : i32
        %jit3A_294 = arith.constant 1 : i32
        %select_n3A_295 = arith.select %eq3A_293, %jit3A_294, %jit3A_291 : i32
        %rem3A_296 = arith.remsi %add3A_264, %select_n3A_295 : i32
        %ne3A_297 = arith.constant 0 : i32
        %ne3A_298 = arith.cmpi ne, %rem3A_296, %ne3A_297 : i32
        %lt3A_299 = arith.constant 0 : i32
        %lt3A_300 = arith.cmpi slt, %rem3A_296, %lt3A_299 : i32
        %lt3A_301 = arith.constant 0 : i32
        %lt3A_302 = arith.cmpi slt, %select_n3A_295, %lt3A_301 : i32
        %ne3A_303 = arith.xori %lt3A_300, %lt3A_302 : i1
        %and3A_304 = arith.andi %ne3A_303, %ne3A_298 : i1
        %add3A_305 = arith.addi %rem3A_296, %select_n3A_295 : i32
        %select_n3A_306 = arith.select %and3A_304, %add3A_305, %rem3A_296 : i32
        %mul3A_307 = arith.constant 16 : i32
        %mul3A_308 = arith.muli %select_n3A_306, %mul3A_307 : i32
        %swap3A_309 = arith.index_cast %select_n3A_290 : i32 to index
        %swap3A_310 = arith.index_cast %mul3A_308 : i32 to index
        %swap3A_311 = tpu.vector_load %arg15[%swap3A_309, %swap3A_310] {strides = array<i32>} : memref<400x32xf32, #tpu.memory_space<vmem>>, vector<16xf32>,
        tpu.vector_store %arg15[%swap3A_309, %swap3A_310], %broadcast_in_dim3A_266 {strides = array<i32>} : memref<400x32xf32, #tpu.memory_space<vmem>>, vector<16xf32>,
        %scan3A_312 = arith.constant 3 : i32
        %scan3A_313 = arith.addi %scan3A_163, %scan3A_312 : i32
        %mul3A_314 = arith.constant 1 : i32
        %mul3A_315 = arith.muli %scan3A_313, %mul3A_314 : i32
        %add3A_316 = arith.constant 0 : i32
        %add3A_317 = arith.addi %add3A_316, %mul3A_315 : i32
        %broadcast_in_dim3A_318 = arith.constant 0.000000e+00 : f32
        %broadcast_in_dim3A_319 = vector.broadcast %broadcast_in_dim3A_318 : f32 to vector<16xf32>
        %jit3A_320 = arith.constant 2 : i32
        %div3A_321 = arith.divsi %add3A_317, %jit3A_320 : i32
        %sign3A_322 = arith.constant 0 : i32
        %sign3A_323 = arith.cmpi sgt, %add3A_317, %sign3A_322 : i32
        %sign3A_324 = arith.extui %sign3A_323 : i1 to i32
        %sign3A_325 = arith.constant 0 : i32
        %sign3A_326 = arith.cmpi slt, %add3A_317, %sign3A_325 : i32
        %sign3A_327 = arith.extui %sign3A_326 : i1 to i32
        %sign3A_328 = arith.subi %sign3A_324, %sign3A_327 : i32
        %sign3A_329 = arith.constant 0 : i32
        %sign3A_330 = arith.cmpi sgt, %jit3A_320, %sign3A_329 : i32
        %sign3A_331 = arith.extui %sign3A_330 : i1 to i32
        %sign3A_332 = arith.constant 0 : i32
        %sign3A_333 = arith.cmpi slt, %jit3A_320, %sign3A_332 : i32
        %sign3A_334 = arith.extui %sign3A_333 : i1 to i32
        %sign3A_335 = arith.subi %sign3A_331, %sign3A_334 : i32
        %ne3A_336 = arith.cmpi ne, %sign3A_328, %sign3A_335 : i32
        %rem3A_337 = arith.remsi %add3A_317, %jit3A_320 : i32
        %ne3A_338 = arith.constant 0 : i32
        %ne3A_339 = arith.cmpi ne, %rem3A_337, %ne3A_338 : i32
        %and3A_340 = arith.andi %ne3A_336, %ne3A_339 : i1
        %sub3A_341 = arith.constant 1 : i32
        %sub3A_342 = arith.subi %div3A_321, %sub3A_341 : i32
        %select_n3A_343 = arith.select %and3A_340, %sub3A_342, %div3A_321 : i32
        %jit3A_344 = arith.constant 2 : i32
        %eq3A_345 = arith.constant 0 : i32
        %eq3A_346 = arith.cmpi eq, %jit3A_344, %eq3A_345 : i32
        %jit3A_347 = arith.constant 1 : i32
        %select_n3A_348 = arith.select %eq3A_346, %jit3A_347, %jit3A_344 : i32
        %rem3A_349 = arith.remsi %add3A_317, %select_n3A_348 : i32
        %ne3A_350 = arith.constant 0 : i32
        %ne3A_351 = arith.cmpi ne, %rem3A_349, %ne3A_350 : i32
        %lt3A_352 = arith.constant 0 : i32
        %lt3A_353 = arith.cmpi slt, %rem3A_349, %lt3A_352 : i32
        %lt3A_354 = arith.constant 0 : i32
        %lt3A_355 = arith.cmpi slt, %select_n3A_348, %lt3A_354 : i32
        %ne3A_356 = arith.xori %lt3A_353, %lt3A_355 : i1
        %and3A_357 = arith.andi %ne3A_356, %ne3A_351 : i1
        %add3A_358 = arith.addi %rem3A_349, %select_n3A_348 : i32
        %select_n3A_359 = arith.select %and3A_357, %add3A_358, %rem3A_349 : i32
        %mul3A_360 = arith.constant 16 : i32
        %mul3A_361 = arith.muli %select_n3A_359, %mul3A_360 : i32
        %swap3A_362 = arith.index_cast %select_n3A_343 : i32 to index
        %swap3A_363 = arith.index_cast %mul3A_361 : i32 to index
        %swap3A_364 = tpu.vector_load %arg15[%swap3A_362, %swap3A_363] {strides = array<i32>} : memref<400x32xf32, #tpu.memory_space<vmem>>, vector<16xf32>,
        tpu.vector_store %arg15[%swap3A_362, %swap3A_363], %broadcast_in_dim3A_319 {strides = array<i32>} : memref<400x32xf32, #tpu.memory_space<vmem>>, vector<16xf32>,
      }
      %scan3A_132 = arith.constant 800 : i32
      %scan3A_133 = arith.constant 0 : i32
      %scan3A_134 = arith.constant 25 : i32
      %scan3A_135 = arith.addi %scan3A_133, %scan3A_134 : i32
      %scan3A_136 = arith.constant 1 : i32
      scf.for %scan3A_163 = %scan3A_133 to %scan3A_135 step %scan3A_136  : i32 {
        %mul3A_164 = arith.constant 1 : i32
        %mul3A_165 = arith.muli %scan3A_163, %mul3A_164 : i32
        %add3A_166 = arith.constant 0 : i32
        %add3A_167 = arith.addi %add3A_166, %mul3A_165 : i32
        %mul3A_168 = arith.constant 128 : i32
        %mul3A_169 = arith.muli %add3A_167, %mul3A_168 : i32
        %add3A_170 = arith.addi %mul3A_0, %mul3A_169 : i32
        %gt3A = arith.constant 0 : i32
        %gt3A_171 = arith.cmpi sgt, %add3A_167, %gt3A : i32
        %convert_element_type3A_172 = arith.extui %gt3A_171 : i1 to i32
        %cond3A_173 = arith.constant 0 : i32
        %cond3A_174 = arith.cmpi ne, %convert_element_type3A_172, %cond3A_173 : i32
        scf.if %cond3A_174 {
          %add3A_209 = arith.addi %mul3A_4, %mul3A_0 : i32
          %dma_wait3A_210 = arith.constant 0 : i32
          %dma_wait3A_211 = arith.constant 0 : i32
          %dma_wait3A_212 = tpu.memref_slice %arg5[%add3A_127, %dma_wait3A_210, %dma_wait3A_211] : memref<10x102400x32xf32, #tpu.memory_space<hbm>> -> memref<1x102400x32xf32, #tpu.memory_space<hbm>>
          %dma_wait3A_213 = tpu.memref_squeeze %dma_wait3A_212 : memref<1x102400x32xf32, #tpu.memory_space<hbm>> -> memref<102400x32xf32, #tpu.memory_space<hbm>>
          %dma_wait3A_214 = arith.constant 0 : i32
          %dma_wait3A_215 = tpu.memref_slice %dma_wait3A_213[%add3A_209, %dma_wait3A_214] : memref<102400x32xf32, #tpu.memory_space<hbm>> -> memref<128x32xf32, #tpu.memory_space<hbm>>
          %dma_wait3A_216 = arith.constant 0 : i32
          %dma_wait3A_217 = arith.constant 0 : i32
          %dma_wait3A_218 = tpu.memref_slice %arg5[%add3A_127, %dma_wait3A_216, %dma_wait3A_217] : memref<10x102400x32xf32, #tpu.memory_space<hbm>> -> memref<1x102400x32xf32, #tpu.memory_space<hbm>>
          %dma_wait3A_219 = tpu.memref_squeeze %dma_wait3A_218 : memref<1x102400x32xf32, #tpu.memory_space<hbm>> -> memref<102400x32xf32, #tpu.memory_space<hbm>>
          %dma_wait3A_220 = arith.constant 0 : i32
          %dma_wait3A_221 = tpu.memref_slice %dma_wait3A_219[%add3A_209, %dma_wait3A_220] : memref<102400x32xf32, #tpu.memory_space<hbm>> -> memref<128x32xf32, #tpu.memory_space<hbm>>
          tpu.wait_dma2 semaphore(%arg21 : memref<!tpu.dma_semaphore, #tpu.memory_space<semaphore_mem>>) src(%arg16 : memref<128x32xf32, #tpu.memory_space<vmem>>) dst(%dma_wait3A_221 : memref<128x32xf32, #tpu.memory_space<hbm>>)
        } else {
        }
        "tpu.region"() ({
          %run_scoped3A = tpu.sem_alloc : memref<!tpu.dma_semaphore, #tpu.memory_space<semaphore_mem>>
          %dma_start3A_209 = arith.constant 0 : i32
          %dma_start3A_210 = tpu.memref_slice %arg9[%add3A_170, %dma_start3A_209] : memref<51200x32xf32, #tpu.memory_space<vmem_shared>> -> memref<128x32xf32, #tpu.memory_space<vmem_shared>>
          %dma_start3A_211 = arith.constant 0 : i32
          %dma_start3A_212 = tpu.memref_slice %arg9[%add3A_170, %dma_start3A_211] : memref<51200x32xf32, #tpu.memory_space<vmem_shared>> -> memref<128x32xf32, #tpu.memory_space<vmem_shared>>
          tpu.enqueue_dma source(%dma_start3A_212 : memref<128x32xf32, #tpu.memory_space<vmem_shared>>) target(%arg16 : memref<128x32xf32, #tpu.memory_space<vmem>>) target_semaphore(%run_scoped3A : memref<!tpu.dma_semaphore, #tpu.memory_space<semaphore_mem>>)
          %dma_wait3A_213 = arith.constant 0 : i32
          %dma_wait3A_214 = tpu.memref_slice %arg9[%add3A_170, %dma_wait3A_213] : memref<51200x32xf32, #tpu.memory_space<vmem_shared>> -> memref<128x32xf32, #tpu.memory_space<vmem_shared>>
          %dma_wait3A_215 = arith.constant 0 : i32
          %dma_wait3A_216 = tpu.memref_slice %arg9[%add3A_170, %dma_wait3A_215] : memref<51200x32xf32, #tpu.memory_space<vmem_shared>> -> memref<128x32xf32, #tpu.memory_space<vmem_shared>>
          tpu.wait_dma2 semaphore(%run_scoped3A : memref<!tpu.dma_semaphore, #tpu.memory_space<semaphore_mem>>) src(%dma_wait3A_216 : memref<128x32xf32, #tpu.memory_space<vmem_shared>>) dst(%arg16 : memref<128x32xf32, #tpu.memory_space<vmem>>)
          tpu.yield
        }) : () -> ()
        "tpu.region"() ({
          %run_scoped3A = tpu.sem_alloc : memref<!tpu.dma_semaphore, #tpu.memory_space<semaphore_mem>>
          %dma_start3A_209 = arith.constant 0 : i32
          %dma_start3A_210 = arith.constant 0 : i32
          %dma_start3A_211 = tpu.memref_slice %arg15[%dma_start3A_209, %dma_start3A_210] : memref<400x32xf32, #tpu.memory_space<vmem>> -> memref<128x32xf32, #tpu.memory_space<vmem>>
          %dma_start3A_212 = arith.constant 0 : i32
          %dma_start3A_213 = tpu.memref_slice %arg9[%add3A_170, %dma_start3A_212] : memref<51200x32xf32, #tpu.memory_space<vmem_shared>> -> memref<128x32xf32, #tpu.memory_space<vmem_shared>>
          %dma_start3A_214 = arith.constant 0 : i32
          %dma_start3A_215 = tpu.memref_slice %arg9[%add3A_170, %dma_start3A_214] : memref<51200x32xf32, #tpu.memory_space<vmem_shared>> -> memref<128x32xf32, #tpu.memory_space<vmem_shared>>
          %dma_start3A_216 = arith.constant 0 : i32
          %dma_start3A_217 = arith.constant 0 : i32
          %dma_start3A_218 = tpu.memref_slice %arg15[%dma_start3A_216, %dma_start3A_217] : memref<400x32xf32, #tpu.memory_space<vmem>> -> memref<128x32xf32, #tpu.memory_space<vmem>>
          tpu.enqueue_dma source(%dma_start3A_218 : memref<128x32xf32, #tpu.memory_space<vmem>>) target(%dma_start3A_215 : memref<128x32xf32, #tpu.memory_space<vmem_shared>>) target_semaphore(%run_scoped3A : memref<!tpu.dma_semaphore, #tpu.memory_space<semaphore_mem>>)
          %dma_wait3A_219 = arith.constant 0 : i32
          %dma_wait3A_220 = arith.constant 0 : i32
          %dma_wait3A_221 = tpu.memref_slice %arg15[%dma_wait3A_219, %dma_wait3A_220] : memref<400x32xf32, #tpu.memory_space<vmem>> -> memref<128x32xf32, #tpu.memory_space<vmem>>
          %dma_wait3A_222 = arith.constant 0 : i32
          %dma_wait3A_223 = tpu.memref_slice %arg9[%add3A_170, %dma_wait3A_222] : memref<51200x32xf32, #tpu.memory_space<vmem_shared>> -> memref<128x32xf32, #tpu.memory_space<vmem_shared>>
          %dma_wait3A_224 = arith.constant 0 : i32
          %dma_wait3A_225 = tpu.memref_slice %arg9[%add3A_170, %dma_wait3A_224] : memref<51200x32xf32, #tpu.memory_space<vmem_shared>> -> memref<128x32xf32, #tpu.memory_space<vmem_shared>>
          %dma_wait3A_226 = arith.constant 0 : i32
          %dma_wait3A_227 = arith.constant 0 : i32
          %dma_wait3A_228 = tpu.memref_slice %arg15[%dma_wait3A_226, %dma_wait3A_227] : memref<400x32xf32, #tpu.memory_space<vmem>> -> memref<128x32xf32, #tpu.memory_space<vmem>>
          tpu.wait_dma2 semaphore(%run_scoped3A : memref<!tpu.dma_semaphore, #tpu.memory_space<semaphore_mem>>) src(%dma_wait3A_228 : memref<128x32xf32, #tpu.memory_space<vmem>>) dst(%dma_wait3A_225 : memref<128x32xf32, #tpu.memory_space<vmem_shared>>)
          tpu.yield
        }) : () -> ()
        %add3A_175 = arith.addi %mul3A_4, %add3A_170 : i32
        %dma_start3A_176 = arith.constant 0 : i32
        %dma_start3A_177 = arith.constant 0 : i32
        %dma_start3A_178 = tpu.memref_slice %arg5[%add3A_127, %dma_start3A_176, %dma_start3A_177] : memref<10x102400x32xf32, #tpu.memory_space<hbm>> -> memref<1x102400x32xf32, #tpu.memory_space<hbm>>
        %dma_start3A_179 = tpu.memref_squeeze %dma_start3A_178 : memref<1x102400x32xf32, #tpu.memory_space<hbm>> -> memref<102400x32xf32, #tpu.memory_space<hbm>>
        %dma_start3A_180 = arith.constant 0 : i32
        %dma_start3A_181 = tpu.memref_slice %dma_start3A_179[%add3A_175, %dma_start3A_180] : memref<102400x32xf32, #tpu.memory_space<hbm>> -> memref<128x32xf32, #tpu.memory_space<hbm>>
        %dma_start3A_182 = arith.constant 0 : i32
        %dma_start3A_183 = arith.constant 0 : i32
        %dma_start3A_184 = tpu.memref_slice %arg5[%add3A_127, %dma_start3A_182, %dma_start3A_183] : memref<10x102400x32xf32, #tpu.memory_space<hbm>> -> memref<1x102400x32xf32, #tpu.memory_space<hbm>>
        %dma_start3A_185 = tpu.memref_squeeze %dma_start3A_184 : memref<1x102400x32xf32, #tpu.memory_space<hbm>> -> memref<102400x32xf32, #tpu.memory_space<hbm>>
        %dma_start3A_186 = arith.constant 0 : i32
        %dma_start3A_187 = tpu.memref_slice %dma_start3A_185[%add3A_175, %dma_start3A_186] : memref<102400x32xf32, #tpu.memory_space<hbm>> -> memref<128x32xf32, #tpu.memory_space<hbm>>
        tpu.enqueue_dma source(%arg16 : memref<128x32xf32, #tpu.memory_space<vmem>>) target(%dma_start3A_187 : memref<128x32xf32, #tpu.memory_space<hbm>>) target_semaphore(%arg21 : memref<!tpu.dma_semaphore, #tpu.memory_space<semaphore_mem>>)
        %gt3A_188 = arith.constant 0 : i32
        %gt3A_189 = arith.cmpi sgt, %add3A_167, %gt3A_188 : i32
        %convert_element_type3A_190 = arith.extui %gt3A_189 : i1 to i32
        %cond3A_191 = arith.constant 0 : i32
        %cond3A_192 = arith.cmpi ne, %convert_element_type3A_190, %cond3A_191 : i32
        scf.if %cond3A_192 {
          %add3A_209 = arith.addi %mul3A_4, %mul3A_0 : i32
          %dma_wait3A_210 = arith.constant 256 : i32
          %dma_wait3A_211 = arith.constant 0 : i32
          %dma_wait3A_212 = tpu.memref_slice %arg15[%dma_wait3A_210, %dma_wait3A_211] : memref<400x32xf32, #tpu.memory_space<vmem>> -> memref<128x32xf32, #tpu.memory_space<vmem>>
          %dma_wait3A_213 = arith.constant 0 : i32
          %dma_wait3A_214 = tpu.memref_slice %arg7[%add3A_209, %dma_wait3A_213] : memref<102400x32xf32, #tpu.memory_space<hbm>> -> memref<128x32xf32, #tpu.memory_space<hbm>>
          %dma_wait3A_215 = arith.constant 0 : i32
          %dma_wait3A_216 = tpu.memref_slice %arg7[%add3A_209, %dma_wait3A_215] : memref<102400x32xf32, #tpu.memory_space<hbm>> -> memref<128x32xf32, #tpu.memory_space<hbm>>
          %dma_wait3A_217 = arith.constant 256 : i32
          %dma_wait3A_218 = arith.constant 0 : i32
          %dma_wait3A_219 = tpu.memref_slice %arg15[%dma_wait3A_217, %dma_wait3A_218] : memref<400x32xf32, #tpu.memory_space<vmem>> -> memref<128x32xf32, #tpu.memory_space<vmem>>
          tpu.wait_dma2 semaphore(%arg22 : memref<!tpu.dma_semaphore, #tpu.memory_space<semaphore_mem>>) src(%dma_wait3A_219 : memref<128x32xf32, #tpu.memory_space<vmem>>) dst(%dma_wait3A_216 : memref<128x32xf32, #tpu.memory_space<hbm>>)
        } else {
        }
        %scan3A_193 = arith.constant 0 : i32
        %scan3A_194 = arith.constant 128 : i32
        %scan3A_195 = arith.addi %scan3A_193, %scan3A_194 : i32
        %scan3A_196 = arith.constant 2 : i32
        scf.for %scan3A_209 = %scan3A_193 to %scan3A_195 step %scan3A_196  : i32 {
          %mul3A_210 = arith.constant 1 : i32
          %mul3A_211 = arith.muli %scan3A_209, %mul3A_210 : i32
          %add3A_212 = arith.constant 0 : i32
          %add3A_213 = arith.addi %add3A_212, %mul3A_211 : i32
          %mul3A_214 = arith.constant 128 : i32
          %mul3A_215 = arith.muli %add3A_167, %mul3A_214 : i32
          %add3A_216 = arith.addi %mul3A_215, %add3A_213 : i32
          %broadcast_in_dim3A_217 = vector.broadcast %add3A_216 : i32 to vector<16xi32>
          %gather3A = tpu.vector_load_idx %arg17[%broadcast_in_dim3A_217] : memref<3200xf32, #tpu.memory_space<vmem>>[vector<16xi32>], vector<16xf32>,
          %get3A = arith.index_cast %add3A_213 : i32 to index
          %get3A_218 = arith.constant 0 : index
          %get3A_219 = tpu.vector_load %arg16[%get3A, %get3A_218] {strides = array<i32>} : memref<128x32xf32, #tpu.memory_space<vmem>>, vector<16xf32>,
          %mul3A_220 = arith.mulf %get3A_219, %gather3A : vector<16xf32>
          %add3A_221 = arith.constant 256 : i32
          %add3A_222 = arith.addi %add3A_221, %add3A_213 : i32
          %swap3A_223 = arith.index_cast %add3A_222 : i32 to index
          %swap3A_224 = arith.constant 0 : index
          %swap3A_225 = tpu.vector_load %arg15[%swap3A_223, %swap3A_224] {strides = array<i32>} : memref<400x32xf32, #tpu.memory_space<vmem>>, vector<16xf32>,
          tpu.vector_store %arg15[%swap3A_223, %swap3A_224], %mul3A_220 {strides = array<i32>} : memref<400x32xf32, #tpu.memory_space<vmem>>, vector<16xf32>,
          %get3A_226 = arith.index_cast %add3A_213 : i32 to index
          %get3A_227 = arith.constant 16 : index
          %get3A_228 = tpu.vector_load %arg16[%get3A_226, %get3A_227] {strides = array<i32>} : memref<128x32xf32, #tpu.memory_space<vmem>>, vector<16xf32>,
          %mul3A_229 = arith.mulf %get3A_228, %gather3A : vector<16xf32>
          %add3A_230 = arith.constant 256 : i32
          %add3A_231 = arith.addi %add3A_230, %add3A_213 : i32
          %swap3A_232 = arith.index_cast %add3A_231 : i32 to index
          %swap3A_233 = arith.constant 16 : index
          %swap3A_234 = tpu.vector_load %arg15[%swap3A_232, %swap3A_233] {strides = array<i32>} : memref<400x32xf32, #tpu.memory_space<vmem>>, vector<16xf32>,
          tpu.vector_store %arg15[%swap3A_232, %swap3A_233], %mul3A_229 {strides = array<i32>} : memref<400x32xf32, #tpu.memory_space<vmem>>, vector<16xf32>,
          %scan3A_235 = arith.constant 1 : i32
          %scan3A_236 = arith.addi %scan3A_209, %scan3A_235 : i32
          %mul3A_237 = arith.constant 1 : i32
          %mul3A_238 = arith.muli %scan3A_236, %mul3A_237 : i32
          %add3A_239 = arith.constant 0 : i32
          %add3A_240 = arith.addi %add3A_239, %mul3A_238 : i32
          %mul3A_241 = arith.constant 128 : i32
          %mul3A_242 = arith.muli %add3A_167, %mul3A_241 : i32
          %add3A_243 = arith.addi %mul3A_242, %add3A_240 : i32
          %broadcast_in_dim3A_244 = vector.broadcast %add3A_243 : i32 to vector<16xi32>
          %gather3A_245 = tpu.vector_load_idx %arg17[%broadcast_in_dim3A_244] : memref<3200xf32, #tpu.memory_space<vmem>>[vector<16xi32>], vector<16xf32>,
          %get3A_246 = arith.index_cast %add3A_240 : i32 to index
          %get3A_247 = arith.constant 0 : index
          %get3A_248 = tpu.vector_load %arg16[%get3A_246, %get3A_247] {strides = array<i32>} : memref<128x32xf32, #tpu.memory_space<vmem>>, vector<16xf32>,
          %mul3A_249 = arith.mulf %get3A_248, %gather3A_245 : vector<16xf32>
          %add3A_250 = arith.constant 256 : i32
          %add3A_251 = arith.addi %add3A_250, %add3A_240 : i32
          %swap3A_252 = arith.index_cast %add3A_251 : i32 to index
          %swap3A_253 = arith.constant 0 : index
          %swap3A_254 = tpu.vector_load %arg15[%swap3A_252, %swap3A_253] {strides = array<i32>} : memref<400x32xf32, #tpu.memory_space<vmem>>, vector<16xf32>,
          tpu.vector_store %arg15[%swap3A_252, %swap3A_253], %mul3A_249 {strides = array<i32>} : memref<400x32xf32, #tpu.memory_space<vmem>>, vector<16xf32>,
          %get3A_255 = arith.index_cast %add3A_240 : i32 to index
          %get3A_256 = arith.constant 16 : index
          %get3A_257 = tpu.vector_load %arg16[%get3A_255, %get3A_256] {strides = array<i32>} : memref<128x32xf32, #tpu.memory_space<vmem>>, vector<16xf32>,
          %mul3A_258 = arith.mulf %get3A_257, %gather3A_245 : vector<16xf32>
          %add3A_259 = arith.constant 256 : i32
          %add3A_260 = arith.addi %add3A_259, %add3A_240 : i32
          %swap3A_261 = arith.index_cast %add3A_260 : i32 to index
          %swap3A_262 = arith.constant 16 : index
          %swap3A_263 = tpu.vector_load %arg15[%swap3A_261, %swap3A_262] {strides = array<i32>} : memref<400x32xf32, #tpu.memory_space<vmem>>, vector<16xf32>,
          tpu.vector_store %arg15[%swap3A_261, %swap3A_262], %mul3A_258 {strides = array<i32>} : memref<400x32xf32, #tpu.memory_space<vmem>>, vector<16xf32>,
        }
        %scan3A_197 = arith.constant 128 : i32
        %add3A_198 = arith.addi %mul3A_4, %add3A_170 : i32
        %dma_start3A_199 = arith.constant 256 : i32
        %dma_start3A_200 = arith.constant 0 : i32
        %dma_start3A_201 = tpu.memref_slice %arg15[%dma_start3A_199, %dma_start3A_200] : memref<400x32xf32, #tpu.memory_space<vmem>> -> memref<128x32xf32, #tpu.memory_space<vmem>>
        %dma_start3A_202 = arith.constant 0 : i32
        %dma_start3A_203 = tpu.memref_slice %arg7[%add3A_198, %dma_start3A_202] : memref<102400x32xf32, #tpu.memory_space<hbm>> -> memref<128x32xf32, #tpu.memory_space<hbm>>
        %dma_start3A_204 = arith.constant 0 : i32
        %dma_start3A_205 = tpu.memref_slice %arg7[%add3A_198, %dma_start3A_204] : memref<102400x32xf32, #tpu.memory_space<hbm>> -> memref<128x32xf32, #tpu.memory_space<hbm>>
        %dma_start3A_206 = arith.constant 256 : i32
        %dma_start3A_207 = arith.constant 0 : i32
        %dma_start3A_208 = tpu.memref_slice %arg15[%dma_start3A_206, %dma_start3A_207] : memref<400x32xf32, #tpu.memory_space<vmem>> -> memref<128x32xf32, #tpu.memory_space<vmem>>
        tpu.enqueue_dma source(%dma_start3A_208 : memref<128x32xf32, #tpu.memory_space<vmem>>) target(%dma_start3A_205 : memref<128x32xf32, #tpu.memory_space<hbm>>) target_semaphore(%arg22 : memref<!tpu.dma_semaphore, #tpu.memory_space<semaphore_mem>>)
      }
      %scan3A_137 = arith.constant 25 : i32
      %add3A_138 = arith.addi %mul3A_4, %mul3A_0 : i32
      %dma_wait3A_139 = arith.constant 0 : i32
      %dma_wait3A_140 = arith.constant 0 : i32
      %dma_wait3A_141 = tpu.memref_slice %arg5[%add3A_127, %dma_wait3A_139, %dma_wait3A_140] : memref<10x102400x32xf32, #tpu.memory_space<hbm>> -> memref<1x102400x32xf32, #tpu.memory_space<hbm>>
      %dma_wait3A_142 = tpu.memref_squeeze %dma_wait3A_141 : memref<1x102400x32xf32, #tpu.memory_space<hbm>> -> memref<102400x32xf32, #tpu.memory_space<hbm>>
      %dma_wait3A_143 = arith.constant 0 : i32
      %dma_wait3A_144 = tpu.memref_slice %dma_wait3A_142[%add3A_138, %dma_wait3A_143] : memref<102400x32xf32, #tpu.memory_space<hbm>> -> memref<128x32xf32, #tpu.memory_space<hbm>>
      %dma_wait3A_145 = arith.constant 0 : i32
      %dma_wait3A_146 = arith.constant 0 : i32
      %dma_wait3A_147 = tpu.memref_slice %arg5[%add3A_127, %dma_wait3A_145, %dma_wait3A_146] : memref<10x102400x32xf32, #tpu.memory_space<hbm>> -> memref<1x102400x32xf32, #tpu.memory_space<hbm>>
      %dma_wait3A_148 = tpu.memref_squeeze %dma_wait3A_147 : memref<1x102400x32xf32, #tpu.memory_space<hbm>> -> memref<102400x32xf32, #tpu.memory_space<hbm>>
      %dma_wait3A_149 = arith.constant 0 : i32
      %dma_wait3A_150 = tpu.memref_slice %dma_wait3A_148[%add3A_138, %dma_wait3A_149] : memref<102400x32xf32, #tpu.memory_space<hbm>> -> memref<128x32xf32, #tpu.memory_space<hbm>>
      tpu.wait_dma2 semaphore(%arg21 : memref<!tpu.dma_semaphore, #tpu.memory_space<semaphore_mem>>) src(%arg16 : memref<128x32xf32, #tpu.memory_space<vmem>>) dst(%dma_wait3A_150 : memref<128x32xf32, #tpu.memory_space<hbm>>)
      %add3A_151 = arith.addi %mul3A_4, %mul3A_0 : i32
      %dma_wait3A_152 = arith.constant 256 : i32
      %dma_wait3A_153 = arith.constant 0 : i32
      %dma_wait3A_154 = tpu.memref_slice %arg15[%dma_wait3A_152, %dma_wait3A_153] : memref<400x32xf32, #tpu.memory_space<vmem>> -> memref<128x32xf32, #tpu.memory_space<vmem>>
      %dma_wait3A_155 = arith.constant 0 : i32
      %dma_wait3A_156 = tpu.memref_slice %arg7[%add3A_151, %dma_wait3A_155] : memref<102400x32xf32, #tpu.memory_space<hbm>> -> memref<128x32xf32, #tpu.memory_space<hbm>>
      %dma_wait3A_157 = arith.constant 0 : i32
      %dma_wait3A_158 = tpu.memref_slice %arg7[%add3A_151, %dma_wait3A_157] : memref<102400x32xf32, #tpu.memory_space<hbm>> -> memref<128x32xf32, #tpu.memory_space<hbm>>
      %dma_wait3A_159 = arith.constant 256 : i32
      %dma_wait3A_160 = arith.constant 0 : i32
      %dma_wait3A_161 = tpu.memref_slice %arg15[%dma_wait3A_159, %dma_wait3A_160] : memref<400x32xf32, #tpu.memory_space<vmem>> -> memref<128x32xf32, #tpu.memory_space<vmem>>
      tpu.wait_dma2 semaphore(%arg22 : memref<!tpu.dma_semaphore, #tpu.memory_space<semaphore_mem>>) src(%dma_wait3A_161 : memref<128x32xf32, #tpu.memory_space<vmem>>) dst(%dma_wait3A_158 : memref<128x32xf32, #tpu.memory_space<hbm>>)
      %barrier3A_162 = arith.constant 0 : index
      tpu.barrier barrier_id(%barrier3A_162)
    }
    %scan3A_51 = arith.constant 5 : i32
    return
  }
}

module attributes {stable_mosaic.version = 14 : i64} {
  func.func @_mlp_body(%arg0: i32, %arg1: memref<1000x128xf32, #tpu.memory_space<vmem>>, %arg2: memref<128x256xf32, #tpu.memory_space<vmem>>, %arg3: memref<256xf32, #tpu.memory_space<vmem>>, %arg4: memref<256x256xf32, #tpu.memory_space<vmem>>, %arg5: memref<256xf32, #tpu.memory_space<vmem>>, %arg6: memref<256x64xf32, #tpu.memory_space<vmem>>, %arg7: memref<64xf32, #tpu.memory_space<vmem>>, %arg8: memref<1000x64xf32, #tpu.memory_space<vmem>>) attributes {dimension_semantics = [#tpu.dimension_semantics<parallel>], iteration_bounds = array<i64: 50>, scalar_prefetch = 0 : i64, scratch_operands = 0 : i64, tpu.core_type = #tpu.core_type<tc>, window_params = [{transform_indices = @transform_0, window_bounds = array<i64: 1000, 128>}, {pipeline_mode = #tpu.pipeline_mode<synchronous>, transform_indices = @transform_1, window_bounds = array<i64: 128, 256>}, {pipeline_mode = #tpu.pipeline_mode<synchronous>, transform_indices = @transform_2, window_bounds = array<i64: 256>}, {pipeline_mode = #tpu.pipeline_mode<synchronous>, transform_indices = @transform_3, window_bounds = array<i64: 256, 256>}, {pipeline_mode = #tpu.pipeline_mode<synchronous>, transform_indices = @transform_4, window_bounds = array<i64: 256>}, {pipeline_mode = #tpu.pipeline_mode<synchronous>, transform_indices = @transform_5, window_bounds = array<i64: 256, 64>}, {pipeline_mode = #tpu.pipeline_mode<synchronous>, transform_indices = @transform_6, window_bounds = array<i64: 64>}, {transform_indices = @transform_7, window_bounds = array<i64: 1000, 64>}]} {
    %get3A = arith.constant 0 : index
    %get3A_0 = arith.constant 0 : index
    %get3A_1 = vector.load %arg1[%get3A, %get3A_0] : memref<1000x128xf32, #tpu.memory_space<vmem>>, vector<1000x128xf32>
    %get3A_2 = arith.constant 0 : index
    %get3A_3 = arith.constant 0 : index
    %get3A_4 = vector.load %arg2[%get3A_2, %get3A_3] : memref<128x256xf32, #tpu.memory_space<vmem>>, vector<128x256xf32>
    %dot_general3A = arith.constant dense<0.000000e+00> : vector<1000x256xf32>
    %dot_general3A_5 = tpu.matmul %get3A_1, %get3A_4, %dot_general3A {dimension_numbers = #tpu.dot_dimension_numbers<[1], [0], [0], [1], [0, 0, 1, 1], [], []>, transpose_lhs_hint = false} : vector<1000x128xf32>, vector<128x256xf32>, vector<1000x256xf32> -> vector<1000x256xf32>
    %get3A_6 = arith.constant 0 : index
    %get3A_7 = vector.load %arg3[%get3A_6] : memref<256xf32, #tpu.memory_space<vmem>>, vector<256xf32>
    %broadcast_in_dim3A = vector.shape_cast %get3A_7 : vector<256xf32> to vector<1x256xf32>
    %add3A = vector.broadcast %broadcast_in_dim3A : vector<1x256xf32> to vector<1000x256xf32>
    %add3A_8 = arith.addf %dot_general3A_5, %add3A : vector<1000x256xf32>
    %max3A = arith.constant 0.000000e+00 : f32
    %max3A_9 = vector.broadcast %max3A : f32 to vector<1000x256xf32>
    %max3A_10 = arith.maximumf %add3A_8, %max3A_9 : vector<1000x256xf32>
    %get3A_11 = arith.constant 0 : index
    %get3A_12 = arith.constant 0 : index
    %get3A_13 = vector.load %arg4[%get3A_11, %get3A_12] : memref<256x256xf32, #tpu.memory_space<vmem>>, vector<256x256xf32>
    %dot_general3A_14 = arith.constant dense<0.000000e+00> : vector<1000x256xf32>
    %dot_general3A_15 = tpu.matmul %max3A_10, %get3A_13, %dot_general3A_14 {dimension_numbers = #tpu.dot_dimension_numbers<[1], [0], [0], [1], [0, 0, 1, 1], [], []>, transpose_lhs_hint = false} : vector<1000x256xf32>, vector<256x256xf32>, vector<1000x256xf32> -> vector<1000x256xf32>
    %get3A_16 = arith.constant 0 : index
    %get3A_17 = vector.load %arg5[%get3A_16] : memref<256xf32, #tpu.memory_space<vmem>>, vector<256xf32>
    %broadcast_in_dim3A_18 = vector.shape_cast %get3A_17 : vector<256xf32> to vector<1x256xf32>
    %add3A_19 = vector.broadcast %broadcast_in_dim3A_18 : vector<1x256xf32> to vector<1000x256xf32>
    %add3A_20 = arith.addf %dot_general3A_15, %add3A_19 : vector<1000x256xf32>
    %max3A_21 = arith.constant 0.000000e+00 : f32
    %max3A_22 = vector.broadcast %max3A_21 : f32 to vector<1000x256xf32>
    %max3A_23 = arith.maximumf %add3A_20, %max3A_22 : vector<1000x256xf32>
    %get3A_24 = arith.constant 0 : index
    %get3A_25 = arith.constant 0 : index
    %get3A_26 = vector.load %arg6[%get3A_24, %get3A_25] : memref<256x64xf32, #tpu.memory_space<vmem>>, vector<256x64xf32>
    %dot_general3A_27 = arith.constant dense<0.000000e+00> : vector<1000x64xf32>
    %dot_general3A_28 = tpu.matmul %max3A_23, %get3A_26, %dot_general3A_27 {dimension_numbers = #tpu.dot_dimension_numbers<[1], [0], [0], [1], [0, 0, 1, 1], [], []>, transpose_lhs_hint = false} : vector<1000x256xf32>, vector<256x64xf32>, vector<1000x64xf32> -> vector<1000x64xf32>
    %get3A_29 = arith.constant 0 : index
    %get3A_30 = vector.load %arg7[%get3A_29] : memref<64xf32, #tpu.memory_space<vmem>>, vector<64xf32>
    %broadcast_in_dim3A_31 = vector.shape_cast %get3A_30 : vector<64xf32> to vector<1x64xf32>
    %add3A_32 = vector.broadcast %broadcast_in_dim3A_31 : vector<1x64xf32> to vector<1000x64xf32>
    %add3A_33 = arith.addf %dot_general3A_28, %add3A_32 : vector<1000x64xf32>
    %swap3A = arith.constant 0 : index
    %swap3A_34 = arith.constant 0 : index
    %swap3A_35 = vector.load %arg8[%swap3A, %swap3A_34] : memref<1000x64xf32, #tpu.memory_space<vmem>>, vector<1000x64xf32>
    tpu.vector_store %arg8[%swap3A, %swap3A_34], %add3A_33 {strides = array<i32>} : memref<1000x64xf32, #tpu.memory_space<vmem>>, vector<1000x64xf32>,
    return
  }
  func.func @transform_0(%arg0: i32) -> (i32, i32) {
    %c0_i32 = arith.constant 0 : i32
    %c0_i32_0 = arith.constant 0 : i32
    return %arg0, %c0_i32 : i32, i32
  }
  func.func @transform_1(%arg0: i32) -> (i32, i32) {
    %c0_i32 = arith.constant 0 : i32
    %c0_i32_0 = arith.constant 0 : i32
    %c0_i32_1 = arith.constant 0 : i32
    return %c0_i32, %c0_i32_0 : i32, i32
  }
  func.func @transform_2(%arg0: i32) -> i32 {
    %c0_i32 = arith.constant 0 : i32
    %c0_i32_0 = arith.constant 0 : i32
    return %c0_i32 : i32
  }
  func.func @transform_3(%arg0: i32) -> (i32, i32) {
    %c0_i32 = arith.constant 0 : i32
    %c0_i32_0 = arith.constant 0 : i32
    %c0_i32_1 = arith.constant 0 : i32
    return %c0_i32, %c0_i32_0 : i32, i32
  }
  func.func @transform_4(%arg0: i32) -> i32 {
    %c0_i32 = arith.constant 0 : i32
    %c0_i32_0 = arith.constant 0 : i32
    return %c0_i32 : i32
  }
  func.func @transform_5(%arg0: i32) -> (i32, i32) {
    %c0_i32 = arith.constant 0 : i32
    %c0_i32_0 = arith.constant 0 : i32
    %c0_i32_1 = arith.constant 0 : i32
    return %c0_i32, %c0_i32_0 : i32, i32
  }
  func.func @transform_6(%arg0: i32) -> i32 {
    %c0_i32 = arith.constant 0 : i32
    %c0_i32_0 = arith.constant 0 : i32
    return %c0_i32 : i32
  }
  func.func @transform_7(%arg0: i32) -> (i32, i32) {
    %c0_i32 = arith.constant 0 : i32
    %c0_i32_0 = arith.constant 0 : i32
    return %arg0, %c0_i32 : i32, i32
  }
}

module attributes {stable_mosaic.version = 14 : i64} {
  func.func @_combine_body(%arg0: i32, %arg1: memref<800x1xf32, #tpu.memory_space<vmem>>, %arg2: memref<800x64xf32, #tpu.memory_space<vmem>>, %arg3: memref<10x2x800x32xf32, #tpu.memory_space<vmem>>, %arg4: memref<1x64xf32, #tpu.memory_space<vmem>>, %arg5: memref<800x64xf32, #tpu.memory_space<vmem>>) attributes {dimension_semantics = [#tpu.dimension_semantics<parallel>], iteration_bounds = array<i64: 64>, scalar_prefetch = 0 : i64, scratch_operands = 0 : i64, tpu.core_type = #tpu.core_type<tc>, window_params = [{transform_indices = @transform_0, window_bounds = array<i64: 800, 1>}, {transform_indices = @transform_1, window_bounds = array<i64: 800, 64>}, {transform_indices = @transform_2, window_bounds = array<i64: 10, 2, 800, 32>}, {pipeline_mode = #tpu.pipeline_mode<synchronous>, transform_indices = @transform_3, window_bounds = array<i64: 1, 64>}, {transform_indices = @transform_4, window_bounds = array<i64: 800, 64>}]} {
    %get3A = arith.constant 0 : index
    %get3A_0 = arith.constant 0 : index
    %get3A_1 = vector.load %arg1[%get3A, %get3A_0] : memref<800x1xf32, #tpu.memory_space<vmem>>, vector<800x1xf32>
    %rsqrt3A = math.rsqrt %get3A_1 : vector<800x1xf32>
    %get3A_2 = arith.constant 0 : index
    %get3A_3 = arith.constant 0 : index
    %get3A_4 = vector.load %arg4[%get3A_2, %get3A_3] : memref<1x64xf32, #tpu.memory_space<vmem>>, vector<1x64xf32>
    %get3A_5 = arith.constant 0 : index
    %get3A_6 = arith.constant 0 : index
    %get3A_7 = vector.load %arg2[%get3A_5, %get3A_6] : memref<800x64xf32, #tpu.memory_space<vmem>>, vector<800x64xf32>
    %mul3A = vector.broadcast %get3A_4 : vector<1x64xf32> to vector<800x64xf32>
    %mul3A_8 = arith.mulf %get3A_7, %mul3A : vector<800x64xf32>
    %reduce_sum3A = arith.constant dense<0.000000e+00> : vector<800xf32>
    %reduce_sum3A_9 = vector.multi_reduction <add>, %mul3A_8, %reduce_sum3A [1] : vector<800x64xf32> to vector<800xf32>
    %broadcast_in_dim3A = vector.shape_cast %reduce_sum3A_9 : vector<800xf32> to vector<800x1xf32>
    %logistic3A = arith.negf %broadcast_in_dim3A : vector<800x1xf32>
    %logistic3A_10 = math.exp %logistic3A : vector<800x1xf32>
    %logistic3A_11 = arith.constant 1.000000e+00 : f32
    %logistic3A_12 = vector.broadcast %logistic3A_11 : f32 to vector<800x1xf32>
    %logistic3A_13 = arith.addf %logistic3A_12, %logistic3A_10 : vector<800x1xf32>
    %logistic3A_14 = arith.divf %logistic3A_12, %logistic3A_13 : vector<800x1xf32>
    %mul3A_15 = vector.broadcast %logistic3A_14 : vector<800x1xf32> to vector<800x64xf32>
    %mul3A_16 = arith.mulf %mul3A_15, %get3A_7 : vector<800x64xf32>
    %get3A_17 = arith.constant 0 : index
    %get3A_18 = arith.constant 0 : index
    %get3A_19 = arith.constant 0 : index
    %get3A_20 = arith.constant 0 : index
    %get3A_21 = vector.load %arg3[%get3A_17, %get3A_18, %get3A_19, %get3A_20] : memref<10x2x800x32xf32, #tpu.memory_space<vmem>>, vector<1x1x800x32xf32>
    %get3A_22 = vector.shape_cast %get3A_21 : vector<1x1x800x32xf32> to vector<800x32xf32>
    %get3A_23 = arith.constant 0 : index
    %get3A_24 = arith.constant 1 : index
    %get3A_25 = arith.constant 0 : index
    %get3A_26 = arith.constant 0 : index
    %get3A_27 = vector.load %arg3[%get3A_23, %get3A_24, %get3A_25, %get3A_26] : memref<10x2x800x32xf32, #tpu.memory_space<vmem>>, vector<1x1x800x32xf32>
    %get3A_28 = vector.shape_cast %get3A_27 : vector<1x1x800x32xf32> to vector<800x32xf32>
    %concatenate3A = tpu.concatenate %get3A_22, %get3A_28 in 1 : vector<800x32xf32>, vector<800x32xf32> -> vector<800x64xf32>
    %mul3A_29 = vector.broadcast %rsqrt3A : vector<800x1xf32> to vector<800x64xf32>
    %mul3A_30 = arith.mulf %concatenate3A, %mul3A_29 : vector<800x64xf32>
    %mul3A_31 = vector.broadcast %get3A_4 : vector<1x64xf32> to vector<800x64xf32>
    %mul3A_32 = arith.mulf %mul3A_30, %mul3A_31 : vector<800x64xf32>
    %reduce_sum3A_33 = arith.constant dense<0.000000e+00> : vector<800xf32>
    %reduce_sum3A_34 = vector.multi_reduction <add>, %mul3A_32, %reduce_sum3A_33 [1] : vector<800x64xf32> to vector<800xf32>
    %broadcast_in_dim3A_35 = vector.shape_cast %reduce_sum3A_34 : vector<800xf32> to vector<800x1xf32>
    %logistic3A_36 = arith.negf %broadcast_in_dim3A_35 : vector<800x1xf32>
    %logistic3A_37 = math.exp %logistic3A_36 : vector<800x1xf32>
    %logistic3A_38 = arith.constant 1.000000e+00 : f32
    %logistic3A_39 = vector.broadcast %logistic3A_38 : f32 to vector<800x1xf32>
    %logistic3A_40 = arith.addf %logistic3A_39, %logistic3A_37 : vector<800x1xf32>
    %logistic3A_41 = arith.divf %logistic3A_39, %logistic3A_40 : vector<800x1xf32>
    %mul3A_42 = vector.broadcast %logistic3A_41 : vector<800x1xf32> to vector<800x64xf32>
    %mul3A_43 = arith.mulf %mul3A_42, %mul3A_30 : vector<800x64xf32>
    %add3A = arith.addf %mul3A_16, %mul3A_43 : vector<800x64xf32>
    %get3A_44 = arith.constant 1 : index
    %get3A_45 = arith.constant 0 : index
    %get3A_46 = arith.constant 0 : index
    %get3A_47 = arith.constant 0 : index
    %get3A_48 = vector.load %arg3[%get3A_44, %get3A_45, %get3A_46, %get3A_47] : memref<10x2x800x32xf32, #tpu.memory_space<vmem>>, vector<1x1x800x32xf32>
    %get3A_49 = vector.shape_cast %get3A_48 : vector<1x1x800x32xf32> to vector<800x32xf32>
    %get3A_50 = arith.constant 1 : index
    %get3A_51 = arith.constant 1 : index
    %get3A_52 = arith.constant 0 : index
    %get3A_53 = arith.constant 0 : index
    %get3A_54 = vector.load %arg3[%get3A_50, %get3A_51, %get3A_52, %get3A_53] : memref<10x2x800x32xf32, #tpu.memory_space<vmem>>, vector<1x1x800x32xf32>
    %get3A_55 = vector.shape_cast %get3A_54 : vector<1x1x800x32xf32> to vector<800x32xf32>
    %concatenate3A_56 = tpu.concatenate %get3A_49, %get3A_55 in 1 : vector<800x32xf32>, vector<800x32xf32> -> vector<800x64xf32>
    %mul3A_57 = vector.broadcast %rsqrt3A : vector<800x1xf32> to vector<800x64xf32>
    %mul3A_58 = arith.mulf %concatenate3A_56, %mul3A_57 : vector<800x64xf32>
    %mul3A_59 = vector.broadcast %get3A_4 : vector<1x64xf32> to vector<800x64xf32>
    %mul3A_60 = arith.mulf %mul3A_58, %mul3A_59 : vector<800x64xf32>
    %reduce_sum3A_61 = arith.constant dense<0.000000e+00> : vector<800xf32>
    %reduce_sum3A_62 = vector.multi_reduction <add>, %mul3A_60, %reduce_sum3A_61 [1] : vector<800x64xf32> to vector<800xf32>
    %broadcast_in_dim3A_63 = vector.shape_cast %reduce_sum3A_62 : vector<800xf32> to vector<800x1xf32>
    %logistic3A_64 = arith.negf %broadcast_in_dim3A_63 : vector<800x1xf32>
    %logistic3A_65 = math.exp %logistic3A_64 : vector<800x1xf32>
    %logistic3A_66 = arith.constant 1.000000e+00 : f32
    %logistic3A_67 = vector.broadcast %logistic3A_66 : f32 to vector<800x1xf32>
    %logistic3A_68 = arith.addf %logistic3A_67, %logistic3A_65 : vector<800x1xf32>
    %logistic3A_69 = arith.divf %logistic3A_67, %logistic3A_68 : vector<800x1xf32>
    %mul3A_70 = vector.broadcast %logistic3A_69 : vector<800x1xf32> to vector<800x64xf32>
    %mul3A_71 = arith.mulf %mul3A_70, %mul3A_58 : vector<800x64xf32>
    %add3A_72 = arith.addf %add3A, %mul3A_71 : vector<800x64xf32>
    %get3A_73 = arith.constant 2 : index
    %get3A_74 = arith.constant 0 : index
    %get3A_75 = arith.constant 0 : index
    %get3A_76 = arith.constant 0 : index
    %get3A_77 = vector.load %arg3[%get3A_73, %get3A_74, %get3A_75, %get3A_76] : memref<10x2x800x32xf32, #tpu.memory_space<vmem>>, vector<1x1x800x32xf32>
    %get3A_78 = vector.shape_cast %get3A_77 : vector<1x1x800x32xf32> to vector<800x32xf32>
    %get3A_79 = arith.constant 2 : index
    %get3A_80 = arith.constant 1 : index
    %get3A_81 = arith.constant 0 : index
    %get3A_82 = arith.constant 0 : index
    %get3A_83 = vector.load %arg3[%get3A_79, %get3A_80, %get3A_81, %get3A_82] : memref<10x2x800x32xf32, #tpu.memory_space<vmem>>, vector<1x1x800x32xf32>
    %get3A_84 = vector.shape_cast %get3A_83 : vector<1x1x800x32xf32> to vector<800x32xf32>
    %concatenate3A_85 = tpu.concatenate %get3A_78, %get3A_84 in 1 : vector<800x32xf32>, vector<800x32xf32> -> vector<800x64xf32>
    %mul3A_86 = vector.broadcast %rsqrt3A : vector<800x1xf32> to vector<800x64xf32>
    %mul3A_87 = arith.mulf %concatenate3A_85, %mul3A_86 : vector<800x64xf32>
    %mul3A_88 = vector.broadcast %get3A_4 : vector<1x64xf32> to vector<800x64xf32>
    %mul3A_89 = arith.mulf %mul3A_87, %mul3A_88 : vector<800x64xf32>
    %reduce_sum3A_90 = arith.constant dense<0.000000e+00> : vector<800xf32>
    %reduce_sum3A_91 = vector.multi_reduction <add>, %mul3A_89, %reduce_sum3A_90 [1] : vector<800x64xf32> to vector<800xf32>
    %broadcast_in_dim3A_92 = vector.shape_cast %reduce_sum3A_91 : vector<800xf32> to vector<800x1xf32>
    %logistic3A_93 = arith.negf %broadcast_in_dim3A_92 : vector<800x1xf32>
    %logistic3A_94 = math.exp %logistic3A_93 : vector<800x1xf32>
    %logistic3A_95 = arith.constant 1.000000e+00 : f32
    %logistic3A_96 = vector.broadcast %logistic3A_95 : f32 to vector<800x1xf32>
    %logistic3A_97 = arith.addf %logistic3A_96, %logistic3A_94 : vector<800x1xf32>
    %logistic3A_98 = arith.divf %logistic3A_96, %logistic3A_97 : vector<800x1xf32>
    %mul3A_99 = vector.broadcast %logistic3A_98 : vector<800x1xf32> to vector<800x64xf32>
    %mul3A_100 = arith.mulf %mul3A_99, %mul3A_87 : vector<800x64xf32>
    %add3A_101 = arith.addf %add3A_72, %mul3A_100 : vector<800x64xf32>
    %get3A_102 = arith.constant 3 : index
    %get3A_103 = arith.constant 0 : index
    %get3A_104 = arith.constant 0 : index
    %get3A_105 = arith.constant 0 : index
    %get3A_106 = vector.load %arg3[%get3A_102, %get3A_103, %get3A_104, %get3A_105] : memref<10x2x800x32xf32, #tpu.memory_space<vmem>>, vector<1x1x800x32xf32>
    %get3A_107 = vector.shape_cast %get3A_106 : vector<1x1x800x32xf32> to vector<800x32xf32>
    %get3A_108 = arith.constant 3 : index
    %get3A_109 = arith.constant 1 : index
    %get3A_110 = arith.constant 0 : index
    %get3A_111 = arith.constant 0 : index
    %get3A_112 = vector.load %arg3[%get3A_108, %get3A_109, %get3A_110, %get3A_111] : memref<10x2x800x32xf32, #tpu.memory_space<vmem>>, vector<1x1x800x32xf32>
    %get3A_113 = vector.shape_cast %get3A_112 : vector<1x1x800x32xf32> to vector<800x32xf32>
    %concatenate3A_114 = tpu.concatenate %get3A_107, %get3A_113 in 1 : vector<800x32xf32>, vector<800x32xf32> -> vector<800x64xf32>
    %mul3A_115 = vector.broadcast %rsqrt3A : vector<800x1xf32> to vector<800x64xf32>
    %mul3A_116 = arith.mulf %concatenate3A_114, %mul3A_115 : vector<800x64xf32>
    %mul3A_117 = vector.broadcast %get3A_4 : vector<1x64xf32> to vector<800x64xf32>
    %mul3A_118 = arith.mulf %mul3A_116, %mul3A_117 : vector<800x64xf32>
    %reduce_sum3A_119 = arith.constant dense<0.000000e+00> : vector<800xf32>
    %reduce_sum3A_120 = vector.multi_reduction <add>, %mul3A_118, %reduce_sum3A_119 [1] : vector<800x64xf32> to vector<800xf32>
    %broadcast_in_dim3A_121 = vector.shape_cast %reduce_sum3A_120 : vector<800xf32> to vector<800x1xf32>
    %logistic3A_122 = arith.negf %broadcast_in_dim3A_121 : vector<800x1xf32>
    %logistic3A_123 = math.exp %logistic3A_122 : vector<800x1xf32>
    %logistic3A_124 = arith.constant 1.000000e+00 : f32
    %logistic3A_125 = vector.broadcast %logistic3A_124 : f32 to vector<800x1xf32>
    %logistic3A_126 = arith.addf %logistic3A_125, %logistic3A_123 : vector<800x1xf32>
    %logistic3A_127 = arith.divf %logistic3A_125, %logistic3A_126 : vector<800x1xf32>
    %mul3A_128 = vector.broadcast %logistic3A_127 : vector<800x1xf32> to vector<800x64xf32>
    %mul3A_129 = arith.mulf %mul3A_128, %mul3A_116 : vector<800x64xf32>
    %add3A_130 = arith.addf %add3A_101, %mul3A_129 : vector<800x64xf32>
    %get3A_131 = arith.constant 4 : index
    %get3A_132 = arith.constant 0 : index
    %get3A_133 = arith.constant 0 : index
    %get3A_134 = arith.constant 0 : index
    %get3A_135 = vector.load %arg3[%get3A_131, %get3A_132, %get3A_133, %get3A_134] : memref<10x2x800x32xf32, #tpu.memory_space<vmem>>, vector<1x1x800x32xf32>
    %get3A_136 = vector.shape_cast %get3A_135 : vector<1x1x800x32xf32> to vector<800x32xf32>
    %get3A_137 = arith.constant 4 : index
    %get3A_138 = arith.constant 1 : index
    %get3A_139 = arith.constant 0 : index
    %get3A_140 = arith.constant 0 : index
    %get3A_141 = vector.load %arg3[%get3A_137, %get3A_138, %get3A_139, %get3A_140] : memref<10x2x800x32xf32, #tpu.memory_space<vmem>>, vector<1x1x800x32xf32>
    %get3A_142 = vector.shape_cast %get3A_141 : vector<1x1x800x32xf32> to vector<800x32xf32>
    %concatenate3A_143 = tpu.concatenate %get3A_136, %get3A_142 in 1 : vector<800x32xf32>, vector<800x32xf32> -> vector<800x64xf32>
    %mul3A_144 = vector.broadcast %rsqrt3A : vector<800x1xf32> to vector<800x64xf32>
    %mul3A_145 = arith.mulf %concatenate3A_143, %mul3A_144 : vector<800x64xf32>
    %mul3A_146 = vector.broadcast %get3A_4 : vector<1x64xf32> to vector<800x64xf32>
    %mul3A_147 = arith.mulf %mul3A_145, %mul3A_146 : vector<800x64xf32>
    %reduce_sum3A_148 = arith.constant dense<0.000000e+00> : vector<800xf32>
    %reduce_sum3A_149 = vector.multi_reduction <add>, %mul3A_147, %reduce_sum3A_148 [1] : vector<800x64xf32> to vector<800xf32>
    %broadcast_in_dim3A_150 = vector.shape_cast %reduce_sum3A_149 : vector<800xf32> to vector<800x1xf32>
    %logistic3A_151 = arith.negf %broadcast_in_dim3A_150 : vector<800x1xf32>
    %logistic3A_152 = math.exp %logistic3A_151 : vector<800x1xf32>
    %logistic3A_153 = arith.constant 1.000000e+00 : f32
    %logistic3A_154 = vector.broadcast %logistic3A_153 : f32 to vector<800x1xf32>
    %logistic3A_155 = arith.addf %logistic3A_154, %logistic3A_152 : vector<800x1xf32>
    %logistic3A_156 = arith.divf %logistic3A_154, %logistic3A_155 : vector<800x1xf32>
    %mul3A_157 = vector.broadcast %logistic3A_156 : vector<800x1xf32> to vector<800x64xf32>
    %mul3A_158 = arith.mulf %mul3A_157, %mul3A_145 : vector<800x64xf32>
    %add3A_159 = arith.addf %add3A_130, %mul3A_158 : vector<800x64xf32>
    %get3A_160 = arith.constant 5 : index
    %get3A_161 = arith.constant 0 : index
    %get3A_162 = arith.constant 0 : index
    %get3A_163 = arith.constant 0 : index
    %get3A_164 = vector.load %arg3[%get3A_160, %get3A_161, %get3A_162, %get3A_163] : memref<10x2x800x32xf32, #tpu.memory_space<vmem>>, vector<1x1x800x32xf32>
    %get3A_165 = vector.shape_cast %get3A_164 : vector<1x1x800x32xf32> to vector<800x32xf32>
    %get3A_166 = arith.constant 5 : index
    %get3A_167 = arith.constant 1 : index
    %get3A_168 = arith.constant 0 : index
    %get3A_169 = arith.constant 0 : index
    %get3A_170 = vector.load %arg3[%get3A_166, %get3A_167, %get3A_168, %get3A_169] : memref<10x2x800x32xf32, #tpu.memory_space<vmem>>, vector<1x1x800x32xf32>
    %get3A_171 = vector.shape_cast %get3A_170 : vector<1x1x800x32xf32> to vector<800x32xf32>
    %concatenate3A_172 = tpu.concatenate %get3A_165, %get3A_171 in 1 : vector<800x32xf32>, vector<800x32xf32> -> vector<800x64xf32>
    %mul3A_173 = vector.broadcast %rsqrt3A : vector<800x1xf32> to vector<800x64xf32>
    %mul3A_174 = arith.mulf %concatenate3A_172, %mul3A_173 : vector<800x64xf32>
    %mul3A_175 = vector.broadcast %get3A_4 : vector<1x64xf32> to vector<800x64xf32>
    %mul3A_176 = arith.mulf %mul3A_174, %mul3A_175 : vector<800x64xf32>
    %reduce_sum3A_177 = arith.constant dense<0.000000e+00> : vector<800xf32>
    %reduce_sum3A_178 = vector.multi_reduction <add>, %mul3A_176, %reduce_sum3A_177 [1] : vector<800x64xf32> to vector<800xf32>
    %broadcast_in_dim3A_179 = vector.shape_cast %reduce_sum3A_178 : vector<800xf32> to vector<800x1xf32>
    %logistic3A_180 = arith.negf %broadcast_in_dim3A_179 : vector<800x1xf32>
    %logistic3A_181 = math.exp %logistic3A_180 : vector<800x1xf32>
    %logistic3A_182 = arith.constant 1.000000e+00 : f32
    %logistic3A_183 = vector.broadcast %logistic3A_182 : f32 to vector<800x1xf32>
    %logistic3A_184 = arith.addf %logistic3A_183, %logistic3A_181 : vector<800x1xf32>
    %logistic3A_185 = arith.divf %logistic3A_183, %logistic3A_184 : vector<800x1xf32>
    %mul3A_186 = vector.broadcast %logistic3A_185 : vector<800x1xf32> to vector<800x64xf32>
    %mul3A_187 = arith.mulf %mul3A_186, %mul3A_174 : vector<800x64xf32>
    %add3A_188 = arith.addf %add3A_159, %mul3A_187 : vector<800x64xf32>
    %get3A_189 = arith.constant 6 : index
    %get3A_190 = arith.constant 0 : index
    %get3A_191 = arith.constant 0 : index
    %get3A_192 = arith.constant 0 : index
    %get3A_193 = vector.load %arg3[%get3A_189, %get3A_190, %get3A_191, %get3A_192] : memref<10x2x800x32xf32, #tpu.memory_space<vmem>>, vector<1x1x800x32xf32>
    %get3A_194 = vector.shape_cast %get3A_193 : vector<1x1x800x32xf32> to vector<800x32xf32>
    %get3A_195 = arith.constant 6 : index
    %get3A_196 = arith.constant 1 : index
    %get3A_197 = arith.constant 0 : index
    %get3A_198 = arith.constant 0 : index
    %get3A_199 = vector.load %arg3[%get3A_195, %get3A_196, %get3A_197, %get3A_198] : memref<10x2x800x32xf32, #tpu.memory_space<vmem>>, vector<1x1x800x32xf32>
    %get3A_200 = vector.shape_cast %get3A_199 : vector<1x1x800x32xf32> to vector<800x32xf32>
    %concatenate3A_201 = tpu.concatenate %get3A_194, %get3A_200 in 1 : vector<800x32xf32>, vector<800x32xf32> -> vector<800x64xf32>
    %mul3A_202 = vector.broadcast %rsqrt3A : vector<800x1xf32> to vector<800x64xf32>
    %mul3A_203 = arith.mulf %concatenate3A_201, %mul3A_202 : vector<800x64xf32>
    %mul3A_204 = vector.broadcast %get3A_4 : vector<1x64xf32> to vector<800x64xf32>
    %mul3A_205 = arith.mulf %mul3A_203, %mul3A_204 : vector<800x64xf32>
    %reduce_sum3A_206 = arith.constant dense<0.000000e+00> : vector<800xf32>
    %reduce_sum3A_207 = vector.multi_reduction <add>, %mul3A_205, %reduce_sum3A_206 [1] : vector<800x64xf32> to vector<800xf32>
    %broadcast_in_dim3A_208 = vector.shape_cast %reduce_sum3A_207 : vector<800xf32> to vector<800x1xf32>
    %logistic3A_209 = arith.negf %broadcast_in_dim3A_208 : vector<800x1xf32>
    %logistic3A_210 = math.exp %logistic3A_209 : vector<800x1xf32>
    %logistic3A_211 = arith.constant 1.000000e+00 : f32
    %logistic3A_212 = vector.broadcast %logistic3A_211 : f32 to vector<800x1xf32>
    %logistic3A_213 = arith.addf %logistic3A_212, %logistic3A_210 : vector<800x1xf32>
    %logistic3A_214 = arith.divf %logistic3A_212, %logistic3A_213 : vector<800x1xf32>
    %mul3A_215 = vector.broadcast %logistic3A_214 : vector<800x1xf32> to vector<800x64xf32>
    %mul3A_216 = arith.mulf %mul3A_215, %mul3A_203 : vector<800x64xf32>
    %add3A_217 = arith.addf %add3A_188, %mul3A_216 : vector<800x64xf32>
    %get3A_218 = arith.constant 7 : index
    %get3A_219 = arith.constant 0 : index
    %get3A_220 = arith.constant 0 : index
    %get3A_221 = arith.constant 0 : index
    %get3A_222 = vector.load %arg3[%get3A_218, %get3A_219, %get3A_220, %get3A_221] : memref<10x2x800x32xf32, #tpu.memory_space<vmem>>, vector<1x1x800x32xf32>
    %get3A_223 = vector.shape_cast %get3A_222 : vector<1x1x800x32xf32> to vector<800x32xf32>
    %get3A_224 = arith.constant 7 : index
    %get3A_225 = arith.constant 1 : index
    %get3A_226 = arith.constant 0 : index
    %get3A_227 = arith.constant 0 : index
    %get3A_228 = vector.load %arg3[%get3A_224, %get3A_225, %get3A_226, %get3A_227] : memref<10x2x800x32xf32, #tpu.memory_space<vmem>>, vector<1x1x800x32xf32>
    %get3A_229 = vector.shape_cast %get3A_228 : vector<1x1x800x32xf32> to vector<800x32xf32>
    %concatenate3A_230 = tpu.concatenate %get3A_223, %get3A_229 in 1 : vector<800x32xf32>, vector<800x32xf32> -> vector<800x64xf32>
    %mul3A_231 = vector.broadcast %rsqrt3A : vector<800x1xf32> to vector<800x64xf32>
    %mul3A_232 = arith.mulf %concatenate3A_230, %mul3A_231 : vector<800x64xf32>
    %mul3A_233 = vector.broadcast %get3A_4 : vector<1x64xf32> to vector<800x64xf32>
    %mul3A_234 = arith.mulf %mul3A_232, %mul3A_233 : vector<800x64xf32>
    %reduce_sum3A_235 = arith.constant dense<0.000000e+00> : vector<800xf32>
    %reduce_sum3A_236 = vector.multi_reduction <add>, %mul3A_234, %reduce_sum3A_235 [1] : vector<800x64xf32> to vector<800xf32>
    %broadcast_in_dim3A_237 = vector.shape_cast %reduce_sum3A_236 : vector<800xf32> to vector<800x1xf32>
    %logistic3A_238 = arith.negf %broadcast_in_dim3A_237 : vector<800x1xf32>
    %logistic3A_239 = math.exp %logistic3A_238 : vector<800x1xf32>
    %logistic3A_240 = arith.constant 1.000000e+00 : f32
    %logistic3A_241 = vector.broadcast %logistic3A_240 : f32 to vector<800x1xf32>
    %logistic3A_242 = arith.addf %logistic3A_241, %logistic3A_239 : vector<800x1xf32>
    %logistic3A_243 = arith.divf %logistic3A_241, %logistic3A_242 : vector<800x1xf32>
    %mul3A_244 = vector.broadcast %logistic3A_243 : vector<800x1xf32> to vector<800x64xf32>
    %mul3A_245 = arith.mulf %mul3A_244, %mul3A_232 : vector<800x64xf32>
    %add3A_246 = arith.addf %add3A_217, %mul3A_245 : vector<800x64xf32>
    %get3A_247 = arith.constant 8 : index
    %get3A_248 = arith.constant 0 : index
    %get3A_249 = arith.constant 0 : index
    %get3A_250 = arith.constant 0 : index
    %get3A_251 = vector.load %arg3[%get3A_247, %get3A_248, %get3A_249, %get3A_250] : memref<10x2x800x32xf32, #tpu.memory_space<vmem>>, vector<1x1x800x32xf32>
    %get3A_252 = vector.shape_cast %get3A_251 : vector<1x1x800x32xf32> to vector<800x32xf32>
    %get3A_253 = arith.constant 8 : index
    %get3A_254 = arith.constant 1 : index
    %get3A_255 = arith.constant 0 : index
    %get3A_256 = arith.constant 0 : index
    %get3A_257 = vector.load %arg3[%get3A_253, %get3A_254, %get3A_255, %get3A_256] : memref<10x2x800x32xf32, #tpu.memory_space<vmem>>, vector<1x1x800x32xf32>
    %get3A_258 = vector.shape_cast %get3A_257 : vector<1x1x800x32xf32> to vector<800x32xf32>
    %concatenate3A_259 = tpu.concatenate %get3A_252, %get3A_258 in 1 : vector<800x32xf32>, vector<800x32xf32> -> vector<800x64xf32>
    %mul3A_260 = vector.broadcast %rsqrt3A : vector<800x1xf32> to vector<800x64xf32>
    %mul3A_261 = arith.mulf %concatenate3A_259, %mul3A_260 : vector<800x64xf32>
    %mul3A_262 = vector.broadcast %get3A_4 : vector<1x64xf32> to vector<800x64xf32>
    %mul3A_263 = arith.mulf %mul3A_261, %mul3A_262 : vector<800x64xf32>
    %reduce_sum3A_264 = arith.constant dense<0.000000e+00> : vector<800xf32>
    %reduce_sum3A_265 = vector.multi_reduction <add>, %mul3A_263, %reduce_sum3A_264 [1] : vector<800x64xf32> to vector<800xf32>
    %broadcast_in_dim3A_266 = vector.shape_cast %reduce_sum3A_265 : vector<800xf32> to vector<800x1xf32>
    %logistic3A_267 = arith.negf %broadcast_in_dim3A_266 : vector<800x1xf32>
    %logistic3A_268 = math.exp %logistic3A_267 : vector<800x1xf32>
    %logistic3A_269 = arith.constant 1.000000e+00 : f32
    %logistic3A_270 = vector.broadcast %logistic3A_269 : f32 to vector<800x1xf32>
    %logistic3A_271 = arith.addf %logistic3A_270, %logistic3A_268 : vector<800x1xf32>
    %logistic3A_272 = arith.divf %logistic3A_270, %logistic3A_271 : vector<800x1xf32>
    %mul3A_273 = vector.broadcast %logistic3A_272 : vector<800x1xf32> to vector<800x64xf32>
    %mul3A_274 = arith.mulf %mul3A_273, %mul3A_261 : vector<800x64xf32>
    %add3A_275 = arith.addf %add3A_246, %mul3A_274 : vector<800x64xf32>
    %get3A_276 = arith.constant 9 : index
    %get3A_277 = arith.constant 0 : index
    %get3A_278 = arith.constant 0 : index
    %get3A_279 = arith.constant 0 : index
    %get3A_280 = vector.load %arg3[%get3A_276, %get3A_277, %get3A_278, %get3A_279] : memref<10x2x800x32xf32, #tpu.memory_space<vmem>>, vector<1x1x800x32xf32>
    %get3A_281 = vector.shape_cast %get3A_280 : vector<1x1x800x32xf32> to vector<800x32xf32>
    %get3A_282 = arith.constant 9 : index
    %get3A_283 = arith.constant 1 : index
    %get3A_284 = arith.constant 0 : index
    %get3A_285 = arith.constant 0 : index
    %get3A_286 = vector.load %arg3[%get3A_282, %get3A_283, %get3A_284, %get3A_285] : memref<10x2x800x32xf32, #tpu.memory_space<vmem>>, vector<1x1x800x32xf32>
    %get3A_287 = vector.shape_cast %get3A_286 : vector<1x1x800x32xf32> to vector<800x32xf32>
    %concatenate3A_288 = tpu.concatenate %get3A_281, %get3A_287 in 1 : vector<800x32xf32>, vector<800x32xf32> -> vector<800x64xf32>
    %mul3A_289 = vector.broadcast %rsqrt3A : vector<800x1xf32> to vector<800x64xf32>
    %mul3A_290 = arith.mulf %concatenate3A_288, %mul3A_289 : vector<800x64xf32>
    %mul3A_291 = vector.broadcast %get3A_4 : vector<1x64xf32> to vector<800x64xf32>
    %mul3A_292 = arith.mulf %mul3A_290, %mul3A_291 : vector<800x64xf32>
    %reduce_sum3A_293 = arith.constant dense<0.000000e+00> : vector<800xf32>
    %reduce_sum3A_294 = vector.multi_reduction <add>, %mul3A_292, %reduce_sum3A_293 [1] : vector<800x64xf32> to vector<800xf32>
    %broadcast_in_dim3A_295 = vector.shape_cast %reduce_sum3A_294 : vector<800xf32> to vector<800x1xf32>
    %logistic3A_296 = arith.negf %broadcast_in_dim3A_295 : vector<800x1xf32>
    %logistic3A_297 = math.exp %logistic3A_296 : vector<800x1xf32>
    %logistic3A_298 = arith.constant 1.000000e+00 : f32
    %logistic3A_299 = vector.broadcast %logistic3A_298 : f32 to vector<800x1xf32>
    %logistic3A_300 = arith.addf %logistic3A_299, %logistic3A_297 : vector<800x1xf32>
    %logistic3A_301 = arith.divf %logistic3A_299, %logistic3A_300 : vector<800x1xf32>
    %mul3A_302 = vector.broadcast %logistic3A_301 : vector<800x1xf32> to vector<800x64xf32>
    %mul3A_303 = arith.mulf %mul3A_302, %mul3A_290 : vector<800x64xf32>
    %add3A_304 = arith.addf %add3A_275, %mul3A_303 : vector<800x64xf32>
    %swap3A = arith.constant 0 : index
    %swap3A_305 = arith.constant 0 : index
    %swap3A_306 = vector.load %arg5[%swap3A, %swap3A_305] : memref<800x64xf32, #tpu.memory_space<vmem>>, vector<800x64xf32>
    tpu.vector_store %arg5[%swap3A, %swap3A_305], %add3A_304 {strides = array<i32>} : memref<800x64xf32, #tpu.memory_space<vmem>>, vector<800x64xf32>,
    return
  }
  func.func @transform_0(%arg0: i32) -> (i32, i32) {
    %c0_i32 = arith.constant 0 : i32
    %c0_i32_0 = arith.constant 0 : i32
    return %arg0, %c0_i32 : i32, i32
  }
  func.func @transform_1(%arg0: i32) -> (i32, i32) {
    %c0_i32 = arith.constant 0 : i32
    %c0_i32_0 = arith.constant 0 : i32
    return %arg0, %c0_i32 : i32, i32
  }
  func.func @transform_2(%arg0: i32) -> (i32, i32, i32, i32) {
    %c0_i32 = arith.constant 0 : i32
    %c0_i32_0 = arith.constant 0 : i32
    %c0_i32_1 = arith.constant 0 : i32
    %c0_i32_2 = arith.constant 0 : i32
    return %c0_i32, %c0_i32_0, %arg0, %c0_i32_1 : i32, i32, i32, i32
  }
  func.func @transform_3(%arg0: i32) -> (i32, i32) {
    %c0_i32 = arith.constant 0 : i32
    %c0_i32_0 = arith.constant 0 : i32
    %c0_i32_1 = arith.constant 0 : i32
    return %c0_i32, %c0_i32_0 : i32, i32
  }
  func.func @transform_4(%arg0: i32) -> (i32, i32) {
    %c0_i32 = arith.constant 0 : i32
    %c0_i32_0 = arith.constant 0 : i32
    return %arg0, %c0_i32 : i32, i32
  }
}

</mosaic_0001>

<sc_bundles>
// kernel: kernel.5.cloned.1.call-start
scs
__scs_entry_jumppad:
0x0: {  	(pc) =	sbr.rel $0x88, $3  }
0x1: {  	(tag) =	ssettag $0x0;
	lr =	simm.s32 $0x1  }
0x2: {  	[smem:$0x3F98] =	sst lr;
	_ =	strace $0xD0000000  }
0x3: {  	_ = 	snop  }
0x4: {  	_ = 	snop  }
0x5: {  	_ = 	snop  }
0x6: {  	_ = 	snop  }
0x7: {  	_ = 	snop  }
__scs_overlays_trampoline_lowered:
0x8: {  	[smem:$0x3FA7] =	sst s0  }
0x9: {  	[smem:$0x3FA8] =	sst s1  }
0xa: {  	[smem:$0x3FA9] =	sst s2  }
0xb: {  	[smem:$0x3FAA] =	sst s3  }
0xc: {  	[smem:$0x3FAB] =	sst s4  }
0xd: {  	[smem:$0x3FAC] =	sst s5  }
0xe: {  	[smem:$0x3FAD] =	sst s6  }
0xf: {  	[smem:$0x3FAE] =	sst s7  }
0x10: {  	[smem:$0x3FAF] =	sst s8  }
0x11: {  	[smem:$0x3FB0] =	sst s9;
	s0 =	simm.s32 @!p0 $0x0  }
0x12: {  	s1 =	sld [smem:$0x3F96];
	s0 =	simm.s32 @p0 $0x1  }
0x13: {  	[smem:$0x3FB1] =	sst s0;
	s0 =	simm.s32 @!p1 $0x0  }
0x14: {  	s2 =	sld [smem:$0x3F95];
	s0 =	simm.s32 @p1 $0x1  }
0x15: {  	[smem:$0x3FB2] =	sst s0;
	s0 =	simm.s32 @!p2 $0x0  }
0x16: {  	s3 =	sld [smem:$0x3FDB];
	s0 =	simm.s32 @p2 $0x1  }
0x17: {  	s4 =	simm.s32 $0x1BF5;
	[smem:$0x3FB4] =	sst s0  }
0x18: {  	s0 =	sld [smem:$0x3F97];
	_ =	swait.ge [sflag:s4], $0x0  }
0x19: {  	s7 =	sld [smem:$0x3F98]  }
0x1a: {  	s8 =	sadd.s32 $0xFFFFE003, lr  }
0x1b: {  	s9 =	sadd.s32 $0xFFFFFEF7, lr;
	s5 =	simm.s32 $0xFFFFFFFF;
	p2 =	slt.u32 s8, $0xFFFFF086  }
0x1c: {  	p1 =	slt.u32 s9, $0xF7A;
	s5 =	simm.s32 @!p2 $0x0  }
0x1d: {  	s5 =	simm.s32 @p1 $0x1;
	p0 =	seq.s32 s7, s2  }
0x1e: {  	s7 =	smul.u32 @!p0 $0xF7A, s2;
	p2 =	seq.s32 @!p0 s5, $0x0  }
0x1f: {  	s9 =	smul.u32 $0xF7A, s1;
	s8 =	simm.s32 @!p0 $0x1BF5;
	p2 =	por !p2, p0  }
0x20: {  	[sflag:s8] =	ssyncset.s32 @!p0 $0xFFFFF086;
	s6 =	sadd.s32 @!p0 s3, s7;
	s7 =	simm.s32 @!p0 $0x108  }
0x21: {  	s3 =	sadd.s32 s3, s9;
	s6 =	sadd.s32 @!p0 $0x88, s6;
	s7 =	simm.s32 @p2 $0x1082  }
0x22: {  	[simem:s7], [sflag:s8] =	dma.local @!p0 [hbm:s6], $0xF7A  }
0x23: {  	s9 =	sor.u32 $0xD0000000, s2;
	s6 =	simm.s32 $0x108;
	_ =	swait.ge @!p0 [sflag:s8], $0x0  }
0x24: {  	s3 =	sadd.s32 $0x88, s3;
	s6 =	simm.s32 @!p1 $0x1082;
	[sflag:s4] =	ssyncset.s32 $0xFFFFF086  }
0x25: {  	[simem:s6], [sflag:s4] =	dma.local [hbm:s3], $0xF7A  }
0x26: {  	[smem:$0x3F98] =	sst s1;
	(tag) =	ssettag s2;
	_ =	strace s9  }
0x27: {  	s1 =	sld [smem:$0x3FA8]  }
0x28: {  	s2 =	sld [smem:$0x3FA9]  }
0x29: {  	s4 =	sld [smem:$0x3FAB]  }
0x2a: {  	p0 =	seq.s32 s5, $0x0;
	s5 =	sld [smem:$0x3FAC]  }
0x2b: {  	s6 =	sld [smem:$0x3FAD]  }
0x2c: {  	s7 =	sld [smem:$0x3FAE]  }
0x2d: {  	s3 =	simm.s32 $0x108;
	s8 =	sld [smem:$0x3FAF]  }
0x2e: {  	s3 =	simm.s32 @!p0 $0x1082;
	s9 =	sld [smem:$0x3FB0]  }
0x2f: {  	lr =	sadd.s32 s0, s3;
	s0 =	sld [smem:$0x3FA7]  }
0x30: {  	s3 =	sld [smem:$0x3FAA]  }
0x31: {  	[smem:$0x3FB3] =	sst s10  }
0x32: {  	s10 =	sld [smem:$0x3FB1];
	_ =	sdelay $0x3  }
0x33: {  	p0 =	seq.s32 s10, $0x1;
	s10 =	sld [smem:$0x3FB3];
	_ =	sdelay $0x3  }
0x34: {  	[smem:$0x3FB3] =	sst s10  }
0x35: {  	s10 =	sld [smem:$0x3FB2];
	_ =	sdelay $0x3  }
0x36: {  	p1 =	seq.s32 s10, $0x1;
	s10 =	sld [smem:$0x3FB3];
	_ =	sdelay $0x3  }
0x37: {  	[smem:$0x3FB3] =	sst s10  }
0x38: {  	s10 =	sld [smem:$0x3FB4]  }
0x39: {  	_ = 	snop;
	(pc) =	sbr.ind lr, $3  }
0x3a: {  	_ = 	snop  }
0x3b: {  	_ = 	snop  }
0x3c: {  	p2 =	seq.s32 s10, $0x1;
	s10 =	sld [smem:$0x3FB3]  }
0x3d: {  	_ =	shalt  }
0x3e: {  	_ =	shalt  }
0x3f: {  	_ =	shalt  }
0x40: {  	_ =	shalt  }
0x41: {  	_ =	shalt  }
0x42: {  	_ =	shalt  }
0x43: {  	_ =	shalt  }
0x44: {  	_ =	shalt  }
0x45: {  	_ =	shalt  }
0x46: {  	_ =	shalt  }
0x47: {  	_ =	shalt  }
0x48: {  	_ =	shalt  }
0x49: {  	_ =	shalt  }
0x4a: {  	_ =	shalt  }
0x4b: {  	_ =	shalt  }
0x4c: {  	_ =	shalt  }
0x4d: {  	_ =	shalt  }
0x4e: {  	_ =	shalt  }
0x4f: {  	_ =	shalt  }
0x50: {  	_ =	shalt  }
0x51: {  	_ =	shalt  }
0x52: {  	_ =	shalt  }
0x53: {  	_ =	shalt  }
0x54: {  	_ =	shalt  }
0x55: {  	_ =	shalt  }
0x56: {  	_ =	shalt  }
0x57: {  	_ =	shalt  }
0x58: {  	_ =	shalt  }
0x59: {  	_ =	shalt  }
0x5a: {  	_ =	shalt  }
0x5b: {  	_ =	shalt  }
0x5c: {  	_ =	shalt  }
0x5d: {  	_ =	shalt  }
0x5e: {  	_ =	shalt  }
0x5f: {  	_ =	shalt  }
0x60: {  	_ =	shalt  }
0x61: {  	_ =	shalt  }
0x62: {  	_ =	shalt  }
0x63: {  	_ =	shalt  }
0x64: {  	_ =	shalt  }
0x65: {  	_ =	shalt  }
0x66: {  	_ =	shalt  }
0x67: {  	_ =	shalt  }
0x68: {  	_ =	shalt  }
0x69: {  	_ =	shalt  }
0x6a: {  	_ =	shalt  }
0x6b: {  	_ =	shalt  }
0x6c: {  	_ =	shalt  }
0x6d: {  	_ =	shalt  }
0x6e: {  	_ =	shalt  }
0x6f: {  	_ =	shalt  }
0x70: {  	_ =	shalt  }
0x71: {  	_ =	shalt  }
0x72: {  	_ =	shalt  }
0x73: {  	_ =	shalt  }
0x74: {  	_ =	shalt  }
0x75: {  	_ =	shalt  }
0x76: {  	_ =	shalt  }
0x77: {  	_ =	shalt  }
0x78: {  	_ =	shalt  }
0x79: {  	_ =	shalt  }
0x7a: {  	_ =	shalt  }
0x7b: {  	_ =	shalt  }
0x7c: {  	_ =	shalt  }
0x7d: {  	_ =	shalt  }
0x7e: {  	_ =	shalt  }
0x7f: {  	_ =	shalt  }
0x80: {  	_ =	shalt  }
0x81: {  	_ =	shalt  }
0x82: {  	_ =	shalt  }
0x83: {  	_ =	shalt  }
0x84: {  	_ =	shalt  }
0x85: {  	_ =	shalt  }
0x86: {  	_ =	shalt  }
0x87: {  	_ =	shalt  }
.Lfunc_end0:
.L_simem_size_0:
called_computation_lowered:
.L_overlay_start_0:
0x88: {  	s2 =	sld [smem:$0x3FD9]  }
0x89: {  	s3 =	sld [smem:$0x3FFE];
	_ =	sdelay $0x1  }
0x8a: {  	s1 =	srdreg.scid  }
0x8b: {  	s0 =	sand.u32 $0x1, s1  }
0x8c: {  	s17 =	sshll.u32 s0, $0xA;
	s2 =	sadd.s32 s3, s2  }
0x8d: {  	s2 =	sadd.s32 s2, s17  }
0x8e: {  	[smem:$0x3FBF] =	sst s2  }
0x8f: {  	_ = 	snop  }
0x90: {  	s2 =	sld [smem:$0x3FD0];
	(tm) =	ssettm $0x1  }
0x91: {  	s18 =	sld [smem:$0x3FFB];
	_ =	sdelay $0x3  }
0x92: {  	_ =	strace s18  }
0x93: {  	s3 =	sld [smem:$0x3FFC];
	_ =	sdelay $0x3  }
0x94: {  	_ =	strace s3  }
0x95: {  	s3 =	sld [smem:$0x3FFD];
	_ =	sdelay $0x3  }
0x96: {  	_ =	strace s3  }
0x97: {  	_ =	strace $0x8FFFFFFF  }
0x98: {  	s19 =	sld [smem:$0x3FDB];
	_ =	sdelay $0x1  }
0x99: {  	s4 =	simm.s32 $_scs_section_size  }
0x9a: {  	s5 =	simm.s32 $_size__tile_overlayer_lowered;
	s6 =	simm.s32 $_tile_overlayer_lowered  }
0x9b: {  	s22 =	simm.s32 $0x1BFF;
	s21 =	sshll.u32 s6, $0x1;
	s3 =	sadd.s32 s4, s19  }
0x9c: {  	s7 =	simm.s32 $0x0;
	s20 =	sshll.u32 s5, $0x1;
	s5 =	sadd.s32 s21, s3  }
0x9d: {  	[timem:s7], [sflag:s22] =	dma.local [hbm:s5], s20  }
0x9e: {  	_ =	swait.ge [sflag:s22], s20  }
0x9f: {  	s4 =	ssub.s32 $0x0, s20;
	[sflag:s22] =	ssyncset.done $0x0  }
0xa0: {  	[sflag:s22] =	ssyncadd.s32 s4;
	_ =	sdelay $0x1  }
0xa1: {  	s23 =	simm.s32 $0x1B8B  }
0xa2: {  	_ =	swait.ge [sflag:s23], $0x1  }
0xa3: {  	[sflag:s23] =	ssyncset.done $0x0  }
0xa4: {  	s25 =	simm.s32 $0x1B8E;
	s24 =	sld [smem:$0x3FFE];
	[sflag:s23] =	ssyncadd.s32 $0xFFFFFFFF  }
0xa5: {  	s26 =	simm.s32 $execute0_lowered;
	[smem:$0x3FD2] =	sst s25  }
0xa6: {  	s5 =	sshll.u32 s26, $0x1;
	_ =	strace $0x80000046;
	[dreg:$0x1] =	wrdreg $0xFFFFFFFF  }
0xa7: {  	s28 =	simm.s32 $_size_execute0_lowered;
	s3 =	sadd.s32 s3, s5;
	[dreg:$0x0] =	wrdreg $0x0  }
0xa8: {  	s5 =	sshll.u32 s28, $0x1;
	[dreg:$0x2] =	wrdreg s3  }
0xa9: {  	[dreg:$0x3] =	wrdreg s5  }
0xaa: {  	[dreg:$0x4] =	wrdreg $0xC0  }
0xab: {  	_ =	task [dreg:s7], $0x5FFFF  }
0xac: {  	[dreg:$0x1] =	wrdreg $0xFFFFFFFF  }
0xad: {  	[dreg:$0x0] =	wrdreg $0x60  }
0xae: {  	[dreg:$0x2] =	wrdreg s2  }
0xaf: {  	[dreg:$0x3] =	wrdreg s24  }
0xb0: {  	[dreg:$0x4] =	wrdreg $0x190000  }
0xb1: {  	[dreg:$0x5] =	wrdreg $0x0  }
0xb2: {  	[dreg:$0x6] =	wrdreg $0x9  }
0xb3: {  	_ =	task.clear_ibuf [dreg:s7], $0x7FFFF;
	_ =	strace $0x90000046  }
0xb4: {  	s29 =	simm.s32 $0x9;
	_ =	strace $0x80000048  }
0xb5: {  	_ =	swait.ge [sflag:s29], $0x1  }
0xb6: {  	[sflag:s29] =	ssyncadd.s32 $0xFFFFFFFF  }
0xb7: {  	_ =	strace $0x90000048  }
0xb8: {  	_ =	sfence  }
0xb9: {  	s30 =	sld [smem:$0x0];
	_ =	sdelay $0x2  }
0xba: {  	s31 =	sshll.u32 s1, $0xD;
	s1 =	sshrl.u32 s1, $0x2  }
0xbb: {  	s3 =	sand.u32 $0x4000, s31;
	s1 =	sadd.s32 s1, s30  }
0xbc: {  	s0 =	sor.u32 s3, s0;
	s1 =	sshll.u32 s1, $0x11  }
0xbd: {  	s0 =	sor.u32 s1, s0  }
0xbe: {  	s0 =	sadd.s32 $0x8F2B, s0  }
0xbf: {  	[sflag:s0] =	ssyncadd.remote.s32 $0x1  }
0xc0: {  	_ =	sfence.sel $0xFFFF  }
0xc1: {  	[dreg:$0x0] =	wrdreg $0xFFFFFFFF;
	(pc) =	sbr.abs _section_cstart, $3  }
0xc2: {  	[dreg:$0x1] =	wrdreg $0xFFFFFFFF  }
0xc3: {  	_ =	task.clear_ibuf [dreg:s7], $0x2FFFF;
	_ =	strace $0x9FFFFFFF  }
0xc4: {  	(tm) =	ssettm $0x7FFFFFFF  }
0xc5: {  	_ =	shalt  }
tec
execute0_lowered:
.L_overlay_start_1:
0x0: {  	(tag) =	ssettag $0x1  }
0x1: {  	s0 =	rddreg [dreg:$0x0]  }
0x2: {  	s1 =	rddreg [dreg:$0x1]  }
0x3: {  	s5 =	rddreg [dreg:$0x2]  }
0x4: {  	s3 =	rddreg [dreg:$0x3];
	s4 =	simm.s32 $0x0  }
0x5: {  	s12 =	stileid.u32;
	s21 =	srdreg.scid;
	s18 =	simm.s32 $0x1E4C0  }
0x6: {  	s19 =	simm.s32 $0x6;
	s20 =	simm.s32 $0x19FA0;
	s14 =	simm.s32 $0x1FDC0  }
0x7: {  	s28 =	simm.s32 $0x2;
	s29 =	simm.s32 $0x4;
	s30 =	simm.s32 $0x19E10  }
0x8: {  	s31 =	simm.s32 $0x1A130;
	[smem:$0x7FF] =	sst s4;
	s13 =	smul.u32 $0xC80, s12  }
0x9: {  	s2 =	sadd.s32 $0x12A200, s1;
	s6 =	sadd.s32 $0xC6200, s1;
	s7 =	sadd.s32 $0x223000, s1  }
0xa: {  	s8 =	sadd.s32 $0x15B000, s1;
	s9 =	sadd.s32 $0x1BF000, s1;
	s11 =	smul.u32 $0x186A0, s12  }
0xb: {  	s25 =	smul.u32 $0x30D4, s12;
	_ =	strace $0x80000047;
	[dreg:$0x5] =	wrdreg s6  }
0xc: {  	s12 =	simm.s32 $0x5;
	[dreg:$0x6] =	wrdreg s7;
	s6 =	sand.u32 $0x1, s21  }
0xd: {  	s21 =	simm.s32 $0x190;
	s22 =	sshrl.u32 s13, $0x3;
	s10 =	ssub.s32 $0x2, s6  }
0xe: {  	s17 =	smov.u32 s13;
	s13 =	sadd.s32 s13, s5;
	s24 =	sshrl.u32 s11, $0x3  }
0xf: {  	s16 =	sadd.s32 s25, s2;
	s15 =	sadd.s32 s25, s0;
	p0 =	sne.s32 s6, $0x0  }
0x10: {  	s25 =	simm.s32 $0x1A2C0;
	s7 =	sadd.s32 s22, s1;
	s23 =	sshrl.u32 s10, $0x1  }
0x11: {  	s26 =	sadd.s32 s0, s24;
	s0 =	simm.s32 $0x1;
	[dreg:$0x7] =	wrdreg s13  }
0x12: {  	[dreg:$0xc] =	wrdreg s15;
	s1 =	ssub.s32 s10, s23;
	s10 =	smul.u32 $0xC800, s6  }
0x13: {  	s7 =	sadd.s32 $0x60B000, s7;
	[dreg:$0x9] =	wrdreg s26;
	s23 =	simm.s32 $0x1F140  }
0x14: {  	s26 =	simm.s32 $0x19C80;
	[dreg:$0x8] =	wrdreg s7;
	s7 =	sadd.s32 s2, s24  }
0x15: {  	s6 =	simm.s32 $0x0;
	s1 =	smax.u32 s1, $0x1;
	[dreg:$0xa] =	wrdreg s7  }
0x16: {  	v1 =	vimm.f32 $0.0e+00;
	v2 =	vimm.f32 $1.000000000e+00;
	s24 =	simm.s32 $0x1D4C0;
	s2 =	simm.s32 $0x3;
	[dreg:$0xb] =	wrdreg s1;
	v0 =	vmov s10  }
.LBB2_1:
0x17: {  	s1 =	simm.s32 $0x1E4E0  }
0x18: {  	[tilespmem:s1+$0xFFFFFFE0] =	vst v1  }
0x19: {  	[tilespmem:s1+$0x10] =	vst v1  }
0x1a: {  	[dreg:$0xd] =	wrdreg s6;
	s6 =	simm.s32 $0x0;
	[tilespmem:s1+$0x0] =	vst v1  }
.LBB2_2:
0x1b: {  	s6 =	sadd.s32 $0x4, s6  }
0x1c: {  	[tilespmem:s1+$0xFFFFFFF0] =	vst v1;
	s1 =	sadd.s32 $0x40, s1;
	p1 =	slt.u32 s6, $0xC4  }
.Ltmp0:
0x1d: {  	[tilespmem:s1+$0xFFFFFFE0] =	vst v1;
	(pc) =	sbr.rel @p1 .LBB2_2-.Ltmp0, $3  }
0x1e: {  	_ =	sdelay $0x1  }
0x1f: {  	[tilespmem:s1+$0x10] =	vst v1  }
0x20: {  	[tilespmem:s1+$0x0] =	vst v1  }
0x21: {  	[tilespmem:s1+$0xFFFFFFF0] =	vst v1  }
0x22: {  	[tilespmem:$0x1FDC0] =	vst v2  }
0x23: {  	[tilespmem:$0x1FDD0] =	vst v2  }
0x24: {  	[tilespmem:$0x1FDE0] =	vst v2  }
0x25: {  	[tilespmem:$0x1FDF0] =	vst v2  }
0x26: {  	[tilespmem:$0x1FE00] =	vst v2  }
0x27: {  	[tilespmem:$0x1FE10] =	vst v2  }
0x28: {  	[tilespmem:$0x1FE20] =	vst v2  }
0x29: {  	[tilespmem:$0x1FE30] =	vst v2  }
0x2a: {  	[tilespmem:$0x1FE40] =	vst v2  }
0x2b: {  	[tilespmem:$0x1FE50] =	vst v2  }
0x2c: {  	[tilespmem:$0x1FE60] =	vst v2  }
0x2d: {  	[tilespmem:$0x1FE70] =	vst v2  }
0x2e: {  	[tilespmem:$0x1FE80] =	vst v2  }
0x2f: {  	[tilespmem:$0x1FE90] =	vst v2  }
0x30: {  	[tilespmem:$0x1FEA0] =	vst v2  }
0x31: {  	[tilespmem:$0x1FEB0] =	vst v2  }
0x32: {  	[tilespmem:$0x1FEC0] =	vst v2  }
0x33: {  	[tilespmem:$0x1FED0] =	vst v2  }
0x34: {  	[tilespmem:$0x1FEE0] =	vst v2  }
0x35: {  	[tilespmem:$0x1FEF0] =	vst v2  }
0x36: {  	[tilespmem:$0x1FF00] =	vst v2  }
0x37: {  	[tilespmem:$0x1FF10] =	vst v2  }
0x38: {  	[tilespmem:$0x1FF20] =	vst v2  }
0x39: {  	[tilespmem:$0x1FF30] =	vst v2  }
0x3a: {  	[tilespmem:$0x1FF40] =	vst v2  }
0x3b: {  	[spmem:s13] =	stream.linear.scatter [tilespmem:s18], [sflag:$0x6], $0xC80, $0x38;
	[tilespmem:$0x1FF50] =	vst v63  }
0x3c: {  	_ =	swait.ge [sflag:s19], $0xC80  }
0x3d: {  	[sflag:s19] =	ssyncset.done $0x0  }
0x3e: {  	[sflag:s19] =	ssyncadd.s32 $0xFFFFF380  }
0x3f: {  	s22 =	sadd.s32 $0x0, s16;
	[bflag:$0x0] =	sbarrier.arrive $0xFFFF  }
0x40: {  	[tilespmem:s20], [sflag:$0x6] =	stream.linear.gather [hbm4b:s22+s4], $0x190, $0x38;
	[tilespmem:$0x1FF50] =	vst v63  }
0x41: {  	_ =	swait.ge [sflag:s19], $0x190  }
0x42: {  	[sflag:s19] =	ssyncset.done $0x0  }
0x43: {  	[sflag:s19] =	ssyncadd.s32 $0xFFFFFE70  }
0x44: {  	[spmem:s5] =	stream.indirect.scatter.add.f32 [tilespmem:s14], [sflag:$0x6], $0x1, s20, s21, $0xb8;
	[tilespmem:$0x1FF50] =	vst v63  }
0x45: {  	_ =	swait.ge [sflag:s19], $0x190  }
0x46: {  	s1 =	simm.s32 $0x32;
	s6 =	simm.s32 $0x64;
	[sflag:s19] =	ssyncset.done $0x0  }
.LBB2_4:
0x47: {  	s7 =	sadd.s32 s1, s16  }
0x48: {  	[sflag:s19] =	ssyncadd.s32 $0xFFFFFE70;
	s1 =	smov.u32 s6;
	s11 =	sadd.s32 $0x32, s6  }
0x49: {  	[tilespmem:s20], [sflag:$0x6] =	stream.linear.gather [hbm4b:s7+s4], $0x190, $0x38;
	[tilespmem:$0x1FF50] =	vst v63  }
0x4a: {  	p1 =	sne.s32 s6, $0x30A2;
	_ =	swait.ge [sflag:s19], $0x190  }
.Ltmp1:
0x4b: {  	[sflag:s19] =	ssyncset.done $0x0;
	(pc) =	sbr.rel @p1 .LBB2_4-.Ltmp1, $4  }
0x4c: {  	[sflag:s19] =	ssyncadd.s32 $0xFFFFFE70  }
0x4d: {  	[spmem:s5] =	stream.indirect.scatter.add.f32 [tilespmem:s14], [sflag:$0x6], $0x1, s20, s21, $0xb8;
	[tilespmem:$0x1FF50] =	vst v63  }
0x4e: {  	_ =	swait.ge [sflag:s19], $0x190  }
0x4f: {  	s6 =	smov.u32 s11;
	[sflag:s19] =	ssyncset.done $0x0  }
0x50: {  	s1 =	sadd.s32 s1, s16;
	[sflag:s19] =	ssyncadd.s32 $0xFFFFFE70  }
0x51: {  	[tilespmem:s20], [sflag:$0x6] =	stream.linear.gather [hbm4b:s1+s4], $0x190, $0x38;
	[tilespmem:$0x1FF50] =	vst v63  }
0x52: {  	_ =	swait.ge [sflag:s19], $0x190  }
0x53: {  	[sflag:s19] =	ssyncset.done $0x0  }
0x54: {  	[sflag:s19] =	ssyncadd.s32 $0xFFFFFE70  }
0x55: {  	[spmem:s5] =	stream.indirect.scatter.add.f32 [tilespmem:s14], [sflag:$0x6], $0x1, s20, s21, $0xb8;
	[tilespmem:$0x1FF50] =	vst v63  }
0x56: {  	_ =	swait.ge [sflag:s19], $0x190  }
0x57: {  	[sflag:s19] =	ssyncset.done $0x0  }
0x58: {  	[sflag:s19] =	ssyncadd.s32 $0xFFFFFE70  }
0x59: {  	[bflag:$0x0] =	sbarrier.arrive $0xFFFF  }
0x5a: {  	[tilespmem:s23], [sflag:$0x6] =	stream.linear.gather [spmem:s13], $0xC80, $0x38;
	[tilespmem:$0x1FF50] =	vst v63  }
0x5b: {  	_ =	swait.ge [sflag:s19], $0xC80  }
0x5c: {  	s6 =	simm.s32 @!p0 $0x1F140;
	[sflag:s19] =	ssyncset.done $0x0  }
0x5d: {  	s1 =	simm.s32 @!p0 $0x0;
	s5 =	rddreg [dreg:$0x8];
	[sflag:s19] =	ssyncadd.s32 $0xFFFFF380  }
0x5e: {  	[hbm4b:s5+s1] =	stream.linear.scatter @!p0 [tilespmem:s6], [sflag:$0x6], $0xC80, $0x38;
	[tilespmem:$0x1FF50] =	vst v63  }
0x5f: {  	s1 =	simm.s32 @!p0 $0x6  }
0x60: {  	_ =	swait.ge @!p0 [sflag:s1], $0xC80  }
0x61: {  	[sflag:s1] =	ssyncset.done @!p0 $0x0  }
0x62: {  	s11 =	simm.s32 $0x1F150;
	[sflag:s1] =	ssyncadd.s32 @!p0 $0xFFFFF380  }
0x63: {  	v3 =	vld [tilespmem:s11+$0xFFFFFFF0];
	_ =	sdelay $0x4  }
0x64: {  	v4 =	vshra.s32 v3, $0x1;
	v5 =	vmul.f32 $5.000000000e-01, v3  }
0x65: {  	(erf) = vrcp.f32 v3;
	v3 =	vsub.s32 $0x5F3759DF, v4  }
0x66: {  	v4 =	vmul.f32 v3, v5;
	_ =	sdelay $0x1  }
0x67: {  	v4 =	vmul.f32 v3, v4;
	_ =	sdelay $0x1  }
0x68: {  	v4 =	vsub.f32 $1.500000000e+00, v4;
	_ =	sdelay $0x1  }
0x69: {  	v3 =	vmul.f32 v3, v4;
	_ =	sdelay $0x1  }
0x6a: {  	v6 =	vmul.f32 v3, v5  }
0x6b: {  	s7 =	simm.s32 $0x1E4D0;
	v4 =	vpop (erf)  }
0x6c: {  	[tilespmem:s7+$0xFFFFFFF0] =	vst v4;
	v6 =	vmul.f32 v6, v3  }
0x6d: {  	v4 =	vld [tilespmem:s11+$0x0]  }
0x6e: {  	v6 =	vsub.f32 $1.500000000e+00, v6;
	_ =	sdelay $0x1  }
0x6f: {  	v3 =	vmul.f32 v6, v3;
	_ =	sdelay $0x1  }
0x70: {  	v6 =	vshra.s32 v4, $0x1;
	v7 =	vmul.f32 $5.000000000e-01, v4;
	v5 =	vmul.f32 v3, v5  }
0x71: {  	(erf) = vrcp.f32 v4;
	v4 =	vsub.s32 $0x5F3759DF, v6  }
0x72: {  	v6 =	vmul.f32 v4, v7;
	v5 =	vmul.f32 v5, v3;
	_ =	sdelay $0x1  }
0x73: {  	v6 =	vmul.f32 v4, v6;
	v5 =	vsub.f32 $1.500000000e+00, v5;
	_ =	sdelay $0x1  }
0x74: {  	v6 =	vsub.f32 $1.500000000e+00, v6;
	v3 =	vmul.f32 v5, v3;
	_ =	sdelay $0x1  }
0x75: {  	v4 =	vmul.f32 v4, v6;
	_ =	sdelay $0x1  }
0x76: {  	[tilespmem:s11+$0xFFFFFFF0] =	vst v3;
	v5 =	vmul.f32 v4, v7;
	v3 =	vpop (erf)  }
0x77: {  	s6 =	simm.s32 $0x1F170;
	[tilespmem:s7+$0x0] =	vst v3  }
0x78: {  	v3 =	vmul.f32 v5, v4;
	v6 =	vld [tilespmem:s6+$0xFFFFFFF0];
	_ =	sdelay $0x1  }
0x79: {  	v3 =	vsub.f32 $1.500000000e+00, v3;
	_ =	sdelay $0x1  }
0x7a: {  	v4 =	vmul.f32 v3, v4  }
0x7b: {  	v5 =	vshra.s32 v6, $0x1;
	v3 =	vmul.f32 $5.000000000e-01, v6;
	(erf) = vrcp.f32 v6  }
0x7c: {  	v8 =	vsub.s32 $0x5F3759DF, v5;
	v5 =	vmul.f32 v4, v7  }
0x7d: {  	v7 =	vmul.f32 v8, v3  }
0x7e: {  	v5 =	vmul.f32 v5, v4  }
0x7f: {  	v7 =	vmul.f32 v8, v7  }
0x80: {  	v5 =	vsub.f32 $1.500000000e+00, v5  }
0x81: {  	v7 =	vsub.f32 $1.500000000e+00, v7  }
0x82: {  	v5 =	vmul.f32 v5, v4  }
0x83: {  	s13 =	simm.s32 $0x2;
	v4 =	vmul.f32 v8, v7  }
.LBB2_6:
0x84: {  	s13 =	sadd.s32 $0x2, s13;
	v6 =	vpop (erf);
	[tilespmem:s11+$0x0] =	vst v5;
	s7 =	sadd.s32 $0x20, s7  }
0x85: {  	s11 =	smov.u32 s6;
	p1 =	slt.u32 s13, $0xC6;
	v5 =	vmul.f32 v4, v3;
	[tilespmem:s7+$0xFFFFFFF0] =	vst v6  }
0x86: {  	v6 =	vld [tilespmem:s6+$0x0]  }
0x87: {  	v5 =	vmul.f32 v5, v4;
	_ =	sdelay $0x1  }
0x88: {  	v5 =	vsub.f32 $1.500000000e+00, v5;
	_ =	sdelay $0x1  }
0x89: {  	v4 =	vmul.f32 v5, v4;
	v5 =	vshra.s32 v6, $0x1;
	v7 =	vmul.f32 $5.000000000e-01, v6  }
0x8a: {  	v5 =	vsub.s32 $0x5F3759DF, v5;
	(erf) = vrcp.f32 v6  }
0x8b: {  	v3 =	vmul.f32 v4, v3;
	v6 =	vmul.f32 v5, v7;
	_ =	sdelay $0x1  }
0x8c: {  	v3 =	vmul.f32 v3, v4;
	v6 =	vmul.f32 v5, v6;
	_ =	sdelay $0x1  }
0x8d: {  	v3 =	vsub.f32 $1.500000000e+00, v3;
	v6 =	vsub.f32 $1.500000000e+00, v6;
	_ =	sdelay $0x1  }
0x8e: {  	v3 =	vmul.f32 v3, v4;
	v4 =	vmul.f32 v5, v6;
	_ =	sdelay $0x1  }
0x8f: {  	[tilespmem:s6+$0xFFFFFFF0] =	vst v3;
	v3 =	vmul.f32 v4, v7;
	v5 =	vpop (erf)  }
0x90: {  	s6 =	sadd.s32 $0x20, s6;
	[tilespmem:s7+$0x0] =	vst v5  }
0x91: {  	v5 =	vld [tilespmem:s6+$0xFFFFFFF0];
	v3 =	vmul.f32 v3, v4;
	_ =	sdelay $0x1  }
0x92: {  	v3 =	vsub.f32 $1.500000000e+00, v3;
	_ =	sdelay $0x1  }
0x93: {  	v4 =	vmul.f32 v3, v4  }
0x94: {  	v6 =	vshra.s32 v5, $0x1;
	v3 =	vmul.f32 $5.000000000e-01, v5;
	(erf) = vrcp.f32 v5  }
0x95: {  	v6 =	vsub.s32 $0x5F3759DF, v6;
	v5 =	vmul.f32 v4, v7  }
0x96: {  	v7 =	vmul.f32 v6, v3  }
0x97: {  	v5 =	vmul.f32 v5, v4  }
.Ltmp2:
0x98: {  	v7 =	vmul.f32 v6, v7;
	(pc) =	sbr.rel @p1 .LBB2_6-.Ltmp2, $4  }
0x99: {  	v5 =	vsub.f32 $1.500000000e+00, v5  }
0x9a: {  	v7 =	vsub.f32 $1.500000000e+00, v7  }
0x9b: {  	v5 =	vmul.f32 v5, v4  }
0x9c: {  	v4 =	vmul.f32 v6, v7  }
0x9d: {  	v6 =	vpop (erf);
	[tilespmem:s11+$0x0] =	vst v5;
	s1 =	sadd.s32 $0x20, s7  }
0x9e: {  	[tilespmem:s1+$0xFFFFFFF0] =	vst v6  }
0x9f: {  	v5 =	vld [tilespmem:s6+$0x0];
	_ =	sdelay $0x4  }
0xa0: {  	v57 =	vshra.s32 v5, $0x1;
	v7 =	vmul.f32 $5.000000000e-01, v5  }
0xa1: {  	v6 =	vsub.s32 $0x5F3759DF, v57  }
0xa2: {  	v8 =	vmul.f32 v6, v7;
	_ =	sdelay $0x1  }
0xa3: {  	v8 =	vmul.f32 v6, v8;
	_ =	sdelay $0x1  }
0xa4: {  	v9 =	vmul.f32 v4, v3;
	v8 =	vsub.f32 $1.500000000e+00, v8;
	_ =	sdelay $0x1  }
0xa5: {  	v58 =	vmul.f32 v9, v4;
	v6 =	vmul.f32 v6, v8;
	_ =	sdelay $0x1  }
0xa6: {  	v8 =	vsub.f32 $1.500000000e+00, v58;
	v59 =	vmul.f32 v6, v7;
	_ =	sdelay $0x1  }
0xa7: {  	v60 =	vmul.f32 v8, v4;
	v9 =	vmul.f32 v59, v6;
	_ =	sdelay $0x1  }
0xa8: {  	v3 =	vmul.f32 v60, v3;
	v61 =	vsub.f32 $1.500000000e+00, v9  }
0xa9: {  	(erf) = vrcp.f32 v5  }
0xaa: {  	v3 =	vmul.f32 v3, v60;
	v62 =	vmul.f32 v61, v6;
	_ =	sdelay $0x1  }
0xab: {  	v3 =	vsub.f32 $1.500000000e+00, v3;
	v6 =	vmul.f32 v62, v7;
	_ =	sdelay $0x1  }
0xac: {  	v3 =	vmul.f32 v3, v60;
	v6 =	vmul.f32 v6, v62;
	_ =	sdelay $0x1  }
0xad: {  	v63 =	vsub.f32 $1.500000000e+00, v6;
	_ =	sdelay $0x1  }
0xae: {  	[tilespmem:s6+$0xFFFFFFF0] =	vst v3;
	v3 =	vpop (erf);
	v4 =	vmul.f32 v63, v62  }
0xaf: {  	[tilespmem:s1+$0x0] =	vst v3  }
0xb0: {  	s1 =	simm.s32 $0x1A2E0;
	[tilespmem:s6+$0x0] =	vst v4  }
0xb1: {  	[tilespmem:s1+$0xFFFFFFE0] =	vst v1  }
0xb2: {  	[tilespmem:s1+$0x10] =	vst v1  }
0xb3: {  	s6 =	simm.s32 $0x0;
	[tilespmem:s1+$0x0] =	vst v1  }
.LBB2_8:
0xb4: {  	s6 =	sadd.s32 $0x4, s6  }
0xb5: {  	[tilespmem:s1+$0xFFFFFFF0] =	vst v1;
	s1 =	sadd.s32 $0x40, s1;
	p1 =	slt.u32 s6, $0x31C  }
.Ltmp3:
0xb6: {  	[tilespmem:s1+$0xFFFFFFE0] =	vst v1;
	(pc) =	sbr.rel @p1 .LBB2_8-.Ltmp3, $3  }
0xb7: {  	_ =	sdelay $0x1  }
0xb8: {  	[tilespmem:s1+$0x10] =	vst v1  }
0xb9: {  	[tilespmem:s1+$0x0] =	vst v1  }
0xba: {  	[tilespmem:s1+$0xFFFFFFF0] =	vst v1;
	s6 =	simm.s32 $0x0;
	s7 =	simm.s32 $0x0  }
.LBB2_10:
0xbb: {  	s11 =	sadd.s32 $0xFFFFFFFE, s6;
	s1 =	sshll.u32 s7, $0x7  }
0xbc: {  	s13 =	sadd.s32 $0x2, s11;
	s5 =	sadd.s32 s17, s1  }
0xbd: {  	v3 =	vmov s13;
	s1 =	sadd.s32 s10, s5  }
0xbe: {  	s14 =	rddreg [dreg:$0x5];
	v3 =	vand.u32 $0xFFFFFFFE, v3;
	s1 =	sshll.u32 s1, $0x2  }
0xbf: {  	v3 =	vbroadcast v3, $0x0;
	[dreg:$0xf] =	wrdreg s1;
	s1 =	sadd.s32 s14, s1  }
0xc0: {  	[tilespmem:s24], [sflag:$0x6] =	stream.linear.gather [hbm4b:s1+s4], $0x1000, $0x38;
	[tilespmem:$0x1FF50] =	vst v63  }
0xc1: {  	_ =	swait.ge [sflag:s19], $0x1000  }
0xc2: {  	[sflag:s19] =	ssyncset.done $0x0  }
0xc3: {  	s1 =	simm.s32 $0x1D4E0;
	[sflag:s19] =	ssyncadd.s32 $0xFFFFF000  }
0xc4: {  	v4 =	vld [tilespmem:s1+$0xFFFFFFE0]  }
0xc5: {  	v3 =	vld.idx.msk [tilespmem:v3+s23+$0x0], $0xffff  }
0xc6: {  	v5 =	vld [tilespmem:s1+$0xFFFFFFF0];
	_ =	sdelay $0x1  }
0xc7: {  	s11 =	sadd.s32 $0x3, s11  }
0xc8: {  	v6 =	vmov s11  }
0xc9: {  	v4 =	vmul.f32 v4, v3  }
0xca: {  	v3 =	vmul.f32 v5, v3  }
0xcb: {  	v7 =	vld [tilespmem:s1+$0x10];
	[tilespmem:s1+$0xFFFFFFE0] =	vst v4  }
0xcc: {  	s22 =	sadd.s32 $0x0, s6;
	[tilespmem:s1+$0xFFFFFFF0] =	vst v3;
	v4 =	vld [tilespmem:s1+$0x0]  }
0xcd: {  	s14 =	sadd.s32 $0x2, s22;
	v6 =	vld.idx.msk [tilespmem:v6+s23+$0x0], $0xffff  }
0xce: {  	v3 =	vmov s14  }
0xcf: {  	v3 =	vand.u32 $0xFFFFFFFE, v3  }
0xd0: {  	v3 =	vbroadcast v3, $0x0;
	_ =	sdelay $0x1  }
0xd1: {  	s11 =	sadd.s32 $0x3, s22;
	s22 =	simm.s32 $0x1D4E0;
	s14 =	simm.s32 $0x2;
	v5 =	vmul.f32 v4, v6;
	v4 =	vmul.f32 v7, v6  }
.LBB2_11:
0xd2: {  	s1 =	sadd.s32 $0x40, s1;
	s13 =	smov.u32 s14;
	s14 =	sadd.s32 $0x2, s14  }
0xd3: {  	p1 =	slt.u32 s14, $0x7E;
	[tilespmem:s22+$0x0] =	vst v5  }
0xd4: {  	v5 =	vld [tilespmem:s1+$0xFFFFFFF0];
	[tilespmem:s22+$0x10] =	vst v4;
	s22 =	smov.u32 s1  }
0xd5: {  	v3 =	vld.idx.msk [tilespmem:v3+s23+$0x0], $0xffff  }
0xd6: {  	v4 =	vld [tilespmem:s1+$0xFFFFFFE0];
	_ =	sdelay $0x2  }
0xd7: {  	v6 =	vmov s11;
	_ =	sdelay $0x1  }
0xd8: {  	v4 =	vmul.f32 v4, v3;
	v3 =	vmul.f32 v5, v3;
	_ =	sdelay $0x1  }
0xd9: {  	[tilespmem:s1+$0xFFFFFFE0] =	vst v4  }
0xda: {  	[tilespmem:s1+$0xFFFFFFF0] =	vst v3;
	v4 =	vld [tilespmem:s1+$0x0]  }
0xdb: {  	s11 =	sadd.s32 s13, s6;
	v6 =	vld.idx.msk [tilespmem:v6+s23+$0x0], $0xffff  }
0xdc: {  	s13 =	sadd.s32 $0x2, s11;
	s11 =	sadd.s32 $0x3, s11;
	v7 =	vld [tilespmem:s1+$0x10]  }
.Ltmp4:
0xdd: {  	v3 =	vmov s13;
	(pc) =	sbr.rel @p1 .LBB2_11-.Ltmp4, $3  }
0xde: {  	v3 =	vand.u32 $0xFFFFFFFE, v3  }
0xdf: {  	v3 =	vbroadcast v3, $0x0;
	_ =	sdelay $0x1  }
0xe0: {  	v5 =	vmul.f32 v4, v6;
	v4 =	vmul.f32 v7, v6  }
0xe1: {  	_ =	sdelay $0x1  }
0xe2: {  	s1 =	sadd.s32 $0x40, s1;
	[tilespmem:s22+$0x0] =	vst v5  }
0xe3: {  	v5 =	vld [tilespmem:s1+$0xFFFFFFF0];
	[tilespmem:s22+$0x10] =	vst v4  }
0xe4: {  	v3 =	vld.idx.msk [tilespmem:v3+s23+$0x0], $0xffff  }
0xe5: {  	v4 =	vld [tilespmem:s1+$0xFFFFFFE0];
	_ =	sdelay $0x3  }
0xe6: {  	v6 =	vmov s11  }
0xe7: {  	v4 =	vmul.f32 v4, v3  }
0xe8: {  	v3 =	vmul.f32 v5, v3  }
0xe9: {  	[tilespmem:s1+$0xFFFFFFE0] =	vst v4  }
0xea: {  	[tilespmem:s1+$0xFFFFFFF0] =	vst v3;
	v3 =	vld [tilespmem:s1+$0x0]  }
0xeb: {  	v4 =	vld.idx.msk [tilespmem:v6+s23+$0x0], $0xffff  }
0xec: {  	v63 =	vld [tilespmem:s1+$0x10];
	_ =	sdelay $0x3  }
0xed: {  	v3 =	vmul.f32 v3, v4  }
0xee: {  	v4 =	vmul.f32 v63, v4  }
0xef: {  	s14 =	rddreg [dreg:$0xf];
	[tilespmem:s1+$0x0] =	vst v3  }
0xf0: {  	[tilespmem:s1+$0x10] =	vst v4;
	s1 =	sadd.s32 s8, s14  }
0xf1: {  	[hbm4b:s1+s4] =	stream.linear.scatter [tilespmem:s24], [sflag:$0x6], $0x1000, $0x38;
	[tilespmem:$0x1FF50] =	vst v63  }
0xf2: {  	s7 =	sadd.s32 $0x1, s7;
	s22 =	sshll.u32 s5, $0x5;
	_ =	swait.ge [sflag:s19], $0x1000  }
0xf3: {  	p1 =	sne.s32 s7, $0x19;
	s1 =	sand.u32 $0x3FFFFFE0, s22;
	[sflag:s19] =	ssyncset.done $0x0  }
.Ltmp5:
0xf4: {  	s1 =	sadd.s32 s1, s3;
	[sflag:s19] =	ssyncadd.s32 $0xFFFFF000;
	(pc) =	sbr.rel @p1 .LBB2_10-.Ltmp5, $4  }
0xf5: {  	[spmem:s1] =	stream.linear.scatter [tilespmem:s25], [sflag:$0x6], $0x1000, $0x38;
	[tilespmem:$0x1FF50] =	vst v63  }
0xf6: {  	_ =	swait.ge [sflag:s19], $0x1000  }
0xf7: {  	[sflag:s19] =	ssyncset.done $0x0  }
0xf8: {  	s6 =	sadd.s32 $0x80, s6;
	[sflag:s19] =	ssyncadd.s32 $0xFFFFF000  }
0xf9: {  	[bflag:$0x0] =	sbarrier.arrive $0xFFFF;
	s5 =	simm.s32 $0x0  }
.LBB2_14:
0xfa: {  	s1 =	rddreg [dreg:$0x9]  }
0xfb: {  	[tilespmem:s26], [sflag:$0x2] =	stream.linear.gather [hbm4b:s1+s4], $0x190, $0x38;
	[tilespmem:$0x1FF50] =	vst v63  }
0xfc: {  	s22 =	rddreg [dreg:$0xa];
	s6 =	simm.s32 $0xFFFFCF2C  }
0xfd: {  	[tilespmem:s20], [sflag:$0x4] =	stream.linear.gather [hbm4b:s22+s4], $0x190, $0x38;
	[tilespmem:$0x1FF50] =	vst v63  }
.LBB2_15:
0xfe: {  	_ =	swait.ge [sflag:s28], $0x190  }
0xff: {  	[sflag:s28] =	ssyncset.done $0x0  }
0x100: {  	[sflag:s28] =	ssyncadd.s32 $0xFFFFFE70  }
0x101: {  	_ =	swait.ge [sflag:s29], $0x190  }
0x102: {  	s7 =	sadd.s32 s6, s15;
	[sflag:s29] =	ssyncset.done $0x0  }
0x103: {  	s13 =	sadd.s32 s6, s16;
	s1 =	sadd.s32 $0x3106, s7;
	[sflag:s29] =	ssyncadd.s32 $0xFFFFFE70  }
0x104: {  	[tilespmem:s30], [sflag:$0x3] =	stream.linear.gather [hbm4b:s1+s4], $0x190, $0x38;
	[tilespmem:$0x1FF50] =	vst v63  }
0x105: {  	s11 =	sadd.s32 $0x3106, s13  }
0x106: {  	[tilespmem:s31], [sflag:$0x5] =	stream.linear.gather [hbm4b:s11+s4], $0x190, $0x38;
	[tilespmem:$0x1FF50] =	vst v63  }
0x107: {  	v3 =	vld [tilespmem:$0x19C80]  }
0x108: {  	v4 =	vld [tilespmem:$0x19C90]  }
0x109: {  	v5 =	vld [tilespmem:$0x19CA0]  }
0x10a: {  	v6 =	vld [tilespmem:$0x19CB0]  }
0x10b: {  	v7 =	vld [tilespmem:$0x19CC0]  }
0x10c: {  	v8 =	vld [tilespmem:$0x19CD0];
	v3 =	vadd.s32 v0, v3  }
0x10d: {  	v21 =	vld [tilespmem:$0x19CE0];
	[tilespmem:$0x19C80] =	vst v3;
	v3 =	vadd.s32 v0, v4  }
0x10e: {  	v22 =	vld [tilespmem:$0x19CF0];
	[tilespmem:$0x19C90] =	vst v3;
	v3 =	vadd.s32 v0, v5  }
0x10f: {  	v23 =	vld [tilespmem:$0x19D00];
	[tilespmem:$0x19CA0] =	vst v3;
	v3 =	vadd.s32 v0, v6  }
0x110: {  	v24 =	vld [tilespmem:$0x19D10];
	[tilespmem:$0x19CB0] =	vst v3;
	v3 =	vadd.s32 v0, v7  }
0x111: {  	v25 =	vld [tilespmem:$0x19D20];
	[tilespmem:$0x19CC0] =	vst v3;
	v3 =	vadd.s32 v0, v8  }
0x112: {  	v26 =	vld [tilespmem:$0x19D30];
	[tilespmem:$0x19CD0] =	vst v3;
	v3 =	vadd.s32 v0, v21  }
0x113: {  	v27 =	vld [tilespmem:$0x19D40];
	[tilespmem:$0x19CE0] =	vst v3;
	v3 =	vadd.s32 v0, v22  }
0x114: {  	v28 =	vld [tilespmem:$0x19D50];
	[tilespmem:$0x19CF0] =	vst v3;
	v3 =	vadd.s32 v0, v23  }
0x115: {  	v29 =	vld [tilespmem:$0x19D60];
	[tilespmem:$0x19D00] =	vst v3;
	v3 =	vadd.s32 v0, v24  }
0x116: {  	v30 =	vld [tilespmem:$0x19D70];
	[tilespmem:$0x19D10] =	vst v3;
	v3 =	vadd.s32 v0, v25  }
0x117: {  	v31 =	vld [tilespmem:$0x19D80];
	[tilespmem:$0x19D20] =	vst v3;
	v3 =	vadd.s32 v0, v26  }
0x118: {  	v32 =	vld [tilespmem:$0x19D90];
	[tilespmem:$0x19D30] =	vst v3;
	v3 =	vadd.s32 v0, v27  }
0x119: {  	v33 =	vld [tilespmem:$0x19DA0];
	[tilespmem:$0x19D40] =	vst v3;
	v3 =	vadd.s32 v0, v28  }
0x11a: {  	v34 =	vld [tilespmem:$0x19DB0];
	[tilespmem:$0x19D50] =	vst v3;
	v3 =	vadd.s32 v0, v29  }
0x11b: {  	v35 =	vld [tilespmem:$0x19DC0];
	[tilespmem:$0x19D60] =	vst v3;
	v3 =	vadd.s32 v0, v30  }
0x11c: {  	v36 =	vld [tilespmem:$0x19DD0];
	[tilespmem:$0x19D70] =	vst v3;
	v3 =	vadd.s32 v0, v31  }
0x11d: {  	v37 =	vld [tilespmem:$0x19DE0];
	[tilespmem:$0x19D80] =	vst v3;
	v3 =	vadd.s32 v0, v32  }
0x11e: {  	v38 =	vld [tilespmem:$0x19DF0];
	[tilespmem:$0x19D90] =	vst v3;
	v3 =	vadd.s32 v0, v33  }
0x11f: {  	v39 =	vld [tilespmem:$0x19E00];
	[tilespmem:$0x19DA0] =	vst v3;
	v3 =	vadd.s32 v0, v34  }
0x120: {  	[tilespmem:$0x19DB0] =	vst v3;
	v3 =	vadd.s32 v0, v35  }
0x121: {  	[tilespmem:$0x19DC0] =	vst v3;
	v3 =	vadd.s32 v0, v36  }
0x122: {  	[tilespmem:$0x19DD0] =	vst v3;
	v3 =	vadd.s32 v0, v37  }
0x123: {  	[tilespmem:$0x19DE0] =	vst v3;
	v3 =	vadd.s32 v0, v38  }
0x124: {  	[tilespmem:$0x19DF0] =	vst v3;
	v3 =	vadd.s32 v0, v39  }
0x125: {  	[tilespmem:$0x19E00] =	vst v3  }
0x126: {  	[tilespmem:s25], [sflag:$0x1] =	stream.indirect.gather [hbm4b:s8+s21], $0x20, s26, s21, $0xb8;
	[tilespmem:$0x1FF50] =	vst v63  }
0x127: {  	_ =	swait.ge [sflag:s0], $0x3200  }
0x128: {  	[sflag:s0] =	ssyncset.done $0x0  }
0x129: {  	[sflag:s0] =	ssyncadd.s32 $0xFFFFCE00  }
0x12a: {  	[spmem:s3] =	stream.indirect.scatter.add.f32 [tilespmem:s25], [sflag:$0x6], $0x20, s20, s21, $0xb8;
	[tilespmem:$0x1FF50] =	vst v63  }
0x12b: {  	_ =	swait.ge [sflag:s19], $0x3200  }
0x12c: {  	[sflag:s19] =	ssyncset.done $0x0  }
0x12d: {  	[sflag:s19] =	ssyncadd.s32 $0xFFFFCE00  }
0x12e: {  	_ =	swait.ge [sflag:s2], $0x190  }
0x12f: {  	[sflag:s2] =	ssyncset.done $0x0  }
0x130: {  	[sflag:s2] =	ssyncadd.s32 $0xFFFFFE70  }
0x131: {  	_ =	swait.ge [sflag:s12], $0x190  }
0x132: {  	[sflag:s12] =	ssyncset.done $0x0  }
0x133: {  	s14 =	sadd.s32 $0x3138, s7;
	[sflag:s12] =	ssyncadd.s32 $0xFFFFFE70  }
0x134: {  	[tilespmem:s26], [sflag:$0x2] =	stream.linear.gather [hbm4b:s14+s4], $0x190, $0x38;
	[tilespmem:$0x1FF50] =	vst v63  }
0x135: {  	s22 =	sadd.s32 $0x3138, s13  }
0x136: {  	[tilespmem:s20], [sflag:$0x4] =	stream.linear.gather [hbm4b:s22+s4], $0x190, $0x38;
	[tilespmem:$0x1FF50] =	vst v63  }
0x137: {  	v3 =	vld [tilespmem:$0x19E10]  }
0x138: {  	v40 =	vld [tilespmem:$0x19E20]  }
0x139: {  	v41 =	vld [tilespmem:$0x19E30]  }
0x13a: {  	v42 =	vld [tilespmem:$0x19E40]  }
0x13b: {  	v43 =	vld [tilespmem:$0x19E50]  }
0x13c: {  	v44 =	vld [tilespmem:$0x19E60];
	v3 =	vadd.s32 v0, v3  }
0x13d: {  	v45 =	vld [tilespmem:$0x19E70];
	[tilespmem:$0x19E10] =	vst v3;
	v3 =	vadd.s32 v0, v40  }
0x13e: {  	v46 =	vld [tilespmem:$0x19E80];
	[tilespmem:$0x19E20] =	vst v3;
	v3 =	vadd.s32 v0, v41  }
0x13f: {  	v47 =	vld [tilespmem:$0x19E90];
	[tilespmem:$0x19E30] =	vst v3;
	v3 =	vadd.s32 v0, v42  }
0x140: {  	v48 =	vld [tilespmem:$0x19EA0];
	[tilespmem:$0x19E40] =	vst v3;
	v3 =	vadd.s32 v0, v43  }
0x141: {  	v49 =	vld [tilespmem:$0x19EB0];
	[tilespmem:$0x19E50] =	vst v3;
	v3 =	vadd.s32 v0, v44  }
0x142: {  	v50 =	vld [tilespmem:$0x19EC0];
	[tilespmem:$0x19E60] =	vst v3;
	v3 =	vadd.s32 v0, v45  }
0x143: {  	v51 =	vld [tilespmem:$0x19ED0];
	[tilespmem:$0x19E70] =	vst v3;
	v3 =	vadd.s32 v0, v46  }
0x144: {  	v52 =	vld [tilespmem:$0x19EE0];
	[tilespmem:$0x19E80] =	vst v3;
	v3 =	vadd.s32 v0, v47  }
0x145: {  	v53 =	vld [tilespmem:$0x19EF0];
	[tilespmem:$0x19E90] =	vst v3;
	v3 =	vadd.s32 v0, v48  }
0x146: {  	v54 =	vld [tilespmem:$0x19F00];
	[tilespmem:$0x19EA0] =	vst v3;
	v3 =	vadd.s32 v0, v49  }
0x147: {  	v55 =	vld [tilespmem:$0x19F10];
	[tilespmem:$0x19EB0] =	vst v3;
	v3 =	vadd.s32 v0, v50  }
0x148: {  	v56 =	vld [tilespmem:$0x19F20];
	[tilespmem:$0x19EC0] =	vst v3;
	v3 =	vadd.s32 v0, v51  }
0x149: {  	v57 =	vld [tilespmem:$0x19F30];
	[tilespmem:$0x19ED0] =	vst v3;
	v3 =	vadd.s32 v0, v52  }
0x14a: {  	v58 =	vld [tilespmem:$0x19F40];
	[tilespmem:$0x19EE0] =	vst v3;
	v3 =	vadd.s32 v0, v53  }
0x14b: {  	v59 =	vld [tilespmem:$0x19F50];
	[tilespmem:$0x19EF0] =	vst v3;
	v3 =	vadd.s32 v0, v54  }
0x14c: {  	v60 =	vld [tilespmem:$0x19F60];
	[tilespmem:$0x19F00] =	vst v3;
	v3 =	vadd.s32 v0, v55  }
0x14d: {  	v61 =	vld [tilespmem:$0x19F70];
	[tilespmem:$0x19F10] =	vst v3;
	v3 =	vadd.s32 v0, v56  }
0x14e: {  	v62 =	vld [tilespmem:$0x19F80];
	[tilespmem:$0x19F20] =	vst v3;
	v3 =	vadd.s32 v0, v57  }
0x14f: {  	v63 =	vld [tilespmem:$0x19F90];
	[tilespmem:$0x19F30] =	vst v3;
	v3 =	vadd.s32 v0, v58  }
0x150: {  	[tilespmem:$0x19F40] =	vst v3;
	v3 =	vadd.s32 v0, v59  }
0x151: {  	[tilespmem:$0x19F50] =	vst v3;
	v3 =	vadd.s32 v0, v60  }
0x152: {  	[tilespmem:$0x19F60] =	vst v3;
	v3 =	vadd.s32 v0, v61  }
0x153: {  	[tilespmem:$0x19F70] =	vst v3;
	v3 =	vadd.s32 v0, v62  }
0x154: {  	[tilespmem:$0x19F80] =	vst v3;
	v3 =	vadd.s32 v0, v63  }
0x155: {  	[tilespmem:$0x19F90] =	vst v3  }
0x156: {  	[tilespmem:s25], [sflag:$0x1] =	stream.indirect.gather [hbm4b:s8+s21], $0x20, s30, s21, $0xb8;
	[tilespmem:$0x1FF50] =	vst v63  }
0x157: {  	_ =	swait.ge [sflag:s0], $0x3200  }
0x158: {  	p1 =	sne.s32 s6, $0xFFFFFF9C;
	[sflag:s0] =	ssyncset.done $0x0  }
.Ltmp6:
0x159: {  	[sflag:s0] =	ssyncadd.s32 $0xFFFFCE00;
	(pc) =	sbr.rel @p1 .LBB2_15-.Ltmp6, $4  }
0x15a: {  	[spmem:s3] =	stream.indirect.scatter.add.f32 [tilespmem:s25], [sflag:$0x6], $0x20, s31, s21, $0xb8;
	[tilespmem:$0x1FF50] =	vst v63  }
0x15b: {  	_ =	swait.ge [sflag:s19], $0x3200  }
0x15c: {  	[sflag:s19] =	ssyncset.done $0x0  }
0x15d: {  	s6 =	sadd.s32 $0x64, s6;
	[sflag:s19] =	ssyncadd.s32 $0xFFFFCE00  }
0x15e: {  	_ =	swait.ge [sflag:s28], $0x190  }
0x15f: {  	[sflag:s28] =	ssyncset.done $0x0  }
0x160: {  	[sflag:s28] =	ssyncadd.s32 $0xFFFFFE70  }
0x161: {  	_ =	swait.ge [sflag:s29], $0x190  }
0x162: {  	[sflag:s29] =	ssyncset.done $0x0  }
0x163: {  	[sflag:s29] =	ssyncadd.s32 $0xFFFFFE70  }
0x164: {  	s1 =	simm.s32 $0x1A2E0;
	[bflag:$0x0] =	sbarrier.arrive $0xFFFF  }
0x165: {  	[tilespmem:s1+$0xFFFFFFE0] =	vst v1  }
0x166: {  	[tilespmem:s1+$0x10] =	vst v1  }
0x167: {  	s6 =	simm.s32 $0x0;
	[tilespmem:s1+$0x0] =	vst v1  }
.LBB2_17:
0x168: {  	s6 =	sadd.s32 $0x4, s6  }
0x169: {  	[tilespmem:s1+$0xFFFFFFF0] =	vst v1;
	s1 =	sadd.s32 $0x40, s1;
	p1 =	slt.u32 s6, $0x31C  }
.Ltmp7:
0x16a: {  	[tilespmem:s1+$0xFFFFFFE0] =	vst v1;
	(pc) =	sbr.rel @p1 .LBB2_17-.Ltmp7, $3  }
0x16b: {  	_ =	sdelay $0x1  }
0x16c: {  	[tilespmem:s1+$0x10] =	vst v1  }
0x16d: {  	[tilespmem:s1+$0x0] =	vst v1  }
0x16e: {  	[dreg:$0xe] =	wrdreg s5;
	s15 =	smul.u32 $0xC8000, s5  }
0x16f: {  	s22 =	rddreg [dreg:$0x6]  }
0x170: {  	[tilespmem:s1+$0xFFFFFFF0] =	vst v1;
	s7 =	simm.s32 $0x0;
	s13 =	simm.s32 $0x0;
	s6 =	sadd.s32 s22, s15  }
.LBB2_19:
0x171: {  	s1 =	sshll.u32 s13, $0x7;
	p1 =	seq.s32 s13, $0x0  }
0x172: {  	s1 =	sadd.s32 s17, s1;
	s11 =	simm.s32 @!p1 $0x2  }
0x173: {  	_ =	swait.ge @!p1 [sflag:s11], $0x1000;
	s14 =	sshll.u32 s1, $0x5  }
0x174: {  	[sflag:s11] =	ssyncset.done @!p1 $0x0;
	s14 =	sand.u32 $0x3FFFFFE0, s14  }
0x175: {  	[sflag:s11] =	ssyncadd.s32 @!p1 $0xFFFFF000;
	s14 =	sadd.s32 s14, s3  }
0x176: {  	[tilespmem:s24], [sflag:$0x6] =	stream.linear.gather [spmem:s14], $0x1000, $0x38;
	[tilespmem:$0x1FF50] =	vst v63  }
0x177: {  	_ =	swait.ge [sflag:s19], $0x1000  }
0x178: {  	s22 =	sadd.s32 $0xFFFFFFFE, s7;
	[sflag:s19] =	ssyncset.done $0x0  }
0x179: {  	s15 =	sadd.s32 $0x2, s22;
	[sflag:s19] =	ssyncadd.s32 $0xFFFFF000  }
0x17a: {  	[spmem:s14] =	stream.linear.scatter [tilespmem:s25], [sflag:$0x6], $0x1000, $0x38;
	[tilespmem:$0x1FF50] =	vst v63  }
0x17b: {  	s1 =	sadd.s32 s10, s1;
	v3 =	vmov s15;
	_ =	swait.ge [sflag:s19], $0x1000  }
0x17c: {  	v3 =	vand.u32 $0xFFFFFFFE, v3;
	s14 =	sshll.u32 s1, $0x2;
	[sflag:s19] =	ssyncset.done $0x0  }
0x17d: {  	v3 =	vbroadcast v3, $0x0;
	s1 =	sadd.s32 s14, s6;
	[sflag:s19] =	ssyncadd.s32 $0xFFFFF000  }
0x17e: {  	[hbm4b:s1+s4] =	stream.linear.scatter [tilespmem:s24], [sflag:$0x2], $0x1000, $0x38;
	[tilespmem:$0x1FF50] =	vst v63  }
0x17f: {  	s1 =	simm.s32 @!p1 $0x3  }
0x180: {  	_ =	swait.ge @!p1 [sflag:s1], $0x1000  }
0x181: {  	[sflag:s1] =	ssyncset.done @!p1 $0x0  }
0x182: {  	[sflag:s1] =	ssyncadd.s32 @!p1 $0xFFFFF000  }
0x183: {  	s11 =	simm.s32 $0x1D4E0;
	v3 =	vld.idx.msk [tilespmem:v3+s18+$0x0], $0xffff  }
0x184: {  	v4 =	vld [tilespmem:s11+$0xFFFFFFE0];
	_ =	sdelay $0x4  }
0x185: {  	v4 =	vmul.f32 v4, v3  }
0x186: {  	s1 =	simm.s32 $0x1C2F0  }
0x187: {  	[tilespmem:s1+$0xFFFFFFD0] =	vst v4  }
0x188: {  	v4 =	vld [tilespmem:s11+$0xFFFFFFF0];
	_ =	sdelay $0x1  }
0x189: {  	s22 =	sadd.s32 $0x3, s22  }
0x18a: {  	v5 =	vmov s22;
	_ =	sdelay $0x1  }
0x18b: {  	v3 =	vmul.f32 v4, v3;
	_ =	sdelay $0x1  }
0x18c: {  	[tilespmem:s1+$0xFFFFFFE0] =	vst v3  }
0x18d: {  	v3 =	vld.idx.msk [tilespmem:v5+s18+$0x0], $0xffff  }
0x18e: {  	v4 =	vld [tilespmem:s11+$0x0];
	_ =	sdelay $0x4  }
0x18f: {  	s22 =	simm.s32 $0x0;
	v4 =	vmul.f32 v4, v3  }
.LBB2_20:
0x190: {  	s15 =	sadd.s32 s22, s7;
	s22 =	sadd.s32 $0x2, s22  }
0x191: {  	s5 =	sadd.s32 $0x2, s15;
	p1 =	slt.u32 s22, $0x7E;
	[tilespmem:s1+$0xFFFFFFF0] =	vst v4  }
0x192: {  	v4 =	vmov s5;
	v5 =	vld [tilespmem:s11+$0x10]  }
0x193: {  	v4 =	vand.u32 $0xFFFFFFFE, v4  }
0x194: {  	v4 =	vbroadcast v4, $0x0;
	_ =	sdelay $0x2  }
0x195: {  	v3 =	vmul.f32 v5, v3;
	_ =	sdelay $0x1  }
0x196: {  	[tilespmem:s1+$0x0] =	vst v3  }
0x197: {  	s11 =	sadd.s32 $0x40, s11;
	v3 =	vld.idx.msk [tilespmem:v4+s18+$0x0], $0xffff  }
0x198: {  	v4 =	vld [tilespmem:s11+$0xFFFFFFE0];
	_ =	sdelay $0x4  }
0x199: {  	v4 =	vmul.f32 v4, v3  }
0x19a: {  	s1 =	sadd.s32 $0x40, s1  }
0x19b: {  	[tilespmem:s1+$0xFFFFFFD0] =	vst v4  }
0x19c: {  	v4 =	vld [tilespmem:s11+$0xFFFFFFF0];
	_ =	sdelay $0x1  }
0x19d: {  	s5 =	sadd.s32 $0x3, s15  }
0x19e: {  	v5 =	vmov s5;
	_ =	sdelay $0x1  }
0x19f: {  	v3 =	vmul.f32 v4, v3;
	_ =	sdelay $0x1  }
0x1a0: {  	[tilespmem:s1+$0xFFFFFFE0] =	vst v3  }
0x1a1: {  	v3 =	vld.idx.msk [tilespmem:v5+s18+$0x0], $0xffff  }
0x1a2: {  	v4 =	vld [tilespmem:s11+$0x0]  }
.Ltmp8:
0x1a3: {  	(pc) =	sbr.rel @p1 .LBB2_20-.Ltmp8, $2  }
0x1a4: {  	_ =	sdelay $0x2  }
0x1a5: {  	v4 =	vmul.f32 v4, v3  }
0x1a6: {  	_ = 	snop  }
0x1a7: {  	[tilespmem:s1+$0xFFFFFFF0] =	vst v4  }
0x1a8: {  	v4 =	vld [tilespmem:s11+$0x10];
	_ =	sdelay $0x1  }
0x1a9: {  	s13 =	sadd.s32 $0x1, s13  }
0x1aa: {  	p1 =	sne.s32 s13, $0x19  }
.Ltmp9:
0x1ab: {  	_ = 	snop;
	(pc) =	sbr.rel @p1 .LBB2_19-.Ltmp9, $3  }
0x1ac: {  	v3 =	vmul.f32 v4, v3;
	_ =	sdelay $0x1  }
0x1ad: {  	s22 =	sadd.s32 s9, s14;
	s5 =	simm.s32 $0x1C2C0;
	s7 =	sadd.s32 $0x80, s7;
	[tilespmem:s1+$0x0] =	vst v3  }
0x1ae: {  	[hbm4b:s22+s4] =	stream.linear.scatter [tilespmem:s5], [sflag:$0x3], $0x1000, $0x38;
	[tilespmem:$0x1FF50] =	vst v63  }
0x1af: {  	_ =	swait.ge [sflag:s28], $0x1000  }
0x1b0: {  	[sflag:s28] =	ssyncset.done $0x0  }
0x1b1: {  	[sflag:s28] =	ssyncadd.s32 $0xFFFFF000  }
0x1b2: {  	_ =	swait.ge [sflag:s2], $0x1000  }
0x1b3: {  	[sflag:s2] =	ssyncset.done $0x0  }
0x1b4: {  	[sflag:s2] =	ssyncadd.s32 $0xFFFFF000  }
0x1b5: {  	[bflag:$0x0] =	sbarrier.arrive $0xFFFF  }
0x1b6: {  	s1 =	rddreg [dreg:$0x9]  }
0x1b7: {  	s22 =	rddreg [dreg:$0xa]  }
0x1b8: {  	[tilespmem:s26], [sflag:$0x2] =	stream.linear.gather [hbm4b:s1+s4], $0x190, $0x38;
	[tilespmem:$0x1FF50] =	vst v63  }
0x1b9: {  	s6 =	simm.s32 $0xFFFFCF2C;
	s5 =	rddreg [dreg:$0xc]  }
0x1ba: {  	[tilespmem:s20], [sflag:$0x4] =	stream.linear.gather [hbm4b:s22+s4], $0x190, $0x38;
	[tilespmem:$0x1FF50] =	vst v63  }
.LBB2_23:
0x1bb: {  	_ =	swait.ge [sflag:s28], $0x190  }
0x1bc: {  	[sflag:s28] =	ssyncset.done $0x0  }
0x1bd: {  	[sflag:s28] =	ssyncadd.s32 $0xFFFFFE70  }
0x1be: {  	_ =	swait.ge [sflag:s29], $0x190  }
0x1bf: {  	s7 =	sadd.s32 s6, s5;
	[sflag:s29] =	ssyncset.done $0x0  }
0x1c0: {  	s13 =	sadd.s32 s6, s16;
	s1 =	sadd.s32 $0x3106, s7;
	[sflag:s29] =	ssyncadd.s32 $0xFFFFFE70  }
0x1c1: {  	[tilespmem:s30], [sflag:$0x3] =	stream.linear.gather [hbm4b:s1+s4], $0x190, $0x38;
	[tilespmem:$0x1FF50] =	vst v63  }
0x1c2: {  	s14 =	sadd.s32 $0x3106, s13  }
0x1c3: {  	[tilespmem:s31], [sflag:$0x5] =	stream.linear.gather [hbm4b:s14+s4], $0x190, $0x38;
	[tilespmem:$0x1FF50] =	vst v63  }
0x1c4: {  	v3 =	vld [tilespmem:$0x19C80]  }
0x1c5: {  	v4 =	vld [tilespmem:$0x19C90]  }
0x1c6: {  	v5 =	vld [tilespmem:$0x19CA0]  }
0x1c7: {  	v6 =	vld [tilespmem:$0x19CB0]  }
0x1c8: {  	v7 =	vld [tilespmem:$0x19CC0]  }
0x1c9: {  	v8 =	vld [tilespmem:$0x19CD0];
	v3 =	vadd.s32 v0, v3  }
0x1ca: {  	v21 =	vld [tilespmem:$0x19CE0];
	[tilespmem:$0x19C80] =	vst v3;
	v3 =	vadd.s32 v0, v4  }
0x1cb: {  	v22 =	vld [tilespmem:$0x19CF0];
	[tilespmem:$0x19C90] =	vst v3;
	v3 =	vadd.s32 v0, v5  }
0x1cc: {  	v23 =	vld [tilespmem:$0x19D00];
	[tilespmem:$0x19CA0] =	vst v3;
	v3 =	vadd.s32 v0, v6  }
0x1cd: {  	v24 =	vld [tilespmem:$0x19D10];
	[tilespmem:$0x19CB0] =	vst v3;
	v3 =	vadd.s32 v0, v7  }
0x1ce: {  	v25 =	vld [tilespmem:$0x19D20];
	[tilespmem:$0x19CC0] =	vst v3;
	v3 =	vadd.s32 v0, v8  }
0x1cf: {  	v26 =	vld [tilespmem:$0x19D30];
	[tilespmem:$0x19CD0] =	vst v3;
	v3 =	vadd.s32 v0, v21  }
0x1d0: {  	v27 =	vld [tilespmem:$0x19D40];
	[tilespmem:$0x19CE0] =	vst v3;
	v3 =	vadd.s32 v0, v22  }
0x1d1: {  	v28 =	vld [tilespmem:$0x19D50];
	[tilespmem:$0x19CF0] =	vst v3;
	v3 =	vadd.s32 v0, v23  }
0x1d2: {  	v29 =	vld [tilespmem:$0x19D60];
	[tilespmem:$0x19D00] =	vst v3;
	v3 =	vadd.s32 v0, v24  }
0x1d3: {  	v30 =	vld [tilespmem:$0x19D70];
	[tilespmem:$0x19D10] =	vst v3;
	v3 =	vadd.s32 v0, v25  }
0x1d4: {  	v31 =	vld [tilespmem:$0x19D80];
	[tilespmem:$0x19D20] =	vst v3;
	v3 =	vadd.s32 v0, v26  }
0x1d5: {  	v32 =	vld [tilespmem:$0x19D90];
	[tilespmem:$0x19D30] =	vst v3;
	v3 =	vadd.s32 v0, v27  }
0x1d6: {  	v33 =	vld [tilespmem:$0x19DA0];
	[tilespmem:$0x19D40] =	vst v3;
	v3 =	vadd.s32 v0, v28  }
0x1d7: {  	v34 =	vld [tilespmem:$0x19DB0];
	[tilespmem:$0x19D50] =	vst v3;
	v3 =	vadd.s32 v0, v29  }
0x1d8: {  	v35 =	vld [tilespmem:$0x19DC0];
	[tilespmem:$0x19D60] =	vst v3;
	v3 =	vadd.s32 v0, v30  }
0x1d9: {  	v36 =	vld [tilespmem:$0x19DD0];
	[tilespmem:$0x19D70] =	vst v3;
	v3 =	vadd.s32 v0, v31  }
0x1da: {  	v37 =	vld [tilespmem:$0x19DE0];
	[tilespmem:$0x19D80] =	vst v3;
	v3 =	vadd.s32 v0, v32  }
0x1db: {  	v38 =	vld [tilespmem:$0x19DF0];
	[tilespmem:$0x19D90] =	vst v3;
	v3 =	vadd.s32 v0, v33  }
0x1dc: {  	v39 =	vld [tilespmem:$0x19E00];
	[tilespmem:$0x19DA0] =	vst v3;
	v3 =	vadd.s32 v0, v34  }
0x1dd: {  	[tilespmem:$0x19DB0] =	vst v3;
	v3 =	vadd.s32 v0, v35  }
0x1de: {  	[tilespmem:$0x19DC0] =	vst v3;
	v3 =	vadd.s32 v0, v36  }
0x1df: {  	[tilespmem:$0x19DD0] =	vst v3;
	v3 =	vadd.s32 v0, v37  }
0x1e0: {  	[tilespmem:$0x19DE0] =	vst v3;
	v3 =	vadd.s32 v0, v38  }
0x1e1: {  	[tilespmem:$0x19DF0] =	vst v3;
	v3 =	vadd.s32 v0, v39  }
0x1e2: {  	[tilespmem:$0x19E00] =	vst v3  }
0x1e3: {  	[tilespmem:s25], [sflag:$0x1] =	stream.indirect.gather [hbm4b:s9+s21], $0x20, s26, s21, $0xb8;
	[tilespmem:$0x1FF50] =	vst v63  }
0x1e4: {  	_ =	swait.ge [sflag:s0], $0x3200  }
0x1e5: {  	[sflag:s0] =	ssyncset.done $0x0  }
0x1e6: {  	[sflag:s0] =	ssyncadd.s32 $0xFFFFCE00  }
0x1e7: {  	[spmem:s3] =	stream.indirect.scatter.add.f32 [tilespmem:s25], [sflag:$0x6], $0x20, s20, s21, $0xb8;
	[tilespmem:$0x1FF50] =	vst v63  }
0x1e8: {  	_ =	swait.ge [sflag:s19], $0x3200  }
0x1e9: {  	[sflag:s19] =	ssyncset.done $0x0  }
0x1ea: {  	[sflag:s19] =	ssyncadd.s32 $0xFFFFCE00  }
0x1eb: {  	_ =	swait.ge [sflag:s2], $0x190  }
0x1ec: {  	[sflag:s2] =	ssyncset.done $0x0  }
0x1ed: {  	[sflag:s2] =	ssyncadd.s32 $0xFFFFFE70  }
0x1ee: {  	_ =	swait.ge [sflag:s12], $0x190  }
0x1ef: {  	[sflag:s12] =	ssyncset.done $0x0  }
0x1f0: {  	s15 =	sadd.s32 $0x3138, s7;
	[sflag:s12] =	ssyncadd.s32 $0xFFFFFE70  }
0x1f1: {  	[tilespmem:s26], [sflag:$0x2] =	stream.linear.gather [hbm4b:s15+s4], $0x190, $0x38;
	[tilespmem:$0x1FF50] =	vst v63  }
0x1f2: {  	s22 =	sadd.s32 $0x3138, s13  }
0x1f3: {  	[tilespmem:s20], [sflag:$0x4] =	stream.linear.gather [hbm4b:s22+s4], $0x190, $0x38;
	[tilespmem:$0x1FF50] =	vst v63  }
0x1f4: {  	v3 =	vld [tilespmem:$0x19E10]  }
0x1f5: {  	v40 =	vld [tilespmem:$0x19E20]  }
0x1f6: {  	v41 =	vld [tilespmem:$0x19E30]  }
0x1f7: {  	v42 =	vld [tilespmem:$0x19E40]  }
0x1f8: {  	v43 =	vld [tilespmem:$0x19E50]  }
0x1f9: {  	v44 =	vld [tilespmem:$0x19E60];
	v3 =	vadd.s32 v0, v3  }
0x1fa: {  	v45 =	vld [tilespmem:$0x19E70];
	[tilespmem:$0x19E10] =	vst v3;
	v3 =	vadd.s32 v0, v40  }
0x1fb: {  	v46 =	vld [tilespmem:$0x19E80];
	[tilespmem:$0x19E20] =	vst v3;
	v3 =	vadd.s32 v0, v41  }
0x1fc: {  	v47 =	vld [tilespmem:$0x19E90];
	[tilespmem:$0x19E30] =	vst v3;
	v3 =	vadd.s32 v0, v42  }
0x1fd: {  	v48 =	vld [tilespmem:$0x19EA0];
	[tilespmem:$0x19E40] =	vst v3;
	v3 =	vadd.s32 v0, v43  }
0x1fe: {  	v49 =	vld [tilespmem:$0x19EB0];
	[tilespmem:$0x19E50] =	vst v3;
	v3 =	vadd.s32 v0, v44  }
0x1ff: {  	v50 =	vld [tilespmem:$0x19EC0];
	[tilespmem:$0x19E60] =	vst v3;
	v3 =	vadd.s32 v0, v45  }
0x200: {  	v51 =	vld [tilespmem:$0x19ED0];
	[tilespmem:$0x19E70] =	vst v3;
	v3 =	vadd.s32 v0, v46  }
0x201: {  	v52 =	vld [tilespmem:$0x19EE0];
	[tilespmem:$0x19E80] =	vst v3;
	v3 =	vadd.s32 v0, v47  }
0x202: {  	v53 =	vld [tilespmem:$0x19EF0];
	[tilespmem:$0x19E90] =	vst v3;
	v3 =	vadd.s32 v0, v48  }
0x203: {  	v54 =	vld [tilespmem:$0x19F00];
	[tilespmem:$0x19EA0] =	vst v3;
	v3 =	vadd.s32 v0, v49  }
0x204: {  	v55 =	vld [tilespmem:$0x19F10];
	[tilespmem:$0x19EB0] =	vst v3;
	v3 =	vadd.s32 v0, v50  }
0x205: {  	v56 =	vld [tilespmem:$0x19F20];
	[tilespmem:$0x19EC0] =	vst v3;
	v3 =	vadd.s32 v0, v51  }
0x206: {  	v57 =	vld [tilespmem:$0x19F30];
	[tilespmem:$0x19ED0] =	vst v3;
	v3 =	vadd.s32 v0, v52  }
0x207: {  	v58 =	vld [tilespmem:$0x19F40];
	[tilespmem:$0x19EE0] =	vst v3;
	v3 =	vadd.s32 v0, v53  }
0x208: {  	v59 =	vld [tilespmem:$0x19F50];
	[tilespmem:$0x19EF0] =	vst v3;
	v3 =	vadd.s32 v0, v54  }
0x209: {  	v60 =	vld [tilespmem:$0x19F60];
	[tilespmem:$0x19F00] =	vst v3;
	v3 =	vadd.s32 v0, v55  }
0x20a: {  	v61 =	vld [tilespmem:$0x19F70];
	[tilespmem:$0x19F10] =	vst v3;
	v3 =	vadd.s32 v0, v56  }
0x20b: {  	v62 =	vld [tilespmem:$0x19F80];
	[tilespmem:$0x19F20] =	vst v3;
	v3 =	vadd.s32 v0, v57  }
0x20c: {  	v63 =	vld [tilespmem:$0x19F90];
	[tilespmem:$0x19F30] =	vst v3;
	v3 =	vadd.s32 v0, v58  }
0x20d: {  	[tilespmem:$0x19F40] =	vst v3;
	v3 =	vadd.s32 v0, v59  }
0x20e: {  	[tilespmem:$0x19F50] =	vst v3;
	v3 =	vadd.s32 v0, v60  }
0x20f: {  	[tilespmem:$0x19F60] =	vst v3;
	v3 =	vadd.s32 v0, v61  }
0x210: {  	[tilespmem:$0x19F70] =	vst v3;
	v3 =	vadd.s32 v0, v62  }
0x211: {  	[tilespmem:$0x19F80] =	vst v3;
	v3 =	vadd.s32 v0, v63  }
0x212: {  	[tilespmem:$0x19F90] =	vst v3  }
0x213: {  	[tilespmem:s25], [sflag:$0x1] =	stream.indirect.gather [hbm4b:s9+s21], $0x20, s30, s21, $0xb8;
	[tilespmem:$0x1FF50] =	vst v63  }
0x214: {  	_ =	swait.ge [sflag:s0], $0x3200  }
0x215: {  	p1 =	sne.s32 s6, $0xFFFFFF9C;
	[sflag:s0] =	ssyncset.done $0x0  }
.Ltmp10:
0x216: {  	[sflag:s0] =	ssyncadd.s32 $0xFFFFCE00;
	(pc) =	sbr.rel @p1 .LBB2_23-.Ltmp10, $4  }
0x217: {  	[spmem:s3] =	stream.indirect.scatter.add.f32 [tilespmem:s25], [sflag:$0x6], $0x20, s31, s21, $0xb8;
	[tilespmem:$0x1FF50] =	vst v63  }
0x218: {  	_ =	swait.ge [sflag:s19], $0x3200  }
0x219: {  	[sflag:s19] =	ssyncset.done $0x0  }
0x21a: {  	s6 =	sadd.s32 $0x64, s6;
	[sflag:s19] =	ssyncadd.s32 $0xFFFFCE00  }
0x21b: {  	_ =	swait.ge [sflag:s28], $0x190  }
0x21c: {  	[sflag:s28] =	ssyncset.done $0x0  }
0x21d: {  	[sflag:s28] =	ssyncadd.s32 $0xFFFFFE70  }
0x21e: {  	_ =	swait.ge [sflag:s29], $0x190  }
0x21f: {  	[sflag:s29] =	ssyncset.done $0x0  }
0x220: {  	[sflag:s29] =	ssyncadd.s32 $0xFFFFFE70  }
0x221: {  	s1 =	simm.s32 $0x1A2E0;
	[bflag:$0x0] =	sbarrier.arrive $0xFFFF  }
0x222: {  	[tilespmem:s1+$0xFFFFFFE0] =	vst v1  }
0x223: {  	[tilespmem:s1+$0x10] =	vst v1  }
0x224: {  	s6 =	simm.s32 $0x0;
	[tilespmem:s1+$0x0] =	vst v1;
	s5 =	rddreg [dreg:$0xe]  }
.LBB2_25:
0x225: {  	s6 =	sadd.s32 $0x4, s6  }
0x226: {  	[tilespmem:s1+$0xFFFFFFF0] =	vst v1;
	s1 =	sadd.s32 $0x40, s1;
	p1 =	slt.u32 s6, $0x31C  }
.Ltmp11:
0x227: {  	[tilespmem:s1+$0xFFFFFFE0] =	vst v1;
	(pc) =	sbr.rel @p1 .LBB2_25-.Ltmp11, $3  }
0x228: {  	_ =	sdelay $0x1  }
0x229: {  	[tilespmem:s1+$0x10] =	vst v1  }
0x22a: {  	[tilespmem:s1+$0x0] =	vst v1  }
0x22b: {  	s15 =	smul.u32 $0x640000, s5;
	_ =	sdelay $0x1  }
0x22c: {  	[tilespmem:s1+$0xFFFFFFF0] =	vst v1;
	s22 =	rddreg [dreg:$0x6];
	s1 =	sshrl.u32 s15, $0x3  }
0x22d: {  	s1 =	sadd.s32 s22, s1  }
0x22e: {  	s7 =	simm.s32 $0x0;
	s13 =	simm.s32 $0x0;
	s6 =	sadd.s32 $0x64000, s1  }
.LBB2_27:
0x22f: {  	s1 =	sshll.u32 s13, $0x7;
	p1 =	seq.s32 s13, $0x0  }
0x230: {  	s1 =	sadd.s32 s17, s1;
	s5 =	simm.s32 @!p1 $0x2  }
0x231: {  	_ =	swait.ge @!p1 [sflag:s5], $0x1000;
	s11 =	sshll.u32 s1, $0x5  }
0x232: {  	[sflag:s5] =	ssyncset.done @!p1 $0x0;
	s11 =	sand.u32 $0x3FFFFFE0, s11  }
0x233: {  	[sflag:s5] =	ssyncadd.s32 @!p1 $0xFFFFF000;
	s14 =	sadd.s32 s11, s3  }
0x234: {  	[tilespmem:s24], [sflag:$0x6] =	stream.linear.gather [spmem:s14], $0x1000, $0x38;
	[tilespmem:$0x1FF50] =	vst v63  }
0x235: {  	_ =	swait.ge [sflag:s19], $0x1000  }
0x236: {  	s15 =	sadd.s32 $0xFFFFFFFE, s7;
	[sflag:s19] =	ssyncset.done $0x0  }
0x237: {  	s22 =	sadd.s32 $0x2, s15;
	[sflag:s19] =	ssyncadd.s32 $0xFFFFF000  }
0x238: {  	[spmem:s14] =	stream.linear.scatter [tilespmem:s25], [sflag:$0x6], $0x1000, $0x38;
	[tilespmem:$0x1FF50] =	vst v63  }
0x239: {  	s1 =	sadd.s32 s10, s1;
	v3 =	vmov s22;
	_ =	swait.ge [sflag:s19], $0x1000  }
0x23a: {  	v3 =	vand.u32 $0xFFFFFFFE, v3;
	s14 =	sshll.u32 s1, $0x2;
	[sflag:s19] =	ssyncset.done $0x0  }
0x23b: {  	v3 =	vbroadcast v3, $0x0;
	s1 =	sadd.s32 s14, s6;
	[sflag:s19] =	ssyncadd.s32 $0xFFFFF000  }
0x23c: {  	[hbm4b:s1+s4] =	stream.linear.scatter [tilespmem:s24], [sflag:$0x2], $0x1000, $0x38;
	[tilespmem:$0x1FF50] =	vst v63  }
0x23d: {  	s1 =	simm.s32 @!p1 $0x3  }
0x23e: {  	_ =	swait.ge @!p1 [sflag:s1], $0x1000  }
0x23f: {  	[sflag:s1] =	ssyncset.done @!p1 $0x0  }
0x240: {  	[sflag:s1] =	ssyncadd.s32 @!p1 $0xFFFFF000  }
0x241: {  	s11 =	simm.s32 $0x1D4E0;
	v3 =	vld.idx.msk [tilespmem:v3+s18+$0x0], $0xffff  }
0x242: {  	v4 =	vld [tilespmem:s11+$0xFFFFFFE0];
	_ =	sdelay $0x4  }
0x243: {  	v4 =	vmul.f32 v4, v3  }
0x244: {  	s1 =	simm.s32 $0x1C2F0  }
0x245: {  	[tilespmem:s1+$0xFFFFFFD0] =	vst v4  }
0x246: {  	v4 =	vld [tilespmem:s11+$0xFFFFFFF0];
	_ =	sdelay $0x1  }
0x247: {  	s5 =	sadd.s32 $0x3, s15  }
0x248: {  	v5 =	vmov s5;
	_ =	sdelay $0x1  }
0x249: {  	v3 =	vmul.f32 v4, v3;
	_ =	sdelay $0x1  }
0x24a: {  	[tilespmem:s1+$0xFFFFFFE0] =	vst v3  }
0x24b: {  	v3 =	vld.idx.msk [tilespmem:v5+s18+$0x0], $0xffff  }
0x24c: {  	v4 =	vld [tilespmem:s11+$0x0];
	_ =	sdelay $0x4  }
0x24d: {  	s22 =	simm.s32 $0x0;
	v4 =	vmul.f32 v4, v3  }
.LBB2_28:
0x24e: {  	s5 =	sadd.s32 s22, s7;
	s22 =	sadd.s32 $0x2, s22  }
0x24f: {  	s15 =	sadd.s32 $0x2, s5;
	p1 =	slt.u32 s22, $0x7E;
	[tilespmem:s1+$0xFFFFFFF0] =	vst v4  }
0x250: {  	v4 =	vmov s15;
	v5 =	vld [tilespmem:s11+$0x10]  }
0x251: {  	v4 =	vand.u32 $0xFFFFFFFE, v4  }
0x252: {  	v4 =	vbroadcast v4, $0x0;
	_ =	sdelay $0x2  }
0x253: {  	v3 =	vmul.f32 v5, v3;
	_ =	sdelay $0x1  }
0x254: {  	[tilespmem:s1+$0x0] =	vst v3  }
0x255: {  	s11 =	sadd.s32 $0x40, s11;
	v3 =	vld.idx.msk [tilespmem:v4+s18+$0x0], $0xffff  }
0x256: {  	v4 =	vld [tilespmem:s11+$0xFFFFFFE0];
	_ =	sdelay $0x4  }
0x257: {  	v4 =	vmul.f32 v4, v3  }
0x258: {  	s1 =	sadd.s32 $0x40, s1  }
0x259: {  	[tilespmem:s1+$0xFFFFFFD0] =	vst v4  }
0x25a: {  	v4 =	vld [tilespmem:s11+$0xFFFFFFF0];
	_ =	sdelay $0x1  }
0x25b: {  	s5 =	sadd.s32 $0x3, s5  }
0x25c: {  	v5 =	vmov s5;
	_ =	sdelay $0x1  }
0x25d: {  	v3 =	vmul.f32 v4, v3;
	_ =	sdelay $0x1  }
0x25e: {  	[tilespmem:s1+$0xFFFFFFE0] =	vst v3  }
0x25f: {  	v3 =	vld.idx.msk [tilespmem:v5+s18+$0x0], $0xffff  }
0x260: {  	v4 =	vld [tilespmem:s11+$0x0]  }
.Ltmp12:
0x261: {  	(pc) =	sbr.rel @p1 .LBB2_28-.Ltmp12, $2  }
0x262: {  	_ =	sdelay $0x2  }
0x263: {  	v4 =	vmul.f32 v4, v3  }
0x264: {  	_ = 	snop  }
0x265: {  	[tilespmem:s1+$0xFFFFFFF0] =	vst v4  }
0x266: {  	v4 =	vld [tilespmem:s11+$0x10];
	_ =	sdelay $0x1  }
0x267: {  	s13 =	sadd.s32 $0x1, s13  }
0x268: {  	p1 =	sne.s32 s13, $0x19  }
.Ltmp13:
0x269: {  	_ = 	snop;
	(pc) =	sbr.rel @p1 .LBB2_27-.Ltmp13, $3  }
0x26a: {  	v3 =	vmul.f32 v4, v3;
	_ =	sdelay $0x1  }
0x26b: {  	s22 =	sadd.s32 s8, s14;
	s5 =	simm.s32 $0x1C2C0;
	s7 =	sadd.s32 $0x80, s7;
	[tilespmem:s1+$0x0] =	vst v3  }
0x26c: {  	[hbm4b:s22+s4] =	stream.linear.scatter [tilespmem:s5], [sflag:$0x3], $0x1000, $0x38;
	[tilespmem:$0x1FF50] =	vst v63  }
0x26d: {  	_ =	swait.ge [sflag:s28], $0x1000  }
0x26e: {  	[sflag:s28] =	ssyncset.done $0x0  }
0x26f: {  	[sflag:s28] =	ssyncadd.s32 $0xFFFFF000  }
0x270: {  	_ =	swait.ge [sflag:s2], $0x1000  }
0x271: {  	s5 =	rddreg [dreg:$0xe]  }
0x272: {  	s5 =	sadd.s32 $0x1, s5  }
0x273: {  	p1 =	sne.s32 s5, $0x5  }
.Ltmp14:
0x274: {  	_ = 	snop;
	(pc) =	sbr.rel @p1 .LBB2_14-.Ltmp14, $4  }
0x275: {  	[sflag:s2] =	ssyncset.done $0x0  }
0x276: {  	[sflag:s2] =	ssyncadd.s32 $0xFFFFF000  }
0x277: {  	[bflag:$0x0] =	sbarrier.arrive $0xFFFF  }
0x278: {  	s15 =	rddreg [dreg:$0xc]  }
0x279: {  	s6 =	rddreg [dreg:$0xd]  }
0x27a: {  	s1 =	rddreg [dreg:$0xb];
	s6 =	sadd.s32 $0x1, s6  }
0x27b: {  	p1 =	sne.s32 s6, s1  }
.Ltmp15:
0x27c: {  	_ = 	snop;
	(pc) =	sbr.rel @p1 .LBB2_1-.Ltmp15, $3  }
0x27d: {  	_ =	sdelay $0x1  }
0x27e: {  	s5 =	rddreg [dreg:$0x2]  }
0x27f: {  	s13 =	rddreg [dreg:$0x7];
	s14 =	simm.s32 $0x1FDC0  }
0x280: {  	_ =	sfence.sel $0x180000  }
0x281: {  	[bflag:$0x0] =	sbarrier.arrive $0xFFFF  }
0x282: {  	_ =	strace $0x90000047  }
0x283: {  	s0 =	stileid.u32;
	[bflag:$0x2] =	sbarrier.arrive $0xFFFF  }
0x284: {  	p0 =	sne.s32 s0, $0x0;
	s0 =	rddreg [dreg:$0x4]  }
0x285: {  	s0 =	sadd.s32 @!p0 $0x100000, s0  }
0x286: {  	[sflag:s0] =	ssyncadd.tile.s32 @!p0 $0x1;
	_ =	shalt  }
.Lfunc_end2:
_tile_overlayer_lowered:
.L_overlay_start_2:
0x287: {  	(tag) =	ssettag $0x2  }
0x288: {  	s0 =	rddreg [dreg:$0x0];
	s2 =	stileid.u32  }
0x289: {  	s1 =	rddreg [dreg:$0x1];
	p0 =	sne.s32 s2, $0x0  }
0x28a: {  	s3 =	rddreg [dreg:$0x2];
	[bflag:$0x3] =	sbarrier.arrive $0xFFFF;
	s2 =	simm.s32 @!p0 $0x1C06  }
0x28b: {  	[timem:s3], [sflag:s2] =	dma.local @!p0 [hbm:s0], s1  }
0x28c: {  	s0 =	simm.s32 @!p0 $0x6  }
0x28d: {  	_ =	swait.ge @!p0 [sflag:s0], s1  }
0x28e: {  	s1 =	ssub.s32 @!p0 $0x0, s1;
	[sflag:s0] =	ssyncset.done @!p0 $0x0  }
0x28f: {  	[sflag:s0] =	ssyncadd.s32 @!p0 s1  }
0x290: {  	[bflag:$0x3] =	sbarrier.arrive $0xFFFF  }
0x291: {  	_ =	shalt  }

</sc_bundles>
